<compile_context>
chip_gen: v7x
topology: tpu7x:2x2x1
jax: 0.10.2.dev20260603
libtpu: 0.0.44.dev20260713+nightly
codegen_flags: <defaults>
</compile_context>

<pallas_src>
import jax
import jax.numpy as jnp
from jax import lax
from jax.experimental import pallas as pl
from jax.experimental.pallas import tpu as pltpu
from jax.experimental.pallas import tpu_sc as plsc

HIDDEN = 64
VOCAB = 1000000
NUM_CORES = 2
NUM_SUBCORES = 16
NW = NUM_CORES * NUM_SUBCORES
B = 4096
T = 200

MB_COLS = 256
N_MB = VOCAB // MB_COLS
MB_PER_W = 123
TAIL_C0 = N_MB * MB_COLS
H1 = 245 * 2048

def _mesh():
    return plsc.VectorSubcoreMesh(core_axis_name="c", subcore_axis_name="s")


def _wid():
    return lax.axis_index("s") * NUM_CORES + lax.axis_index("c")


_IOTA = None


def _transpose_to_pairs(x_v, p_v, npairs):
    ncols = 2 * npairs
    nq = ncols // 16
    iot = lax.iota(jnp.int32, 16)
    rows = [lax.shift_right_logical(16 * q + iot, 1) for q in range(nq)]
    cols = [lax.shift_left(lax.bitwise_and(16 * q + iot, 1), 6)
            for q in range(nq)]

    @plsc.parallel_loop(0, HIDDEN, unroll=4)
    def _hstep(h):
        hv = jnp.full((16,), 0, jnp.int32) + h
        for q in range(nq):
            v = x_v[h, pl.ds(16 * q, 16)]
            plsc.store_scatter(p_v, [rows[q], cols[q] + hv], v)


def _k1_body(tab_t, tabP, x0, x1, x2, p0, p1, p2, xt,
             rs0, rs1, rs2, ws0, ws1, ws2):
    wid = _wid()
    base = wid * MB_PER_W
    xs = (x0, x1, x2)
    ps = (p0, p1, p2)
    rss = (rs0, rs1, rs2)
    wss = (ws0, ws1, ws2)

    def mb(g):
        return jnp.minimum(base + g, N_MB - 1)

    def read(g, b):
        pltpu.async_copy(tab_t.at[:, pl.ds(mb(g) * MB_COLS, MB_COLS)],
                         xs[b], rss[b])

    def write(g, b):
        pltpu.async_copy(ps[b], tabP.at[pl.ds(mb(g) * (MB_COLS // 2),
                                              MB_COLS // 2), :], wss[b])

    for b in range(3):
        read(b, b)

    def step(g, b, wait_w):
        pltpu.make_async_copy(tab_t.at[:, pl.ds(0, MB_COLS)], xs[b],
                              rss[b]).wait()
        if wait_w:
            pltpu.make_async_copy(ps[b], tabP.at[pl.ds(0, MB_COLS // 2), :],
                                  wss[b]).wait()
        _transpose_to_pairs(xs[b], ps[b], 128)
        read(g + 3, b)
        write(g, b)

    step(0, 0, False)
    step(1, 1, False)
    step(2, 2, False)

    def tri(tt, carry):
        g = 3 * tt
        step(g, 0, True)
        step(g + 1, 1, True)
        step(g + 2, 2, True)
        return carry

    lax.fori_loop(1, MB_PER_W // 3, tri, 0)

    for b in range(3):
        pltpu.make_async_copy(tab_t.at[:, pl.ds(0, MB_COLS)], xs[b],
                              rss[b]).wait()
        pltpu.make_async_copy(ps[b], tabP.at[pl.ds(0, MB_COLS // 2), :],
                              wss[b]).wait()

    @pl.when(wid == NW - 1)
    def _tail():
        c0 = TAIL_C0 + lax.axis_index("c") * 0
        pltpu.sync_copy(tab_t.at[:, pl.ds(c0, 128)], xt)
        _transpose_to_pairs(xt, p0, 32)
        pltpu.sync_copy(p0.at[pl.ds(0, 32), :],
                        tabP.at[pl.ds(TAIL_C0 // 2, 32), :])


def _extract2(g_v, o_v):
    iot = lax.iota(jnp.int32, 16)
    rows = [lax.shift_right_logical(16 * q + iot, 3) for q in range(4)]
    cols = [lax.shift_left(lax.bitwise_and(16 * q + iot, 7), 7)
            for q in range(4)]
    for tt in range(2):
        ttv = jnp.full((16,), tt, jnp.int32)

        @plsc.parallel_loop(0, 128, unroll=8)
        def _cstep(c):
            cv = jnp.full((16,), 0, jnp.int32) + c
            for q in range(4):
                v = g_v[128 * tt + c, pl.ds(16 * q, 16)]
                plsc.store_scatter(o_v, [ttv, rows[q], cols[q] + cv], v)


def _k2_body(ids4, tabv, out5, ids_v, g0, g1, o0, o1,
             gs0, gs1, ws0, ws1):
    wid = _wid()
    pltpu.sync_copy(ids4.at[wid], ids_v)

    @plsc.parallel_loop(0, 25600, step=16, unroll=8)
    def _remap(i):
        v = ids_v[pl.ds(i, 16)]
        adj = jnp.where(v >= H1, 2 * H1 - 1, 0)
        ids_v[pl.ds(i, 16)] = lax.shift_left(v, 1) - adj

    gs = (g0, g1)
    os_ = (o0, o1)
    gss = (gs0, gs1)
    wss = (ws0, ws1)
    nk = T // 2

    def gather(k, b):
        kc = jnp.minimum(k, nk - 1)
        pltpu.async_copy(tabv.at[ids_v.at[pl.ds(256 * kc, 256)]],
                         gs[b], gss[b])

    def write(k, b):
        pltpu.async_copy(os_[b], out5.at[pl.ds(2 * k, 2), :, wid, :], wss[b])

    gather(0, 0)
    gather(1, 1)

    def step(k, b, wait_w):
        pltpu.make_async_copy(tabv.at[ids_v.at[pl.ds(0, 256)]], gs[b],
                              gss[b]).wait()
        if wait_w:
            pltpu.make_async_copy(os_[b], out5.at[pl.ds(0, 2), :, wid, :],
                                  wss[b]).wait()
        _extract2(gs[b], os_[b])
        gather(k + 2, b)
        write(k, b)

    step(0, 0, False)
    step(1, 1, False)

    def pairk(kk, carry):
        k0 = 2 * kk
        step(k0, 0, True)
        step(k0 + 1, 1, True)
        return carry

    lax.fori_loop(1, nk // 2, pairk, 0)

    for b in range(2):
        pltpu.make_async_copy(tabv.at[ids_v.at[pl.ds(0, 256)]], gs[b],
                              gss[b]).wait()
        pltpu.make_async_copy(os_[b], out5.at[pl.ds(0, 2), :, wid, :],
                              wss[b]).wait()


def _k1_tc_body(x1_ref, x2_ref, y_ref):
    y_ref[:, 0:64] = x1_ref[...].T
    y_ref[:, 64:128] = x2_ref[...].T


def _k1b_body(x1_ref, x2_ref, tin_ref, y_ref):
    del tin_ref
    y_ref[:, 0:64] = x1_ref[...].T
    y_ref[:, 64:128] = x2_ref[...].T


@jax.jit
def _embed(ids, table):
    tab_t = table.T

    k1 = pl.pallas_call(
        _k1_tc_body,
        grid=(H1 // 2048,),
        in_specs=[
            pl.BlockSpec((HIDDEN, 2048), lambda i: (0, i)),
            pl.BlockSpec((HIDDEN, 2048),
                         lambda i: (0, jnp.minimum(i + H1 // 2048,
                                                   VOCAB // 2048 - 1))),
        ],
        out_specs=pl.BlockSpec((2048, 128), lambda i: (i, 0)),
        out_shape=jax.ShapeDtypeStruct((H1, 128), jnp.float32),
    )
    tabP = k1(tab_t, tab_t)

    k1b = pl.pallas_call(
        _k1b_body,
        grid=(1,),
        in_specs=[
            pl.BlockSpec((HIDDEN, 1024), lambda i: (0, 497664 // 1024)),
            pl.BlockSpec((HIDDEN, 1024), lambda i: (0, 999424 // 1024)),
            pl.BlockSpec((8, 128), lambda i: (0, 0)),
        ],
        out_specs=pl.BlockSpec((1024, 128), lambda i: (497664 // 1024, 0)),
        out_shape=jax.ShapeDtypeStruct((H1, 128), jnp.float32),
        input_output_aliases={2: 0},
    )
    tabP = k1b(tab_t, tab_t, tabP)
    tabv = tabP.reshape(2 * H1, HIDDEN)

    ids4 = ids.T.reshape(T, NW, 128).transpose(1, 0, 2).reshape(NW, 25600)

    k2 = pl.kernel(
        _k2_body,
        mesh=_mesh(),
        out_type=jax.ShapeDtypeStruct((T, 8, 32, 1024), jnp.float32),
        scratch_types=[
            pltpu.VMEM((25600,), jnp.int32),
        ] + [pltpu.VMEM((256, HIDDEN), jnp.float32)] * 2
          + [pltpu.VMEM((2, 8, 1024), jnp.float32)] * 2
          + [pltpu.SemaphoreType.DMA] * 4,
        compiler_params=pltpu.CompilerParams(use_tc_tiling_on_sc=False,
                                             needs_layout_passes=False,
                                             disable_bounds_checks=True),
    )
    out5 = k2(ids4, tabv)
    out6 = out5.reshape(T, 8, 32, 8, 128)
    return jnp.transpose(out6, (2, 4, 0, 1, 3)).reshape(B, T, HIDDEN)


def kernel(input_ids, embed_tokens_weight):
    return _embed(input_ids.astype(jnp.int32), embed_tokens_weight)

# --- scband reference (transcript-rebuilt; emitter-appended) ---
"""Pipeline reference for scband-mock-inner-model-45303315038427 (READ-ONLY COPY).

The authoritative reference and input builder live on the scoring server;
editing this copy changes nothing except your own understanding.
"""

import jax, jax.numpy as jnp
import numpy as np

VOCAB = 1000000
HIDDEN = 64


def setup_inputs(seed: int = 0) -> dict:
    key = jax.random.key(seed)
    k_idx, k_tab = jax.random.split(key)
    input_ids = jax.random.randint(k_idx, (4096, 200), 0, VOCAB, dtype=jnp.int64 if jax.config.jax_enable_x64 else jnp.int32)
    embed_tokens_weight = jax.random.normal(k_tab, (VOCAB, HIDDEN), dtype=jnp.float32) * 0.02
    return {"input_ids": input_ids, "embed_tokens_weight": embed_tokens_weight}


def reference(input_ids, embed_tokens_weight):
    # _MockInnerModel forward: self.embed_tokens(input_ids)
    return jnp.take(embed_tokens_weight, input_ids, axis=0)

if __name__ == "__main__":
    import jax
    _d = setup_inputs()
    print(jax.jit(kernel)(*tuple(_d.values())))

</pallas_src>

<mosaic_0001>
#map = affine_map<(d0, d1) -> (0, 0)>
#map1 = affine_map<(d0, d1) -> (0, 0, 0, 0)>
module attributes {stable_mosaic.version = 14 : i64} {
  func.func @_k2_body(%arg0: i32, %arg1: i32, %arg2: memref<32x25600xi32, #tpu.memory_space<hbm>>, %arg3: memref<1003520x64xf32, #tpu.memory_space<hbm>>, %arg4: memref<200x8x32x1024xf32, #tpu.memory_space<hbm>>, %arg5: memref<25600xi32, #tpu.memory_space<vmem>>, %arg6: memref<256x64xf32, #tpu.memory_space<vmem>>, %arg7: memref<256x64xf32, #tpu.memory_space<vmem>>, %arg8: memref<2x8x1024xf32, #tpu.memory_space<vmem>>, %arg9: memref<2x8x1024xf32, #tpu.memory_space<vmem>>, %arg10: memref<!tpu.dma_semaphore, #tpu.memory_space<semaphore_mem>>, %arg11: memref<!tpu.dma_semaphore, #tpu.memory_space<semaphore_mem>>, %arg12: memref<!tpu.dma_semaphore, #tpu.memory_space<semaphore_mem>>, %arg13: memref<!tpu.dma_semaphore, #tpu.memory_space<semaphore_mem>>) attributes {dimension_semantics = [#tpu.dimension_semantics<core_parallel>, #tpu.dimension_semantics<subcore_parallel>], iteration_bounds = array<i64: 2, 16>, scalar_prefetch = 0 : i64, scratch_operands = 9 : i64, tpu.core_type = #tpu.core_type<sc_vector_subcore>, window_params = [{transform_indices = #map}, {transform_indices = #map}, {transform_indices = #map1}]} {
    %mul3A = arith.constant 2 : i32
    %mul3A_0 = arith.muli %arg1, %mul3A : i32
    %add3A = arith.addi %mul3A_0, %arg0 : i32
    "tpu.region"() ({
      %run_scoped3A = tpu.sem_alloc : memref<!tpu.dma_semaphore, #tpu.memory_space<semaphore_mem>>
      %dma_start3A_238 = arith.constant 0 : i32
      %dma_start3A_239 = tpu.memref_slice %arg2[%add3A, %dma_start3A_238] : memref<32x25600xi32, #tpu.memory_space<hbm>> -> memref<1x25600xi32, #tpu.memory_space<hbm>>
      %dma_start3A_240 = tpu.memref_squeeze %dma_start3A_239 : memref<1x25600xi32, #tpu.memory_space<hbm>> -> memref<25600xi32, #tpu.memory_space<hbm>>
      %dma_start3A_241 = arith.constant 0 : i32
      %dma_start3A_242 = tpu.memref_slice %arg2[%add3A, %dma_start3A_241] : memref<32x25600xi32, #tpu.memory_space<hbm>> -> memref<1x25600xi32, #tpu.memory_space<hbm>>
      %dma_start3A_243 = tpu.memref_squeeze %dma_start3A_242 : memref<1x25600xi32, #tpu.memory_space<hbm>> -> memref<25600xi32, #tpu.memory_space<hbm>>
      tpu.enqueue_dma source(%dma_start3A_243 : memref<25600xi32, #tpu.memory_space<hbm>>) target(%arg5 : memref<25600xi32, #tpu.memory_space<vmem>>) target_semaphore(%run_scoped3A : memref<!tpu.dma_semaphore, #tpu.memory_space<semaphore_mem>>)
      %dma_wait3A_244 = arith.constant 0 : i32
      %dma_wait3A_245 = tpu.memref_slice %arg2[%add3A, %dma_wait3A_244] : memref<32x25600xi32, #tpu.memory_space<hbm>> -> memref<1x25600xi32, #tpu.memory_space<hbm>>
      %dma_wait3A_246 = tpu.memref_squeeze %dma_wait3A_245 : memref<1x25600xi32, #tpu.memory_space<hbm>> -> memref<25600xi32, #tpu.memory_space<hbm>>
      %dma_wait3A_247 = arith.constant 0 : i32
      %dma_wait3A_248 = tpu.memref_slice %arg2[%add3A, %dma_wait3A_247] : memref<32x25600xi32, #tpu.memory_space<hbm>> -> memref<1x25600xi32, #tpu.memory_space<hbm>>
      %dma_wait3A_249 = tpu.memref_squeeze %dma_wait3A_248 : memref<1x25600xi32, #tpu.memory_space<hbm>> -> memref<25600xi32, #tpu.memory_space<hbm>>
      tpu.wait_dma2 semaphore(%run_scoped3A : memref<!tpu.dma_semaphore, #tpu.memory_space<semaphore_mem>>) src(%dma_wait3A_249 : memref<25600xi32, #tpu.memory_space<hbm>>) dst(%arg5 : memref<25600xi32, #tpu.memory_space<vmem>>)
      tpu.yield
    }) : () -> ()
    %parallel_loop3A = arith.constant 0 : i32
    %parallel_loop3A_1 = arith.constant 25600 : i32
    %parallel_loop3A_2 = arith.constant 16 : i32
    scf.for %parallel_loop3A_238 = %parallel_loop3A to %parallel_loop3A_1 step %parallel_loop3A_2  : i32 {
      %parallel_loop3A_239 = arith.index_cast %parallel_loop3A_238 : i32 to index
      %parallel_loop3A_240 = tpu.vector_load %arg5[%parallel_loop3A_239] {strides = array<i32>} : memref<25600xi32, #tpu.memory_space<vmem>>, vector<16xi32>,
      %parallel_loop3A_241 = arith.constant 501760 : i32
      %parallel_loop3A_242 = vector.broadcast %parallel_loop3A_241 : i32 to vector<16xi32>
      %parallel_loop3A_243 = arith.cmpi sge, %parallel_loop3A_240, %parallel_loop3A_242 : vector<16xi32>
      %parallel_loop3A_244 = arith.constant 1003519 : i32
      %parallel_loop3A_245 = arith.constant 0 : i32
      %parallel_loop3A_246 = vector.broadcast %parallel_loop3A_244 : i32 to vector<16xi32>
      %parallel_loop3A_247 = vector.broadcast %parallel_loop3A_245 : i32 to vector<16xi32>
      %parallel_loop3A_248 = arith.select %parallel_loop3A_243, %parallel_loop3A_246, %parallel_loop3A_247 : vector<16xi1>, vector<16xi32>
      %parallel_loop3A_249 = arith.constant 1 : i32
      %parallel_loop3A_250 = vector.broadcast %parallel_loop3A_249 : i32 to vector<16xi32>
      %parallel_loop3A_251 = arith.shli %parallel_loop3A_240, %parallel_loop3A_250 : vector<16xi32>
      %parallel_loop3A_252 = arith.subi %parallel_loop3A_251, %parallel_loop3A_248 : vector<16xi32>
      %parallel_loop3A_253 = arith.index_cast %parallel_loop3A_238 : i32 to index
      %parallel_loop3A_254 = tpu.vector_load %arg5[%parallel_loop3A_253] {strides = array<i32>} : memref<25600xi32, #tpu.memory_space<vmem>>, vector<16xi32>,
      tpu.vector_store %arg5[%parallel_loop3A_253], %parallel_loop3A_252 {strides = array<i32>} : memref<25600xi32, #tpu.memory_space<vmem>>, vector<16xi32>,
    } {sc.loop_unroll_factor = 8 : i64, sc.parallel_access}
    %min3A = arith.constant 0 : i32
    %min3A_3 = arith.constant 99 : i32
    %min3A_4 = arith.minsi %min3A, %min3A_3 : i32
    %mul3A_5 = arith.constant 256 : i32
    %mul3A_6 = arith.muli %mul3A_5, %min3A_4 : i32
    %dma_start3A = tpu.memref_slice %arg5[%mul3A_6] : memref<25600xi32, #tpu.memory_space<vmem>> -> memref<256xi32, #tpu.memory_space<vmem>>
    %dma_start3A_7 = arith.constant 0 : i32
    %dma_start3A_8 = arith.constant 0 : i32
    %dma_start3A_9 = tpu.memref_slice %arg3[%dma_start3A_7, %dma_start3A_8] : memref<1003520x64xf32, #tpu.memory_space<hbm>> -> memref<1003520x64xf32, #tpu.memory_space<hbm>>
    tpu.enqueue_indirect_dma source(%dma_start3A_9 : memref<1003520x64xf32, #tpu.memory_space<hbm>>) target(%arg6 : memref<256x64xf32, #tpu.memory_space<vmem>>) offsets(%dma_start3A : memref<256xi32, #tpu.memory_space<vmem>>) semaphore(%arg10 : memref<!tpu.dma_semaphore, #tpu.memory_space<semaphore_mem>>)
    %min3A_10 = arith.constant 1 : i32
    %min3A_11 = arith.constant 99 : i32
    %min3A_12 = arith.minsi %min3A_10, %min3A_11 : i32
    %mul3A_13 = arith.constant 256 : i32
    %mul3A_14 = arith.muli %mul3A_13, %min3A_12 : i32
    %dma_start3A_15 = tpu.memref_slice %arg5[%mul3A_14] : memref<25600xi32, #tpu.memory_space<vmem>> -> memref<256xi32, #tpu.memory_space<vmem>>
    %dma_start3A_16 = arith.constant 0 : i32
    %dma_start3A_17 = arith.constant 0 : i32
    %dma_start3A_18 = tpu.memref_slice %arg3[%dma_start3A_16, %dma_start3A_17] : memref<1003520x64xf32, #tpu.memory_space<hbm>> -> memref<1003520x64xf32, #tpu.memory_space<hbm>>
    tpu.enqueue_indirect_dma source(%dma_start3A_18 : memref<1003520x64xf32, #tpu.memory_space<hbm>>) target(%arg7 : memref<256x64xf32, #tpu.memory_space<vmem>>) offsets(%dma_start3A_15 : memref<256xi32, #tpu.memory_space<vmem>>) semaphore(%arg11 : memref<!tpu.dma_semaphore, #tpu.memory_space<semaphore_mem>>)
    %dma_wait3A = arith.constant 0 : i32
    %dma_wait3A_19 = tpu.memref_slice %arg5[%dma_wait3A] : memref<25600xi32, #tpu.memory_space<vmem>> -> memref<256xi32, #tpu.memory_space<vmem>>
    %dma_wait3A_20 = arith.constant 0 : i32
    %dma_wait3A_21 = arith.constant 0 : i32
    %dma_wait3A_22 = tpu.memref_slice %arg3[%dma_wait3A_20, %dma_wait3A_21] : memref<1003520x64xf32, #tpu.memory_space<hbm>> -> memref<1003520x64xf32, #tpu.memory_space<hbm>>
    tpu.wait_indirect_dma semaphore(%arg10 : memref<!tpu.dma_semaphore, #tpu.memory_space<semaphore_mem>>) src(%dma_wait3A_22 : memref<1003520x64xf32, #tpu.memory_space<hbm>>) dst(%arg6 : memref<256x64xf32, #tpu.memory_space<vmem>>)
    %iota3A = tpu.iota {dimensions = array<i32: 0>} : vector<16xi32>
    %add3A_23 = arith.constant 0 : i32
    %add3A_24 = vector.broadcast %add3A_23 : i32 to vector<16xi32>
    %add3A_25 = arith.addi %add3A_24, %iota3A : vector<16xi32>
    %shift_right_logical3A = arith.constant 3 : i32
    %shift_right_logical3A_26 = vector.broadcast %shift_right_logical3A : i32 to vector<16xi32>
    %shift_right_logical3A_27 = arith.shrui %add3A_25, %shift_right_logical3A_26 : vector<16xi32>
    %add3A_28 = arith.constant 16 : i32
    %add3A_29 = vector.broadcast %add3A_28 : i32 to vector<16xi32>
    %add3A_30 = arith.addi %add3A_29, %iota3A : vector<16xi32>
    %shift_right_logical3A_31 = arith.constant 3 : i32
    %shift_right_logical3A_32 = vector.broadcast %shift_right_logical3A_31 : i32 to vector<16xi32>
    %shift_right_logical3A_33 = arith.shrui %add3A_30, %shift_right_logical3A_32 : vector<16xi32>
    %add3A_34 = arith.constant 32 : i32
    %add3A_35 = vector.broadcast %add3A_34 : i32 to vector<16xi32>
    %add3A_36 = arith.addi %add3A_35, %iota3A : vector<16xi32>
    %shift_right_logical3A_37 = arith.constant 3 : i32
    %shift_right_logical3A_38 = vector.broadcast %shift_right_logical3A_37 : i32 to vector<16xi32>
    %shift_right_logical3A_39 = arith.shrui %add3A_36, %shift_right_logical3A_38 : vector<16xi32>
    %add3A_40 = arith.constant 48 : i32
    %add3A_41 = vector.broadcast %add3A_40 : i32 to vector<16xi32>
    %add3A_42 = arith.addi %add3A_41, %iota3A : vector<16xi32>
    %shift_right_logical3A_43 = arith.constant 3 : i32
    %shift_right_logical3A_44 = vector.broadcast %shift_right_logical3A_43 : i32 to vector<16xi32>
    %shift_right_logical3A_45 = arith.shrui %add3A_42, %shift_right_logical3A_44 : vector<16xi32>
    %add3A_46 = arith.constant 0 : i32
    %add3A_47 = vector.broadcast %add3A_46 : i32 to vector<16xi32>
    %add3A_48 = arith.addi %add3A_47, %iota3A : vector<16xi32>
    %and3A = arith.constant 7 : i32
    %and3A_49 = vector.broadcast %and3A : i32 to vector<16xi32>
    %and3A_50 = arith.andi %add3A_48, %and3A_49 : vector<16xi32>
    %shift_left3A = arith.constant 7 : i32
    %shift_left3A_51 = vector.broadcast %shift_left3A : i32 to vector<16xi32>
    %shift_left3A_52 = arith.shli %and3A_50, %shift_left3A_51 : vector<16xi32>
    %add3A_53 = arith.constant 16 : i32
    %add3A_54 = vector.broadcast %add3A_53 : i32 to vector<16xi32>
    %add3A_55 = arith.addi %add3A_54, %iota3A : vector<16xi32>
    %and3A_56 = arith.constant 7 : i32
    %and3A_57 = vector.broadcast %and3A_56 : i32 to vector<16xi32>
    %and3A_58 = arith.andi %add3A_55, %and3A_57 : vector<16xi32>
    %shift_left3A_59 = arith.constant 7 : i32
    %shift_left3A_60 = vector.broadcast %shift_left3A_59 : i32 to vector<16xi32>
    %shift_left3A_61 = arith.shli %and3A_58, %shift_left3A_60 : vector<16xi32>
    %add3A_62 = arith.constant 32 : i32
    %add3A_63 = vector.broadcast %add3A_62 : i32 to vector<16xi32>
    %add3A_64 = arith.addi %add3A_63, %iota3A : vector<16xi32>
    %and3A_65 = arith.constant 7 : i32
    %and3A_66 = vector.broadcast %and3A_65 : i32 to vector<16xi32>
    %and3A_67 = arith.andi %add3A_64, %and3A_66 : vector<16xi32>
    %shift_left3A_68 = arith.constant 7 : i32
    %shift_left3A_69 = vector.broadcast %shift_left3A_68 : i32 to vector<16xi32>
    %shift_left3A_70 = arith.shli %and3A_67, %shift_left3A_69 : vector<16xi32>
    %add3A_71 = arith.constant 48 : i32
    %add3A_72 = vector.broadcast %add3A_71 : i32 to vector<16xi32>
    %add3A_73 = arith.addi %add3A_72, %iota3A : vector<16xi32>
    %and3A_74 = arith.constant 7 : i32
    %and3A_75 = vector.broadcast %and3A_74 : i32 to vector<16xi32>
    %and3A_76 = arith.andi %add3A_73, %and3A_75 : vector<16xi32>
    %shift_left3A_77 = arith.constant 7 : i32
    %shift_left3A_78 = vector.broadcast %shift_left3A_77 : i32 to vector<16xi32>
    %shift_left3A_79 = arith.shli %and3A_76, %shift_left3A_78 : vector<16xi32>
    %broadcast_in_dim3A = arith.constant 0 : i32
    %broadcast_in_dim3A_80 = vector.broadcast %broadcast_in_dim3A : i32 to vector<16xi32>
    %parallel_loop3A_81 = arith.constant 0 : i32
    %parallel_loop3A_82 = arith.constant 128 : i32
    %parallel_loop3A_83 = arith.constant 1 : i32
    scf.for %parallel_loop3A_238 = %parallel_loop3A_81 to %parallel_loop3A_82 step %parallel_loop3A_83  : i32 {
      %parallel_loop3A_239 = arith.constant 0 : i32
      %parallel_loop3A_240 = vector.broadcast %parallel_loop3A_239 : i32 to vector<16xi32>
      %parallel_loop3A_241 = vector.broadcast %parallel_loop3A_238 : i32 to vector<16xi32>
      %parallel_loop3A_242 = arith.addi %parallel_loop3A_240, %parallel_loop3A_241 : vector<16xi32>
      %parallel_loop3A_243 = arith.constant 0 : i32
      %parallel_loop3A_244 = arith.addi %parallel_loop3A_243, %parallel_loop3A_238 : i32
      %parallel_loop3A_245 = arith.index_cast %parallel_loop3A_244 : i32 to index
      %parallel_loop3A_246 = arith.constant 0 : index
      %parallel_loop3A_247 = tpu.vector_load %arg6[%parallel_loop3A_245, %parallel_loop3A_246] {strides = array<i32>} : memref<256x64xf32, #tpu.memory_space<vmem>>, vector<16xf32>,
      %parallel_loop3A_248 = arith.addi %shift_left3A_52, %parallel_loop3A_242 : vector<16xi32>
      tpu.vector_store_idx %arg8[%broadcast_in_dim3A_80, %shift_right_logical3A_27, %parallel_loop3A_248], %parallel_loop3A_247 : memref<2x8x1024xf32, #tpu.memory_space<vmem>>[vector<16xi32>, vector<16xi32>, vector<16xi32>], vector<16xf32>,
      %parallel_loop3A_249 = arith.constant 0 : i32
      %parallel_loop3A_250 = arith.addi %parallel_loop3A_249, %parallel_loop3A_238 : i32
      %parallel_loop3A_251 = arith.index_cast %parallel_loop3A_250 : i32 to index
      %parallel_loop3A_252 = arith.constant 16 : index
      %parallel_loop3A_253 = tpu.vector_load %arg6[%parallel_loop3A_251, %parallel_loop3A_252] {strides = array<i32>} : memref<256x64xf32, #tpu.memory_space<vmem>>, vector<16xf32>,
      %parallel_loop3A_254 = arith.addi %shift_left3A_61, %parallel_loop3A_242 : vector<16xi32>
      tpu.vector_store_idx %arg8[%broadcast_in_dim3A_80, %shift_right_logical3A_33, %parallel_loop3A_254], %parallel_loop3A_253 : memref<2x8x1024xf32, #tpu.memory_space<vmem>>[vector<16xi32>, vector<16xi32>, vector<16xi32>], vector<16xf32>,
      %parallel_loop3A_255 = arith.constant 0 : i32
      %parallel_loop3A_256 = arith.addi %parallel_loop3A_255, %parallel_loop3A_238 : i32
      %parallel_loop3A_257 = arith.index_cast %parallel_loop3A_256 : i32 to index
      %parallel_loop3A_258 = arith.constant 32 : index
      %parallel_loop3A_259 = tpu.vector_load %arg6[%parallel_loop3A_257, %parallel_loop3A_258] {strides = array<i32>} : memref<256x64xf32, #tpu.memory_space<vmem>>, vector<16xf32>,
      %parallel_loop3A_260 = arith.addi %shift_left3A_70, %parallel_loop3A_242 : vector<16xi32>
      tpu.vector_store_idx %arg8[%broadcast_in_dim3A_80, %shift_right_logical3A_39, %parallel_loop3A_260], %parallel_loop3A_259 : memref<2x8x1024xf32, #tpu.memory_space<vmem>>[vector<16xi32>, vector<16xi32>, vector<16xi32>], vector<16xf32>,
      %parallel_loop3A_261 = arith.constant 0 : i32
      %parallel_loop3A_262 = arith.addi %parallel_loop3A_261, %parallel_loop3A_238 : i32
      %parallel_loop3A_263 = arith.index_cast %parallel_loop3A_262 : i32 to index
      %parallel_loop3A_264 = arith.constant 48 : index
      %parallel_loop3A_265 = tpu.vector_load %arg6[%parallel_loop3A_263, %parallel_loop3A_264] {strides = array<i32>} : memref<256x64xf32, #tpu.memory_space<vmem>>, vector<16xf32>,
      %parallel_loop3A_266 = arith.addi %shift_left3A_79, %parallel_loop3A_242 : vector<16xi32>
      tpu.vector_store_idx %arg8[%broadcast_in_dim3A_80, %shift_right_logical3A_45, %parallel_loop3A_266], %parallel_loop3A_265 : memref<2x8x1024xf32, #tpu.memory_space<vmem>>[vector<16xi32>, vector<16xi32>, vector<16xi32>], vector<16xf32>,
    } {sc.loop_unroll_factor = 8 : i64, sc.parallel_access}
    %broadcast_in_dim3A_84 = arith.constant 1 : i32
    %broadcast_in_dim3A_85 = vector.broadcast %broadcast_in_dim3A_84 : i32 to vector<16xi32>
    %parallel_loop3A_86 = arith.constant 0 : i32
    %parallel_loop3A_87 = arith.constant 128 : i32
    %parallel_loop3A_88 = arith.constant 1 : i32
    scf.for %parallel_loop3A_238 = %parallel_loop3A_86 to %parallel_loop3A_87 step %parallel_loop3A_88  : i32 {
      %parallel_loop3A_239 = arith.constant 0 : i32
      %parallel_loop3A_240 = vector.broadcast %parallel_loop3A_239 : i32 to vector<16xi32>
      %parallel_loop3A_241 = vector.broadcast %parallel_loop3A_238 : i32 to vector<16xi32>
      %parallel_loop3A_242 = arith.addi %parallel_loop3A_240, %parallel_loop3A_241 : vector<16xi32>
      %parallel_loop3A_243 = arith.constant 128 : i32
      %parallel_loop3A_244 = arith.addi %parallel_loop3A_243, %parallel_loop3A_238 : i32
      %parallel_loop3A_245 = arith.index_cast %parallel_loop3A_244 : i32 to index
      %parallel_loop3A_246 = arith.constant 0 : index
      %parallel_loop3A_247 = tpu.vector_load %arg6[%parallel_loop3A_245, %parallel_loop3A_246] {strides = array<i32>} : memref<256x64xf32, #tpu.memory_space<vmem>>, vector<16xf32>,
      %parallel_loop3A_248 = arith.addi %shift_left3A_52, %parallel_loop3A_242 : vector<16xi32>
      tpu.vector_store_idx %arg8[%broadcast_in_dim3A_85, %shift_right_logical3A_27, %parallel_loop3A_248], %parallel_loop3A_247 : memref<2x8x1024xf32, #tpu.memory_space<vmem>>[vector<16xi32>, vector<16xi32>, vector<16xi32>], vector<16xf32>,
      %parallel_loop3A_249 = arith.constant 128 : i32
      %parallel_loop3A_250 = arith.addi %parallel_loop3A_249, %parallel_loop3A_238 : i32
      %parallel_loop3A_251 = arith.index_cast %parallel_loop3A_250 : i32 to index
      %parallel_loop3A_252 = arith.constant 16 : index
      %parallel_loop3A_253 = tpu.vector_load %arg6[%parallel_loop3A_251, %parallel_loop3A_252] {strides = array<i32>} : memref<256x64xf32, #tpu.memory_space<vmem>>, vector<16xf32>,
      %parallel_loop3A_254 = arith.addi %shift_left3A_61, %parallel_loop3A_242 : vector<16xi32>
      tpu.vector_store_idx %arg8[%broadcast_in_dim3A_85, %shift_right_logical3A_33, %parallel_loop3A_254], %parallel_loop3A_253 : memref<2x8x1024xf32, #tpu.memory_space<vmem>>[vector<16xi32>, vector<16xi32>, vector<16xi32>], vector<16xf32>,
      %parallel_loop3A_255 = arith.constant 128 : i32
      %parallel_loop3A_256 = arith.addi %parallel_loop3A_255, %parallel_loop3A_238 : i32
      %parallel_loop3A_257 = arith.index_cast %parallel_loop3A_256 : i32 to index
      %parallel_loop3A_258 = arith.constant 32 : index
      %parallel_loop3A_259 = tpu.vector_load %arg6[%parallel_loop3A_257, %parallel_loop3A_258] {strides = array<i32>} : memref<256x64xf32, #tpu.memory_space<vmem>>, vector<16xf32>,
      %parallel_loop3A_260 = arith.addi %shift_left3A_70, %parallel_loop3A_242 : vector<16xi32>
      tpu.vector_store_idx %arg8[%broadcast_in_dim3A_85, %shift_right_logical3A_39, %parallel_loop3A_260], %parallel_loop3A_259 : memref<2x8x1024xf32, #tpu.memory_space<vmem>>[vector<16xi32>, vector<16xi32>, vector<16xi32>], vector<16xf32>,
      %parallel_loop3A_261 = arith.constant 128 : i32
      %parallel_loop3A_262 = arith.addi %parallel_loop3A_261, %parallel_loop3A_238 : i32
      %parallel_loop3A_263 = arith.index_cast %parallel_loop3A_262 : i32 to index
      %parallel_loop3A_264 = arith.constant 48 : index
      %parallel_loop3A_265 = tpu.vector_load %arg6[%parallel_loop3A_263, %parallel_loop3A_264] {strides = array<i32>} : memref<256x64xf32, #tpu.memory_space<vmem>>, vector<16xf32>,
      %parallel_loop3A_266 = arith.addi %shift_left3A_79, %parallel_loop3A_242 : vector<16xi32>
      tpu.vector_store_idx %arg8[%broadcast_in_dim3A_85, %shift_right_logical3A_45, %parallel_loop3A_266], %parallel_loop3A_265 : memref<2x8x1024xf32, #tpu.memory_space<vmem>>[vector<16xi32>, vector<16xi32>, vector<16xi32>], vector<16xf32>,
    } {sc.loop_unroll_factor = 8 : i64, sc.parallel_access}
    %min3A_89 = arith.constant 2 : i32
    %min3A_90 = arith.constant 99 : i32
    %min3A_91 = arith.minsi %min3A_89, %min3A_90 : i32
    %mul3A_92 = arith.constant 256 : i32
    %mul3A_93 = arith.muli %mul3A_92, %min3A_91 : i32
    %dma_start3A_94 = tpu.memref_slice %arg5[%mul3A_93] : memref<25600xi32, #tpu.memory_space<vmem>> -> memref<256xi32, #tpu.memory_space<vmem>>
    %dma_start3A_95 = arith.constant 0 : i32
    %dma_start3A_96 = arith.constant 0 : i32
    %dma_start3A_97 = tpu.memref_slice %arg3[%dma_start3A_95, %dma_start3A_96] : memref<1003520x64xf32, #tpu.memory_space<hbm>> -> memref<1003520x64xf32, #tpu.memory_space<hbm>>
    tpu.enqueue_indirect_dma source(%dma_start3A_97 : memref<1003520x64xf32, #tpu.memory_space<hbm>>) target(%arg6 : memref<256x64xf32, #tpu.memory_space<vmem>>) offsets(%dma_start3A_94 : memref<256xi32, #tpu.memory_space<vmem>>) semaphore(%arg10 : memref<!tpu.dma_semaphore, #tpu.memory_space<semaphore_mem>>)
    %dma_start3A_98 = arith.constant 0 : i32
    %dma_start3A_99 = arith.constant 0 : i32
    %dma_start3A_100 = arith.constant 0 : i32
    %dma_start3A_101 = tpu.memref_slice %arg4[%dma_start3A_98, %dma_start3A_99, %add3A, %dma_start3A_100] : memref<200x8x32x1024xf32, #tpu.memory_space<hbm>> -> memref<2x8x1x1024xf32, #tpu.memory_space<hbm>>
    %dma_start3A_102 = tpu.memref_squeeze %dma_start3A_101 : memref<2x8x1x1024xf32, #tpu.memory_space<hbm>> -> memref<2x8x1024xf32, #tpu.memory_space<hbm>>
    %dma_start3A_103 = arith.constant 0 : i32
    %dma_start3A_104 = arith.constant 0 : i32
    %dma_start3A_105 = arith.constant 0 : i32
    %dma_start3A_106 = tpu.memref_slice %arg4[%dma_start3A_103, %dma_start3A_104, %add3A, %dma_start3A_105] : memref<200x8x32x1024xf32, #tpu.memory_space<hbm>> -> memref<2x8x1x1024xf32, #tpu.memory_space<hbm>>
    %dma_start3A_107 = tpu.memref_squeeze %dma_start3A_106 : memref<2x8x1x1024xf32, #tpu.memory_space<hbm>> -> memref<2x8x1024xf32, #tpu.memory_space<hbm>>
    tpu.enqueue_dma source(%arg8 : memref<2x8x1024xf32, #tpu.memory_space<vmem>>) target(%dma_start3A_107 : memref<2x8x1024xf32, #tpu.memory_space<hbm>>) target_semaphore(%arg12 : memref<!tpu.dma_semaphore, #tpu.memory_space<semaphore_mem>>)
    %dma_wait3A_108 = arith.constant 0 : i32
    %dma_wait3A_109 = tpu.memref_slice %arg5[%dma_wait3A_108] : memref<25600xi32, #tpu.memory_space<vmem>> -> memref<256xi32, #tpu.memory_space<vmem>>
    %dma_wait3A_110 = arith.constant 0 : i32
    %dma_wait3A_111 = arith.constant 0 : i32
    %dma_wait3A_112 = tpu.memref_slice %arg3[%dma_wait3A_110, %dma_wait3A_111] : memref<1003520x64xf32, #tpu.memory_space<hbm>> -> memref<1003520x64xf32, #tpu.memory_space<hbm>>
    tpu.wait_indirect_dma semaphore(%arg11 : memref<!tpu.dma_semaphore, #tpu.memory_space<semaphore_mem>>) src(%dma_wait3A_112 : memref<1003520x64xf32, #tpu.memory_space<hbm>>) dst(%arg7 : memref<256x64xf32, #tpu.memory_space<vmem>>)
    %iota3A_113 = tpu.iota {dimensions = array<i32: 0>} : vector<16xi32>
    %add3A_114 = arith.constant 0 : i32
    %add3A_115 = vector.broadcast %add3A_114 : i32 to vector<16xi32>
    %add3A_116 = arith.addi %add3A_115, %iota3A_113 : vector<16xi32>
    %shift_right_logical3A_117 = arith.constant 3 : i32
    %shift_right_logical3A_118 = vector.broadcast %shift_right_logical3A_117 : i32 to vector<16xi32>
    %shift_right_logical3A_119 = arith.shrui %add3A_116, %shift_right_logical3A_118 : vector<16xi32>
    %add3A_120 = arith.constant 16 : i32
    %add3A_121 = vector.broadcast %add3A_120 : i32 to vector<16xi32>
    %add3A_122 = arith.addi %add3A_121, %iota3A_113 : vector<16xi32>
    %shift_right_logical3A_123 = arith.constant 3 : i32
    %shift_right_logical3A_124 = vector.broadcast %shift_right_logical3A_123 : i32 to vector<16xi32>
    %shift_right_logical3A_125 = arith.shrui %add3A_122, %shift_right_logical3A_124 : vector<16xi32>
    %add3A_126 = arith.constant 32 : i32
    %add3A_127 = vector.broadcast %add3A_126 : i32 to vector<16xi32>
    %add3A_128 = arith.addi %add3A_127, %iota3A_113 : vector<16xi32>
    %shift_right_logical3A_129 = arith.constant 3 : i32
    %shift_right_logical3A_130 = vector.broadcast %shift_right_logical3A_129 : i32 to vector<16xi32>
    %shift_right_logical3A_131 = arith.shrui %add3A_128, %shift_right_logical3A_130 : vector<16xi32>
    %add3A_132 = arith.constant 48 : i32
    %add3A_133 = vector.broadcast %add3A_132 : i32 to vector<16xi32>
    %add3A_134 = arith.addi %add3A_133, %iota3A_113 : vector<16xi32>
    %shift_right_logical3A_135 = arith.constant 3 : i32
    %shift_right_logical3A_136 = vector.broadcast %shift_right_logical3A_135 : i32 to vector<16xi32>
    %shift_right_logical3A_137 = arith.shrui %add3A_134, %shift_right_logical3A_136 : vector<16xi32>
    %add3A_138 = arith.constant 0 : i32
    %add3A_139 = vector.broadcast %add3A_138 : i32 to vector<16xi32>
    %add3A_140 = arith.addi %add3A_139, %iota3A_113 : vector<16xi32>
    %and3A_141 = arith.constant 7 : i32
    %and3A_142 = vector.broadcast %and3A_141 : i32 to vector<16xi32>
    %and3A_143 = arith.andi %add3A_140, %and3A_142 : vector<16xi32>
    %shift_left3A_144 = arith.constant 7 : i32
    %shift_left3A_145 = vector.broadcast %shift_left3A_144 : i32 to vector<16xi32>
    %shift_left3A_146 = arith.shli %and3A_143, %shift_left3A_145 : vector<16xi32>
    %add3A_147 = arith.constant 16 : i32
    %add3A_148 = vector.broadcast %add3A_147 : i32 to vector<16xi32>
    %add3A_149 = arith.addi %add3A_148, %iota3A_113 : vector<16xi32>
    %and3A_150 = arith.constant 7 : i32
    %and3A_151 = vector.broadcast %and3A_150 : i32 to vector<16xi32>
    %and3A_152 = arith.andi %add3A_149, %and3A_151 : vector<16xi32>
    %shift_left3A_153 = arith.constant 7 : i32
    %shift_left3A_154 = vector.broadcast %shift_left3A_153 : i32 to vector<16xi32>
    %shift_left3A_155 = arith.shli %and3A_152, %shift_left3A_154 : vector<16xi32>
    %add3A_156 = arith.constant 32 : i32
    %add3A_157 = vector.broadcast %add3A_156 : i32 to vector<16xi32>
    %add3A_158 = arith.addi %add3A_157, %iota3A_113 : vector<16xi32>
    %and3A_159 = arith.constant 7 : i32
    %and3A_160 = vector.broadcast %and3A_159 : i32 to vector<16xi32>
    %and3A_161 = arith.andi %add3A_158, %and3A_160 : vector<16xi32>
    %shift_left3A_162 = arith.constant 7 : i32
    %shift_left3A_163 = vector.broadcast %shift_left3A_162 : i32 to vector<16xi32>
    %shift_left3A_164 = arith.shli %and3A_161, %shift_left3A_163 : vector<16xi32>
    %add3A_165 = arith.constant 48 : i32
    %add3A_166 = vector.broadcast %add3A_165 : i32 to vector<16xi32>
    %add3A_167 = arith.addi %add3A_166, %iota3A_113 : vector<16xi32>
    %and3A_168 = arith.constant 7 : i32
    %and3A_169 = vector.broadcast %and3A_168 : i32 to vector<16xi32>
    %and3A_170 = arith.andi %add3A_167, %and3A_169 : vector<16xi32>
    %shift_left3A_171 = arith.constant 7 : i32
    %shift_left3A_172 = vector.broadcast %shift_left3A_171 : i32 to vector<16xi32>
    %shift_left3A_173 = arith.shli %and3A_170, %shift_left3A_172 : vector<16xi32>
    %broadcast_in_dim3A_174 = arith.constant 0 : i32
    %broadcast_in_dim3A_175 = vector.broadcast %broadcast_in_dim3A_174 : i32 to vector<16xi32>
    %parallel_loop3A_176 = arith.constant 0 : i32
    %parallel_loop3A_177 = arith.constant 128 : i32
    %parallel_loop3A_178 = arith.constant 1 : i32
    scf.for %parallel_loop3A_238 = %parallel_loop3A_176 to %parallel_loop3A_177 step %parallel_loop3A_178  : i32 {
      %parallel_loop3A_239 = arith.constant 0 : i32
      %parallel_loop3A_240 = vector.broadcast %parallel_loop3A_239 : i32 to vector<16xi32>
      %parallel_loop3A_241 = vector.broadcast %parallel_loop3A_238 : i32 to vector<16xi32>
      %parallel_loop3A_242 = arith.addi %parallel_loop3A_240, %parallel_loop3A_241 : vector<16xi32>
      %parallel_loop3A_243 = arith.constant 0 : i32
      %parallel_loop3A_244 = arith.addi %parallel_loop3A_243, %parallel_loop3A_238 : i32
      %parallel_loop3A_245 = arith.index_cast %parallel_loop3A_244 : i32 to index
      %parallel_loop3A_246 = arith.constant 0 : index
      %parallel_loop3A_247 = tpu.vector_load %arg7[%parallel_loop3A_245, %parallel_loop3A_246] {strides = array<i32>} : memref<256x64xf32, #tpu.memory_space<vmem>>, vector<16xf32>,
      %parallel_loop3A_248 = arith.addi %shift_left3A_146, %parallel_loop3A_242 : vector<16xi32>
      tpu.vector_store_idx %arg9[%broadcast_in_dim3A_175, %shift_right_logical3A_119, %parallel_loop3A_248], %parallel_loop3A_247 : memref<2x8x1024xf32, #tpu.memory_space<vmem>>[vector<16xi32>, vector<16xi32>, vector<16xi32>], vector<16xf32>,
      %parallel_loop3A_249 = arith.constant 0 : i32
      %parallel_loop3A_250 = arith.addi %parallel_loop3A_249, %parallel_loop3A_238 : i32
      %parallel_loop3A_251 = arith.index_cast %parallel_loop3A_250 : i32 to index
      %parallel_loop3A_252 = arith.constant 16 : index
      %parallel_loop3A_253 = tpu.vector_load %arg7[%parallel_loop3A_251, %parallel_loop3A_252] {strides = array<i32>} : memref<256x64xf32, #tpu.memory_space<vmem>>, vector<16xf32>,
      %parallel_loop3A_254 = arith.addi %shift_left3A_155, %parallel_loop3A_242 : vector<16xi32>
      tpu.vector_store_idx %arg9[%broadcast_in_dim3A_175, %shift_right_logical3A_125, %parallel_loop3A_254], %parallel_loop3A_253 : memref<2x8x1024xf32, #tpu.memory_space<vmem>>[vector<16xi32>, vector<16xi32>, vector<16xi32>], vector<16xf32>,
      %parallel_loop3A_255 = arith.constant 0 : i32
      %parallel_loop3A_256 = arith.addi %parallel_loop3A_255, %parallel_loop3A_238 : i32
      %parallel_loop3A_257 = arith.index_cast %parallel_loop3A_256 : i32 to index
      %parallel_loop3A_258 = arith.constant 32 : index
      %parallel_loop3A_259 = tpu.vector_load %arg7[%parallel_loop3A_257, %parallel_loop3A_258] {strides = array<i32>} : memref<256x64xf32, #tpu.memory_space<vmem>>, vector<16xf32>,
      %parallel_loop3A_260 = arith.addi %shift_left3A_164, %parallel_loop3A_242 : vector<16xi32>
      tpu.vector_store_idx %arg9[%broadcast_in_dim3A_175, %shift_right_logical3A_131, %parallel_loop3A_260], %parallel_loop3A_259 : memref<2x8x1024xf32, #tpu.memory_space<vmem>>[vector<16xi32>, vector<16xi32>, vector<16xi32>], vector<16xf32>,
      %parallel_loop3A_261 = arith.constant 0 : i32
      %parallel_loop3A_262 = arith.addi %parallel_loop3A_261, %parallel_loop3A_238 : i32
      %parallel_loop3A_263 = arith.index_cast %parallel_loop3A_262 : i32 to index
      %parallel_loop3A_264 = arith.constant 48 : index
      %parallel_loop3A_265 = tpu.vector_load %arg7[%parallel_loop3A_263, %parallel_loop3A_264] {strides = array<i32>} : memref<256x64xf32, #tpu.memory_space<vmem>>, vector<16xf32>,
      %parallel_loop3A_266 = arith.addi %shift_left3A_173, %parallel_loop3A_242 : vector<16xi32>
      tpu.vector_store_idx %arg9[%broadcast_in_dim3A_175, %shift_right_logical3A_137, %parallel_loop3A_266], %parallel_loop3A_265 : memref<2x8x1024xf32, #tpu.memory_space<vmem>>[vector<16xi32>, vector<16xi32>, vector<16xi32>], vector<16xf32>,
    } {sc.loop_unroll_factor = 8 : i64, sc.parallel_access}
    %broadcast_in_dim3A_179 = arith.constant 1 : i32
    %broadcast_in_dim3A_180 = vector.broadcast %broadcast_in_dim3A_179 : i32 to vector<16xi32>
    %parallel_loop3A_181 = arith.constant 0 : i32
    %parallel_loop3A_182 = arith.constant 128 : i32
    %parallel_loop3A_183 = arith.constant 1 : i32
    scf.for %parallel_loop3A_238 = %parallel_loop3A_181 to %parallel_loop3A_182 step %parallel_loop3A_183  : i32 {
      %parallel_loop3A_239 = arith.constant 0 : i32
      %parallel_loop3A_240 = vector.broadcast %parallel_loop3A_239 : i32 to vector<16xi32>
      %parallel_loop3A_241 = vector.broadcast %parallel_loop3A_238 : i32 to vector<16xi32>
      %parallel_loop3A_242 = arith.addi %parallel_loop3A_240, %parallel_loop3A_241 : vector<16xi32>
      %parallel_loop3A_243 = arith.constant 128 : i32
      %parallel_loop3A_244 = arith.addi %parallel_loop3A_243, %parallel_loop3A_238 : i32
      %parallel_loop3A_245 = arith.index_cast %parallel_loop3A_244 : i32 to index
      %parallel_loop3A_246 = arith.constant 0 : index
      %parallel_loop3A_247 = tpu.vector_load %arg7[%parallel_loop3A_245, %parallel_loop3A_246] {strides = array<i32>} : memref<256x64xf32, #tpu.memory_space<vmem>>, vector<16xf32>,
      %parallel_loop3A_248 = arith.addi %shift_left3A_146, %parallel_loop3A_242 : vector<16xi32>
      tpu.vector_store_idx %arg9[%broadcast_in_dim3A_180, %shift_right_logical3A_119, %parallel_loop3A_248], %parallel_loop3A_247 : memref<2x8x1024xf32, #tpu.memory_space<vmem>>[vector<16xi32>, vector<16xi32>, vector<16xi32>], vector<16xf32>,
      %parallel_loop3A_249 = arith.constant 128 : i32
      %parallel_loop3A_250 = arith.addi %parallel_loop3A_249, %parallel_loop3A_238 : i32
      %parallel_loop3A_251 = arith.index_cast %parallel_loop3A_250 : i32 to index
      %parallel_loop3A_252 = arith.constant 16 : index
      %parallel_loop3A_253 = tpu.vector_load %arg7[%parallel_loop3A_251, %parallel_loop3A_252] {strides = array<i32>} : memref<256x64xf32, #tpu.memory_space<vmem>>, vector<16xf32>,
      %parallel_loop3A_254 = arith.addi %shift_left3A_155, %parallel_loop3A_242 : vector<16xi32>
      tpu.vector_store_idx %arg9[%broadcast_in_dim3A_180, %shift_right_logical3A_125, %parallel_loop3A_254], %parallel_loop3A_253 : memref<2x8x1024xf32, #tpu.memory_space<vmem>>[vector<16xi32>, vector<16xi32>, vector<16xi32>], vector<16xf32>,
      %parallel_loop3A_255 = arith.constant 128 : i32
      %parallel_loop3A_256 = arith.addi %parallel_loop3A_255, %parallel_loop3A_238 : i32
      %parallel_loop3A_257 = arith.index_cast %parallel_loop3A_256 : i32 to index
      %parallel_loop3A_258 = arith.constant 32 : index
      %parallel_loop3A_259 = tpu.vector_load %arg7[%parallel_loop3A_257, %parallel_loop3A_258] {strides = array<i32>} : memref<256x64xf32, #tpu.memory_space<vmem>>, vector<16xf32>,
      %parallel_loop3A_260 = arith.addi %shift_left3A_164, %parallel_loop3A_242 : vector<16xi32>
      tpu.vector_store_idx %arg9[%broadcast_in_dim3A_180, %shift_right_logical3A_131, %parallel_loop3A_260], %parallel_loop3A_259 : memref<2x8x1024xf32, #tpu.memory_space<vmem>>[vector<16xi32>, vector<16xi32>, vector<16xi32>], vector<16xf32>,
      %parallel_loop3A_261 = arith.constant 128 : i32
      %parallel_loop3A_262 = arith.addi %parallel_loop3A_261, %parallel_loop3A_238 : i32
      %parallel_loop3A_263 = arith.index_cast %parallel_loop3A_262 : i32 to index
      %parallel_loop3A_264 = arith.constant 48 : index
      %parallel_loop3A_265 = tpu.vector_load %arg7[%parallel_loop3A_263, %parallel_loop3A_264] {strides = array<i32>} : memref<256x64xf32, #tpu.memory_space<vmem>>, vector<16xf32>,
      %parallel_loop3A_266 = arith.addi %shift_left3A_173, %parallel_loop3A_242 : vector<16xi32>
      tpu.vector_store_idx %arg9[%broadcast_in_dim3A_180, %shift_right_logical3A_137, %parallel_loop3A_266], %parallel_loop3A_265 : memref<2x8x1024xf32, #tpu.memory_space<vmem>>[vector<16xi32>, vector<16xi32>, vector<16xi32>], vector<16xf32>,
    } {sc.loop_unroll_factor = 8 : i64, sc.parallel_access}
    %min3A_184 = arith.constant 3 : i32
    %min3A_185 = arith.constant 99 : i32
    %min3A_186 = arith.minsi %min3A_184, %min3A_185 : i32
    %mul3A_187 = arith.constant 256 : i32
    %mul3A_188 = arith.muli %mul3A_187, %min3A_186 : i32
    %dma_start3A_189 = tpu.memref_slice %arg5[%mul3A_188] : memref<25600xi32, #tpu.memory_space<vmem>> -> memref<256xi32, #tpu.memory_space<vmem>>
    %dma_start3A_190 = arith.constant 0 : i32
    %dma_start3A_191 = arith.constant 0 : i32
    %dma_start3A_192 = tpu.memref_slice %arg3[%dma_start3A_190, %dma_start3A_191] : memref<1003520x64xf32, #tpu.memory_space<hbm>> -> memref<1003520x64xf32, #tpu.memory_space<hbm>>
    tpu.enqueue_indirect_dma source(%dma_start3A_192 : memref<1003520x64xf32, #tpu.memory_space<hbm>>) target(%arg7 : memref<256x64xf32, #tpu.memory_space<vmem>>) offsets(%dma_start3A_189 : memref<256xi32, #tpu.memory_space<vmem>>) semaphore(%arg11 : memref<!tpu.dma_semaphore, #tpu.memory_space<semaphore_mem>>)
    %dma_start3A_193 = arith.constant 2 : i32
    %dma_start3A_194 = arith.constant 0 : i32
    %dma_start3A_195 = arith.constant 0 : i32
    %dma_start3A_196 = tpu.memref_slice %arg4[%dma_start3A_193, %dma_start3A_194, %add3A, %dma_start3A_195] : memref<200x8x32x1024xf32, #tpu.memory_space<hbm>> -> memref<2x8x1x1024xf32, #tpu.memory_space<hbm>>
    %dma_start3A_197 = tpu.memref_squeeze %dma_start3A_196 : memref<2x8x1x1024xf32, #tpu.memory_space<hbm>> -> memref<2x8x1024xf32, #tpu.memory_space<hbm>>
    %dma_start3A_198 = arith.constant 2 : i32
    %dma_start3A_199 = arith.constant 0 : i32
    %dma_start3A_200 = arith.constant 0 : i32
    %dma_start3A_201 = tpu.memref_slice %arg4[%dma_start3A_198, %dma_start3A_199, %add3A, %dma_start3A_200] : memref<200x8x32x1024xf32, #tpu.memory_space<hbm>> -> memref<2x8x1x1024xf32, #tpu.memory_space<hbm>>
    %dma_start3A_202 = tpu.memref_squeeze %dma_start3A_201 : memref<2x8x1x1024xf32, #tpu.memory_space<hbm>> -> memref<2x8x1024xf32, #tpu.memory_space<hbm>>
    tpu.enqueue_dma source(%arg9 : memref<2x8x1024xf32, #tpu.memory_space<vmem>>) target(%dma_start3A_202 : memref<2x8x1024xf32, #tpu.memory_space<hbm>>) target_semaphore(%arg13 : memref<!tpu.dma_semaphore, #tpu.memory_space<semaphore_mem>>)
    %scan3A = arith.constant 0 : i32
    %scan3A_203 = arith.constant 1 : i32
    %scan3A_204 = arith.constant 49 : i32
    %scan3A_205 = arith.addi %scan3A_203, %scan3A_204 : i32
    %scan3A_206 = arith.constant 1 : i32
    scf.for %scan3A_238 = %scan3A_203 to %scan3A_205 step %scan3A_206  : i32 {
      %mul3A_239 = arith.constant 2 : i32
      %mul3A_240 = arith.muli %mul3A_239, %scan3A_238 : i32
      %dma_wait3A_241 = arith.constant 0 : i32
      %dma_wait3A_242 = tpu.memref_slice %arg5[%dma_wait3A_241] : memref<25600xi32, #tpu.memory_space<vmem>> -> memref<256xi32, #tpu.memory_space<vmem>>
      %dma_wait3A_243 = arith.constant 0 : i32
      %dma_wait3A_244 = arith.constant 0 : i32
      %dma_wait3A_245 = tpu.memref_slice %arg3[%dma_wait3A_243, %dma_wait3A_244] : memref<1003520x64xf32, #tpu.memory_space<hbm>> -> memref<1003520x64xf32, #tpu.memory_space<hbm>>
      tpu.wait_indirect_dma semaphore(%arg10 : memref<!tpu.dma_semaphore, #tpu.memory_space<semaphore_mem>>) src(%dma_wait3A_245 : memref<1003520x64xf32, #tpu.memory_space<hbm>>) dst(%arg6 : memref<256x64xf32, #tpu.memory_space<vmem>>)
      %dma_wait3A_246 = arith.constant 0 : i32
      %dma_wait3A_247 = arith.constant 0 : i32
      %dma_wait3A_248 = arith.constant 0 : i32
      %dma_wait3A_249 = tpu.memref_slice %arg4[%dma_wait3A_246, %dma_wait3A_247, %add3A, %dma_wait3A_248] : memref<200x8x32x1024xf32, #tpu.memory_space<hbm>> -> memref<2x8x1x1024xf32, #tpu.memory_space<hbm>>
      %dma_wait3A_250 = tpu.memref_squeeze %dma_wait3A_249 : memref<2x8x1x1024xf32, #tpu.memory_space<hbm>> -> memref<2x8x1024xf32, #tpu.memory_space<hbm>>
      %dma_wait3A_251 = arith.constant 0 : i32
      %dma_wait3A_252 = arith.constant 0 : i32
      %dma_wait3A_253 = arith.constant 0 : i32
      %dma_wait3A_254 = tpu.memref_slice %arg4[%dma_wait3A_251, %dma_wait3A_252, %add3A, %dma_wait3A_253] : memref<200x8x32x1024xf32, #tpu.memory_space<hbm>> -> memref<2x8x1x1024xf32, #tpu.memory_space<hbm>>
      %dma_wait3A_255 = tpu.memref_squeeze %dma_wait3A_254 : memref<2x8x1x1024xf32, #tpu.memory_space<hbm>> -> memref<2x8x1024xf32, #tpu.memory_space<hbm>>
      tpu.wait_dma2 semaphore(%arg12 : memref<!tpu.dma_semaphore, #tpu.memory_space<semaphore_mem>>) src(%arg8 : memref<2x8x1024xf32, #tpu.memory_space<vmem>>) dst(%dma_wait3A_255 : memref<2x8x1024xf32, #tpu.memory_space<hbm>>)
      %iota3A_256 = tpu.iota {dimensions = array<i32: 0>} : vector<16xi32>
      %add3A_257 = arith.constant 0 : i32
      %add3A_258 = vector.broadcast %add3A_257 : i32 to vector<16xi32>
      %add3A_259 = arith.addi %add3A_258, %iota3A_256 : vector<16xi32>
      %shift_right_logical3A_260 = arith.constant 3 : i32
      %shift_right_logical3A_261 = vector.broadcast %shift_right_logical3A_260 : i32 to vector<16xi32>
      %shift_right_logical3A_262 = arith.shrui %add3A_259, %shift_right_logical3A_261 : vector<16xi32>
      %add3A_263 = arith.constant 16 : i32
      %add3A_264 = vector.broadcast %add3A_263 : i32 to vector<16xi32>
      %add3A_265 = arith.addi %add3A_264, %iota3A_256 : vector<16xi32>
      %shift_right_logical3A_266 = arith.constant 3 : i32
      %shift_right_logical3A_267 = vector.broadcast %shift_right_logical3A_266 : i32 to vector<16xi32>
      %shift_right_logical3A_268 = arith.shrui %add3A_265, %shift_right_logical3A_267 : vector<16xi32>
      %add3A_269 = arith.constant 32 : i32
      %add3A_270 = vector.broadcast %add3A_269 : i32 to vector<16xi32>
      %add3A_271 = arith.addi %add3A_270, %iota3A_256 : vector<16xi32>
      %shift_right_logical3A_272 = arith.constant 3 : i32
      %shift_right_logical3A_273 = vector.broadcast %shift_right_logical3A_272 : i32 to vector<16xi32>
      %shift_right_logical3A_274 = arith.shrui %add3A_271, %shift_right_logical3A_273 : vector<16xi32>
      %add3A_275 = arith.constant 48 : i32
      %add3A_276 = vector.broadcast %add3A_275 : i32 to vector<16xi32>
      %add3A_277 = arith.addi %add3A_276, %iota3A_256 : vector<16xi32>
      %shift_right_logical3A_278 = arith.constant 3 : i32
      %shift_right_logical3A_279 = vector.broadcast %shift_right_logical3A_278 : i32 to vector<16xi32>
      %shift_right_logical3A_280 = arith.shrui %add3A_277, %shift_right_logical3A_279 : vector<16xi32>
      %add3A_281 = arith.constant 0 : i32
      %add3A_282 = vector.broadcast %add3A_281 : i32 to vector<16xi32>
      %add3A_283 = arith.addi %add3A_282, %iota3A_256 : vector<16xi32>
      %and3A_284 = arith.constant 7 : i32
      %and3A_285 = vector.broadcast %and3A_284 : i32 to vector<16xi32>
      %and3A_286 = arith.andi %add3A_283, %and3A_285 : vector<16xi32>
      %shift_left3A_287 = arith.constant 7 : i32
      %shift_left3A_288 = vector.broadcast %shift_left3A_287 : i32 to vector<16xi32>
      %shift_left3A_289 = arith.shli %and3A_286, %shift_left3A_288 : vector<16xi32>
      %add3A_290 = arith.constant 16 : i32
      %add3A_291 = vector.broadcast %add3A_290 : i32 to vector<16xi32>
      %add3A_292 = arith.addi %add3A_291, %iota3A_256 : vector<16xi32>
      %and3A_293 = arith.constant 7 : i32
      %and3A_294 = vector.broadcast %and3A_293 : i32 to vector<16xi32>
      %and3A_295 = arith.andi %add3A_292, %and3A_294 : vector<16xi32>
      %shift_left3A_296 = arith.constant 7 : i32
      %shift_left3A_297 = vector.broadcast %shift_left3A_296 : i32 to vector<16xi32>
      %shift_left3A_298 = arith.shli %and3A_295, %shift_left3A_297 : vector<16xi32>
      %add3A_299 = arith.constant 32 : i32
      %add3A_300 = vector.broadcast %add3A_299 : i32 to vector<16xi32>
      %add3A_301 = arith.addi %add3A_300, %iota3A_256 : vector<16xi32>
      %and3A_302 = arith.constant 7 : i32
      %and3A_303 = vector.broadcast %and3A_302 : i32 to vector<16xi32>
      %and3A_304 = arith.andi %add3A_301, %and3A_303 : vector<16xi32>
      %shift_left3A_305 = arith.constant 7 : i32
      %shift_left3A_306 = vector.broadcast %shift_left3A_305 : i32 to vector<16xi32>
      %shift_left3A_307 = arith.shli %and3A_304, %shift_left3A_306 : vector<16xi32>
      %add3A_308 = arith.constant 48 : i32
      %add3A_309 = vector.broadcast %add3A_308 : i32 to vector<16xi32>
      %add3A_310 = arith.addi %add3A_309, %iota3A_256 : vector<16xi32>
      %and3A_311 = arith.constant 7 : i32
      %and3A_312 = vector.broadcast %and3A_311 : i32 to vector<16xi32>
      %and3A_313 = arith.andi %add3A_310, %and3A_312 : vector<16xi32>
      %shift_left3A_314 = arith.constant 7 : i32
      %shift_left3A_315 = vector.broadcast %shift_left3A_314 : i32 to vector<16xi32>
      %shift_left3A_316 = arith.shli %and3A_313, %shift_left3A_315 : vector<16xi32>
      %broadcast_in_dim3A_317 = arith.constant 0 : i32
      %broadcast_in_dim3A_318 = vector.broadcast %broadcast_in_dim3A_317 : i32 to vector<16xi32>
      %parallel_loop3A_319 = arith.constant 0 : i32
      %parallel_loop3A_320 = arith.constant 128 : i32
      %parallel_loop3A_321 = arith.constant 1 : i32
      scf.for %parallel_loop3A_455 = %parallel_loop3A_319 to %parallel_loop3A_320 step %parallel_loop3A_321  : i32 {
        %parallel_loop3A_456 = arith.constant 0 : i32
        %parallel_loop3A_457 = vector.broadcast %parallel_loop3A_456 : i32 to vector<16xi32>
        %parallel_loop3A_458 = vector.broadcast %parallel_loop3A_455 : i32 to vector<16xi32>
        %parallel_loop3A_459 = arith.addi %parallel_loop3A_457, %parallel_loop3A_458 : vector<16xi32>
        %parallel_loop3A_460 = arith.constant 0 : i32
        %parallel_loop3A_461 = arith.addi %parallel_loop3A_460, %parallel_loop3A_455 : i32
        %parallel_loop3A_462 = arith.index_cast %parallel_loop3A_461 : i32 to index
        %parallel_loop3A_463 = arith.constant 0 : index
        %parallel_loop3A_464 = tpu.vector_load %arg6[%parallel_loop3A_462, %parallel_loop3A_463] {strides = array<i32>} : memref<256x64xf32, #tpu.memory_space<vmem>>, vector<16xf32>,
        %parallel_loop3A_465 = arith.addi %shift_left3A_289, %parallel_loop3A_459 : vector<16xi32>
        tpu.vector_store_idx %arg8[%broadcast_in_dim3A_318, %shift_right_logical3A_262, %parallel_loop3A_465], %parallel_loop3A_464 : memref<2x8x1024xf32, #tpu.memory_space<vmem>>[vector<16xi32>, vector<16xi32>, vector<16xi32>], vector<16xf32>,
        %parallel_loop3A_466 = arith.constant 0 : i32
        %parallel_loop3A_467 = arith.addi %parallel_loop3A_466, %parallel_loop3A_455 : i32
        %parallel_loop3A_468 = arith.index_cast %parallel_loop3A_467 : i32 to index
        %parallel_loop3A_469 = arith.constant 16 : index
        %parallel_loop3A_470 = tpu.vector_load %arg6[%parallel_loop3A_468, %parallel_loop3A_469] {strides = array<i32>} : memref<256x64xf32, #tpu.memory_space<vmem>>, vector<16xf32>,
        %parallel_loop3A_471 = arith.addi %shift_left3A_298, %parallel_loop3A_459 : vector<16xi32>
        tpu.vector_store_idx %arg8[%broadcast_in_dim3A_318, %shift_right_logical3A_268, %parallel_loop3A_471], %parallel_loop3A_470 : memref<2x8x1024xf32, #tpu.memory_space<vmem>>[vector<16xi32>, vector<16xi32>, vector<16xi32>], vector<16xf32>,
        %parallel_loop3A_472 = arith.constant 0 : i32
        %parallel_loop3A_473 = arith.addi %parallel_loop3A_472, %parallel_loop3A_455 : i32
        %parallel_loop3A_474 = arith.index_cast %parallel_loop3A_473 : i32 to index
        %parallel_loop3A_475 = arith.constant 32 : index
        %parallel_loop3A_476 = tpu.vector_load %arg6[%parallel_loop3A_474, %parallel_loop3A_475] {strides = array<i32>} : memref<256x64xf32, #tpu.memory_space<vmem>>, vector<16xf32>,
        %parallel_loop3A_477 = arith.addi %shift_left3A_307, %parallel_loop3A_459 : vector<16xi32>
        tpu.vector_store_idx %arg8[%broadcast_in_dim3A_318, %shift_right_logical3A_274, %parallel_loop3A_477], %parallel_loop3A_476 : memref<2x8x1024xf32, #tpu.memory_space<vmem>>[vector<16xi32>, vector<16xi32>, vector<16xi32>], vector<16xf32>,
        %parallel_loop3A_478 = arith.constant 0 : i32
        %parallel_loop3A_479 = arith.addi %parallel_loop3A_478, %parallel_loop3A_455 : i32
        %parallel_loop3A_480 = arith.index_cast %parallel_loop3A_479 : i32 to index
        %parallel_loop3A_481 = arith.constant 48 : index
        %parallel_loop3A_482 = tpu.vector_load %arg6[%parallel_loop3A_480, %parallel_loop3A_481] {strides = array<i32>} : memref<256x64xf32, #tpu.memory_space<vmem>>, vector<16xf32>,
        %parallel_loop3A_483 = arith.addi %shift_left3A_316, %parallel_loop3A_459 : vector<16xi32>
        tpu.vector_store_idx %arg8[%broadcast_in_dim3A_318, %shift_right_logical3A_280, %parallel_loop3A_483], %parallel_loop3A_482 : memref<2x8x1024xf32, #tpu.memory_space<vmem>>[vector<16xi32>, vector<16xi32>, vector<16xi32>], vector<16xf32>,
      } {sc.loop_unroll_factor = 8 : i64, sc.parallel_access}
      %broadcast_in_dim3A_322 = arith.constant 1 : i32
      %broadcast_in_dim3A_323 = vector.broadcast %broadcast_in_dim3A_322 : i32 to vector<16xi32>
      %parallel_loop3A_324 = arith.constant 0 : i32
      %parallel_loop3A_325 = arith.constant 128 : i32
      %parallel_loop3A_326 = arith.constant 1 : i32
      scf.for %parallel_loop3A_455 = %parallel_loop3A_324 to %parallel_loop3A_325 step %parallel_loop3A_326  : i32 {
        %parallel_loop3A_456 = arith.constant 0 : i32
        %parallel_loop3A_457 = vector.broadcast %parallel_loop3A_456 : i32 to vector<16xi32>
        %parallel_loop3A_458 = vector.broadcast %parallel_loop3A_455 : i32 to vector<16xi32>
        %parallel_loop3A_459 = arith.addi %parallel_loop3A_457, %parallel_loop3A_458 : vector<16xi32>
        %parallel_loop3A_460 = arith.constant 128 : i32
        %parallel_loop3A_461 = arith.addi %parallel_loop3A_460, %parallel_loop3A_455 : i32
        %parallel_loop3A_462 = arith.index_cast %parallel_loop3A_461 : i32 to index
        %parallel_loop3A_463 = arith.constant 0 : index
        %parallel_loop3A_464 = tpu.vector_load %arg6[%parallel_loop3A_462, %parallel_loop3A_463] {strides = array<i32>} : memref<256x64xf32, #tpu.memory_space<vmem>>, vector<16xf32>,
        %parallel_loop3A_465 = arith.addi %shift_left3A_289, %parallel_loop3A_459 : vector<16xi32>
        tpu.vector_store_idx %arg8[%broadcast_in_dim3A_323, %shift_right_logical3A_262, %parallel_loop3A_465], %parallel_loop3A_464 : memref<2x8x1024xf32, #tpu.memory_space<vmem>>[vector<16xi32>, vector<16xi32>, vector<16xi32>], vector<16xf32>,
        %parallel_loop3A_466 = arith.constant 128 : i32
        %parallel_loop3A_467 = arith.addi %parallel_loop3A_466, %parallel_loop3A_455 : i32
        %parallel_loop3A_468 = arith.index_cast %parallel_loop3A_467 : i32 to index
        %parallel_loop3A_469 = arith.constant 16 : index
        %parallel_loop3A_470 = tpu.vector_load %arg6[%parallel_loop3A_468, %parallel_loop3A_469] {strides = array<i32>} : memref<256x64xf32, #tpu.memory_space<vmem>>, vector<16xf32>,
        %parallel_loop3A_471 = arith.addi %shift_left3A_298, %parallel_loop3A_459 : vector<16xi32>
        tpu.vector_store_idx %arg8[%broadcast_in_dim3A_323, %shift_right_logical3A_268, %parallel_loop3A_471], %parallel_loop3A_470 : memref<2x8x1024xf32, #tpu.memory_space<vmem>>[vector<16xi32>, vector<16xi32>, vector<16xi32>], vector<16xf32>,
        %parallel_loop3A_472 = arith.constant 128 : i32
        %parallel_loop3A_473 = arith.addi %parallel_loop3A_472, %parallel_loop3A_455 : i32
        %parallel_loop3A_474 = arith.index_cast %parallel_loop3A_473 : i32 to index
        %parallel_loop3A_475 = arith.constant 32 : index
        %parallel_loop3A_476 = tpu.vector_load %arg6[%parallel_loop3A_474, %parallel_loop3A_475] {strides = array<i32>} : memref<256x64xf32, #tpu.memory_space<vmem>>, vector<16xf32>,
        %parallel_loop3A_477 = arith.addi %shift_left3A_307, %parallel_loop3A_459 : vector<16xi32>
        tpu.vector_store_idx %arg8[%broadcast_in_dim3A_323, %shift_right_logical3A_274, %parallel_loop3A_477], %parallel_loop3A_476 : memref<2x8x1024xf32, #tpu.memory_space<vmem>>[vector<16xi32>, vector<16xi32>, vector<16xi32>], vector<16xf32>,
        %parallel_loop3A_478 = arith.constant 128 : i32
        %parallel_loop3A_479 = arith.addi %parallel_loop3A_478, %parallel_loop3A_455 : i32
        %parallel_loop3A_480 = arith.index_cast %parallel_loop3A_479 : i32 to index
        %parallel_loop3A_481 = arith.constant 48 : index
        %parallel_loop3A_482 = tpu.vector_load %arg6[%parallel_loop3A_480, %parallel_loop3A_481] {strides = array<i32>} : memref<256x64xf32, #tpu.memory_space<vmem>>, vector<16xf32>,
        %parallel_loop3A_483 = arith.addi %shift_left3A_316, %parallel_loop3A_459 : vector<16xi32>
        tpu.vector_store_idx %arg8[%broadcast_in_dim3A_323, %shift_right_logical3A_280, %parallel_loop3A_483], %parallel_loop3A_482 : memref<2x8x1024xf32, #tpu.memory_space<vmem>>[vector<16xi32>, vector<16xi32>, vector<16xi32>], vector<16xf32>,
      } {sc.loop_unroll_factor = 8 : i64, sc.parallel_access}
      %add3A_327 = arith.constant 2 : i32
      %add3A_328 = arith.addi %mul3A_240, %add3A_327 : i32
      %min3A_329 = arith.constant 99 : i32
      %min3A_330 = arith.minsi %add3A_328, %min3A_329 : i32
      %mul3A_331 = arith.constant 256 : i32
      %mul3A_332 = arith.muli %mul3A_331, %min3A_330 : i32
      %dma_start3A_333 = tpu.memref_slice %arg5[%mul3A_332] : memref<25600xi32, #tpu.memory_space<vmem>> -> memref<256xi32, #tpu.memory_space<vmem>>
      %dma_start3A_334 = arith.constant 0 : i32
      %dma_start3A_335 = arith.constant 0 : i32
      %dma_start3A_336 = tpu.memref_slice %arg3[%dma_start3A_334, %dma_start3A_335] : memref<1003520x64xf32, #tpu.memory_space<hbm>> -> memref<1003520x64xf32, #tpu.memory_space<hbm>>
      tpu.enqueue_indirect_dma source(%dma_start3A_336 : memref<1003520x64xf32, #tpu.memory_space<hbm>>) target(%arg6 : memref<256x64xf32, #tpu.memory_space<vmem>>) offsets(%dma_start3A_333 : memref<256xi32, #tpu.memory_space<vmem>>) semaphore(%arg10 : memref<!tpu.dma_semaphore, #tpu.memory_space<semaphore_mem>>)
      %mul3A_337 = arith.constant 2 : i32
      %mul3A_338 = arith.muli %mul3A_337, %mul3A_240 : i32
      %dma_start3A_339 = arith.constant 0 : i32
      %dma_start3A_340 = arith.constant 0 : i32
      %dma_start3A_341 = tpu.memref_slice %arg4[%mul3A_338, %dma_start3A_339, %add3A, %dma_start3A_340] : memref<200x8x32x1024xf32, #tpu.memory_space<hbm>> -> memref<2x8x1x1024xf32, #tpu.memory_space<hbm>>
      %dma_start3A_342 = tpu.memref_squeeze %dma_start3A_341 : memref<2x8x1x1024xf32, #tpu.memory_space<hbm>> -> memref<2x8x1024xf32, #tpu.memory_space<hbm>>
      %dma_start3A_343 = arith.constant 0 : i32
      %dma_start3A_344 = arith.constant 0 : i32
      %dma_start3A_345 = tpu.memref_slice %arg4[%mul3A_338, %dma_start3A_343, %add3A, %dma_start3A_344] : memref<200x8x32x1024xf32, #tpu.memory_space<hbm>> -> memref<2x8x1x1024xf32, #tpu.memory_space<hbm>>
      %dma_start3A_346 = tpu.memref_squeeze %dma_start3A_345 : memref<2x8x1x1024xf32, #tpu.memory_space<hbm>> -> memref<2x8x1024xf32, #tpu.memory_space<hbm>>
      tpu.enqueue_dma source(%arg8 : memref<2x8x1024xf32, #tpu.memory_space<vmem>>) target(%dma_start3A_346 : memref<2x8x1024xf32, #tpu.memory_space<hbm>>) target_semaphore(%arg12 : memref<!tpu.dma_semaphore, #tpu.memory_space<semaphore_mem>>)
      %add3A_347 = arith.constant 1 : i32
      %add3A_348 = arith.addi %mul3A_240, %add3A_347 : i32
      %dma_wait3A_349 = arith.constant 0 : i32
      %dma_wait3A_350 = tpu.memref_slice %arg5[%dma_wait3A_349] : memref<25600xi32, #tpu.memory_space<vmem>> -> memref<256xi32, #tpu.memory_space<vmem>>
      %dma_wait3A_351 = arith.constant 0 : i32
      %dma_wait3A_352 = arith.constant 0 : i32
      %dma_wait3A_353 = tpu.memref_slice %arg3[%dma_wait3A_351, %dma_wait3A_352] : memref<1003520x64xf32, #tpu.memory_space<hbm>> -> memref<1003520x64xf32, #tpu.memory_space<hbm>>
      tpu.wait_indirect_dma semaphore(%arg11 : memref<!tpu.dma_semaphore, #tpu.memory_space<semaphore_mem>>) src(%dma_wait3A_353 : memref<1003520x64xf32, #tpu.memory_space<hbm>>) dst(%arg7 : memref<256x64xf32, #tpu.memory_space<vmem>>)
      %dma_wait3A_354 = arith.constant 0 : i32
      %dma_wait3A_355 = arith.constant 0 : i32
      %dma_wait3A_356 = arith.constant 0 : i32
      %dma_wait3A_357 = tpu.memref_slice %arg4[%dma_wait3A_354, %dma_wait3A_355, %add3A, %dma_wait3A_356] : memref<200x8x32x1024xf32, #tpu.memory_space<hbm>> -> memref<2x8x1x1024xf32, #tpu.memory_space<hbm>>
      %dma_wait3A_358 = tpu.memref_squeeze %dma_wait3A_357 : memref<2x8x1x1024xf32, #tpu.memory_space<hbm>> -> memref<2x8x1024xf32, #tpu.memory_space<hbm>>
      %dma_wait3A_359 = arith.constant 0 : i32
      %dma_wait3A_360 = arith.constant 0 : i32
      %dma_wait3A_361 = arith.constant 0 : i32
      %dma_wait3A_362 = tpu.memref_slice %arg4[%dma_wait3A_359, %dma_wait3A_360, %add3A, %dma_wait3A_361] : memref<200x8x32x1024xf32, #tpu.memory_space<hbm>> -> memref<2x8x1x1024xf32, #tpu.memory_space<hbm>>
      %dma_wait3A_363 = tpu.memref_squeeze %dma_wait3A_362 : memref<2x8x1x1024xf32, #tpu.memory_space<hbm>> -> memref<2x8x1024xf32, #tpu.memory_space<hbm>>
      tpu.wait_dma2 semaphore(%arg13 : memref<!tpu.dma_semaphore, #tpu.memory_space<semaphore_mem>>) src(%arg9 : memref<2x8x1024xf32, #tpu.memory_space<vmem>>) dst(%dma_wait3A_363 : memref<2x8x1024xf32, #tpu.memory_space<hbm>>)
      %iota3A_364 = tpu.iota {dimensions = array<i32: 0>} : vector<16xi32>
      %add3A_365 = arith.constant 0 : i32
      %add3A_366 = vector.broadcast %add3A_365 : i32 to vector<16xi32>
      %add3A_367 = arith.addi %add3A_366, %iota3A_364 : vector<16xi32>
      %shift_right_logical3A_368 = arith.constant 3 : i32
      %shift_right_logical3A_369 = vector.broadcast %shift_right_logical3A_368 : i32 to vector<16xi32>
      %shift_right_logical3A_370 = arith.shrui %add3A_367, %shift_right_logical3A_369 : vector<16xi32>
      %add3A_371 = arith.constant 16 : i32
      %add3A_372 = vector.broadcast %add3A_371 : i32 to vector<16xi32>
      %add3A_373 = arith.addi %add3A_372, %iota3A_364 : vector<16xi32>
      %shift_right_logical3A_374 = arith.constant 3 : i32
      %shift_right_logical3A_375 = vector.broadcast %shift_right_logical3A_374 : i32 to vector<16xi32>
      %shift_right_logical3A_376 = arith.shrui %add3A_373, %shift_right_logical3A_375 : vector<16xi32>
      %add3A_377 = arith.constant 32 : i32
      %add3A_378 = vector.broadcast %add3A_377 : i32 to vector<16xi32>
      %add3A_379 = arith.addi %add3A_378, %iota3A_364 : vector<16xi32>
      %shift_right_logical3A_380 = arith.constant 3 : i32
      %shift_right_logical3A_381 = vector.broadcast %shift_right_logical3A_380 : i32 to vector<16xi32>
      %shift_right_logical3A_382 = arith.shrui %add3A_379, %shift_right_logical3A_381 : vector<16xi32>
      %add3A_383 = arith.constant 48 : i32
      %add3A_384 = vector.broadcast %add3A_383 : i32 to vector<16xi32>
      %add3A_385 = arith.addi %add3A_384, %iota3A_364 : vector<16xi32>
      %shift_right_logical3A_386 = arith.constant 3 : i32
      %shift_right_logical3A_387 = vector.broadcast %shift_right_logical3A_386 : i32 to vector<16xi32>
      %shift_right_logical3A_388 = arith.shrui %add3A_385, %shift_right_logical3A_387 : vector<16xi32>
      %add3A_389 = arith.constant 0 : i32
      %add3A_390 = vector.broadcast %add3A_389 : i32 to vector<16xi32>
      %add3A_391 = arith.addi %add3A_390, %iota3A_364 : vector<16xi32>
      %and3A_392 = arith.constant 7 : i32
      %and3A_393 = vector.broadcast %and3A_392 : i32 to vector<16xi32>
      %and3A_394 = arith.andi %add3A_391, %and3A_393 : vector<16xi32>
      %shift_left3A_395 = arith.constant 7 : i32
      %shift_left3A_396 = vector.broadcast %shift_left3A_395 : i32 to vector<16xi32>
      %shift_left3A_397 = arith.shli %and3A_394, %shift_left3A_396 : vector<16xi32>
      %add3A_398 = arith.constant 16 : i32
      %add3A_399 = vector.broadcast %add3A_398 : i32 to vector<16xi32>
      %add3A_400 = arith.addi %add3A_399, %iota3A_364 : vector<16xi32>
      %and3A_401 = arith.constant 7 : i32
      %and3A_402 = vector.broadcast %and3A_401 : i32 to vector<16xi32>
      %and3A_403 = arith.andi %add3A_400, %and3A_402 : vector<16xi32>
      %shift_left3A_404 = arith.constant 7 : i32
      %shift_left3A_405 = vector.broadcast %shift_left3A_404 : i32 to vector<16xi32>
      %shift_left3A_406 = arith.shli %and3A_403, %shift_left3A_405 : vector<16xi32>
      %add3A_407 = arith.constant 32 : i32
      %add3A_408 = vector.broadcast %add3A_407 : i32 to vector<16xi32>
      %add3A_409 = arith.addi %add3A_408, %iota3A_364 : vector<16xi32>
      %and3A_410 = arith.constant 7 : i32
      %and3A_411 = vector.broadcast %and3A_410 : i32 to vector<16xi32>
      %and3A_412 = arith.andi %add3A_409, %and3A_411 : vector<16xi32>
      %shift_left3A_413 = arith.constant 7 : i32
      %shift_left3A_414 = vector.broadcast %shift_left3A_413 : i32 to vector<16xi32>
      %shift_left3A_415 = arith.shli %and3A_412, %shift_left3A_414 : vector<16xi32>
      %add3A_416 = arith.constant 48 : i32
      %add3A_417 = vector.broadcast %add3A_416 : i32 to vector<16xi32>
      %add3A_418 = arith.addi %add3A_417, %iota3A_364 : vector<16xi32>
      %and3A_419 = arith.constant 7 : i32
      %and3A_420 = vector.broadcast %and3A_419 : i32 to vector<16xi32>
      %and3A_421 = arith.andi %add3A_418, %and3A_420 : vector<16xi32>
      %shift_left3A_422 = arith.constant 7 : i32
      %shift_left3A_423 = vector.broadcast %shift_left3A_422 : i32 to vector<16xi32>
      %shift_left3A_424 = arith.shli %and3A_421, %shift_left3A_423 : vector<16xi32>
      %broadcast_in_dim3A_425 = arith.constant 0 : i32
      %broadcast_in_dim3A_426 = vector.broadcast %broadcast_in_dim3A_425 : i32 to vector<16xi32>
      %parallel_loop3A_427 = arith.constant 0 : i32
      %parallel_loop3A_428 = arith.constant 128 : i32
      %parallel_loop3A_429 = arith.constant 1 : i32
      scf.for %parallel_loop3A_455 = %parallel_loop3A_427 to %parallel_loop3A_428 step %parallel_loop3A_429  : i32 {
        %parallel_loop3A_456 = arith.constant 0 : i32
        %parallel_loop3A_457 = vector.broadcast %parallel_loop3A_456 : i32 to vector<16xi32>
        %parallel_loop3A_458 = vector.broadcast %parallel_loop3A_455 : i32 to vector<16xi32>
        %parallel_loop3A_459 = arith.addi %parallel_loop3A_457, %parallel_loop3A_458 : vector<16xi32>
        %parallel_loop3A_460 = arith.constant 0 : i32
        %parallel_loop3A_461 = arith.addi %parallel_loop3A_460, %parallel_loop3A_455 : i32
        %parallel_loop3A_462 = arith.index_cast %parallel_loop3A_461 : i32 to index
        %parallel_loop3A_463 = arith.constant 0 : index
        %parallel_loop3A_464 = tpu.vector_load %arg7[%parallel_loop3A_462, %parallel_loop3A_463] {strides = array<i32>} : memref<256x64xf32, #tpu.memory_space<vmem>>, vector<16xf32>,
        %parallel_loop3A_465 = arith.addi %shift_left3A_397, %parallel_loop3A_459 : vector<16xi32>
        tpu.vector_store_idx %arg9[%broadcast_in_dim3A_426, %shift_right_logical3A_370, %parallel_loop3A_465], %parallel_loop3A_464 : memref<2x8x1024xf32, #tpu.memory_space<vmem>>[vector<16xi32>, vector<16xi32>, vector<16xi32>], vector<16xf32>,
        %parallel_loop3A_466 = arith.constant 0 : i32
        %parallel_loop3A_467 = arith.addi %parallel_loop3A_466, %parallel_loop3A_455 : i32
        %parallel_loop3A_468 = arith.index_cast %parallel_loop3A_467 : i32 to index
        %parallel_loop3A_469 = arith.constant 16 : index
        %parallel_loop3A_470 = tpu.vector_load %arg7[%parallel_loop3A_468, %parallel_loop3A_469] {strides = array<i32>} : memref<256x64xf32, #tpu.memory_space<vmem>>, vector<16xf32>,
        %parallel_loop3A_471 = arith.addi %shift_left3A_406, %parallel_loop3A_459 : vector<16xi32>
        tpu.vector_store_idx %arg9[%broadcast_in_dim3A_426, %shift_right_logical3A_376, %parallel_loop3A_471], %parallel_loop3A_470 : memref<2x8x1024xf32, #tpu.memory_space<vmem>>[vector<16xi32>, vector<16xi32>, vector<16xi32>], vector<16xf32>,
        %parallel_loop3A_472 = arith.constant 0 : i32
        %parallel_loop3A_473 = arith.addi %parallel_loop3A_472, %parallel_loop3A_455 : i32
        %parallel_loop3A_474 = arith.index_cast %parallel_loop3A_473 : i32 to index
        %parallel_loop3A_475 = arith.constant 32 : index
        %parallel_loop3A_476 = tpu.vector_load %arg7[%parallel_loop3A_474, %parallel_loop3A_475] {strides = array<i32>} : memref<256x64xf32, #tpu.memory_space<vmem>>, vector<16xf32>,
        %parallel_loop3A_477 = arith.addi %shift_left3A_415, %parallel_loop3A_459 : vector<16xi32>
        tpu.vector_store_idx %arg9[%broadcast_in_dim3A_426, %shift_right_logical3A_382, %parallel_loop3A_477], %parallel_loop3A_476 : memref<2x8x1024xf32, #tpu.memory_space<vmem>>[vector<16xi32>, vector<16xi32>, vector<16xi32>], vector<16xf32>,
        %parallel_loop3A_478 = arith.constant 0 : i32
        %parallel_loop3A_479 = arith.addi %parallel_loop3A_478, %parallel_loop3A_455 : i32
        %parallel_loop3A_480 = arith.index_cast %parallel_loop3A_479 : i32 to index
        %parallel_loop3A_481 = arith.constant 48 : index
        %parallel_loop3A_482 = tpu.vector_load %arg7[%parallel_loop3A_480, %parallel_loop3A_481] {strides = array<i32>} : memref<256x64xf32, #tpu.memory_space<vmem>>, vector<16xf32>,
        %parallel_loop3A_483 = arith.addi %shift_left3A_424, %parallel_loop3A_459 : vector<16xi32>
        tpu.vector_store_idx %arg9[%broadcast_in_dim3A_426, %shift_right_logical3A_388, %parallel_loop3A_483], %parallel_loop3A_482 : memref<2x8x1024xf32, #tpu.memory_space<vmem>>[vector<16xi32>, vector<16xi32>, vector<16xi32>], vector<16xf32>,
      } {sc.loop_unroll_factor = 8 : i64, sc.parallel_access}
      %broadcast_in_dim3A_430 = arith.constant 1 : i32
      %broadcast_in_dim3A_431 = vector.broadcast %broadcast_in_dim3A_430 : i32 to vector<16xi32>
      %parallel_loop3A_432 = arith.constant 0 : i32
      %parallel_loop3A_433 = arith.constant 128 : i32
      %parallel_loop3A_434 = arith.constant 1 : i32
      scf.for %parallel_loop3A_455 = %parallel_loop3A_432 to %parallel_loop3A_433 step %parallel_loop3A_434  : i32 {
        %parallel_loop3A_456 = arith.constant 0 : i32
        %parallel_loop3A_457 = vector.broadcast %parallel_loop3A_456 : i32 to vector<16xi32>
        %parallel_loop3A_458 = vector.broadcast %parallel_loop3A_455 : i32 to vector<16xi32>
        %parallel_loop3A_459 = arith.addi %parallel_loop3A_457, %parallel_loop3A_458 : vector<16xi32>
        %parallel_loop3A_460 = arith.constant 128 : i32
        %parallel_loop3A_461 = arith.addi %parallel_loop3A_460, %parallel_loop3A_455 : i32
        %parallel_loop3A_462 = arith.index_cast %parallel_loop3A_461 : i32 to index
        %parallel_loop3A_463 = arith.constant 0 : index
        %parallel_loop3A_464 = tpu.vector_load %arg7[%parallel_loop3A_462, %parallel_loop3A_463] {strides = array<i32>} : memref<256x64xf32, #tpu.memory_space<vmem>>, vector<16xf32>,
        %parallel_loop3A_465 = arith.addi %shift_left3A_397, %parallel_loop3A_459 : vector<16xi32>
        tpu.vector_store_idx %arg9[%broadcast_in_dim3A_431, %shift_right_logical3A_370, %parallel_loop3A_465], %parallel_loop3A_464 : memref<2x8x1024xf32, #tpu.memory_space<vmem>>[vector<16xi32>, vector<16xi32>, vector<16xi32>], vector<16xf32>,
        %parallel_loop3A_466 = arith.constant 128 : i32
        %parallel_loop3A_467 = arith.addi %parallel_loop3A_466, %parallel_loop3A_455 : i32
        %parallel_loop3A_468 = arith.index_cast %parallel_loop3A_467 : i32 to index
        %parallel_loop3A_469 = arith.constant 16 : index
        %parallel_loop3A_470 = tpu.vector_load %arg7[%parallel_loop3A_468, %parallel_loop3A_469] {strides = array<i32>} : memref<256x64xf32, #tpu.memory_space<vmem>>, vector<16xf32>,
        %parallel_loop3A_471 = arith.addi %shift_left3A_406, %parallel_loop3A_459 : vector<16xi32>
        tpu.vector_store_idx %arg9[%broadcast_in_dim3A_431, %shift_right_logical3A_376, %parallel_loop3A_471], %parallel_loop3A_470 : memref<2x8x1024xf32, #tpu.memory_space<vmem>>[vector<16xi32>, vector<16xi32>, vector<16xi32>], vector<16xf32>,
        %parallel_loop3A_472 = arith.constant 128 : i32
        %parallel_loop3A_473 = arith.addi %parallel_loop3A_472, %parallel_loop3A_455 : i32
        %parallel_loop3A_474 = arith.index_cast %parallel_loop3A_473 : i32 to index
        %parallel_loop3A_475 = arith.constant 32 : index
        %parallel_loop3A_476 = tpu.vector_load %arg7[%parallel_loop3A_474, %parallel_loop3A_475] {strides = array<i32>} : memref<256x64xf32, #tpu.memory_space<vmem>>, vector<16xf32>,
        %parallel_loop3A_477 = arith.addi %shift_left3A_415, %parallel_loop3A_459 : vector<16xi32>
        tpu.vector_store_idx %arg9[%broadcast_in_dim3A_431, %shift_right_logical3A_382, %parallel_loop3A_477], %parallel_loop3A_476 : memref<2x8x1024xf32, #tpu.memory_space<vmem>>[vector<16xi32>, vector<16xi32>, vector<16xi32>], vector<16xf32>,
        %parallel_loop3A_478 = arith.constant 128 : i32
        %parallel_loop3A_479 = arith.addi %parallel_loop3A_478, %parallel_loop3A_455 : i32
        %parallel_loop3A_480 = arith.index_cast %parallel_loop3A_479 : i32 to index
        %parallel_loop3A_481 = arith.constant 48 : index
        %parallel_loop3A_482 = tpu.vector_load %arg7[%parallel_loop3A_480, %parallel_loop3A_481] {strides = array<i32>} : memref<256x64xf32, #tpu.memory_space<vmem>>, vector<16xf32>,
        %parallel_loop3A_483 = arith.addi %shift_left3A_424, %parallel_loop3A_459 : vector<16xi32>
        tpu.vector_store_idx %arg9[%broadcast_in_dim3A_431, %shift_right_logical3A_388, %parallel_loop3A_483], %parallel_loop3A_482 : memref<2x8x1024xf32, #tpu.memory_space<vmem>>[vector<16xi32>, vector<16xi32>, vector<16xi32>], vector<16xf32>,
      } {sc.loop_unroll_factor = 8 : i64, sc.parallel_access}
      %add3A_435 = arith.constant 2 : i32
      %add3A_436 = arith.addi %add3A_348, %add3A_435 : i32
      %min3A_437 = arith.constant 99 : i32
      %min3A_438 = arith.minsi %add3A_436, %min3A_437 : i32
      %mul3A_439 = arith.constant 256 : i32
      %mul3A_440 = arith.muli %mul3A_439, %min3A_438 : i32
      %dma_start3A_441 = tpu.memref_slice %arg5[%mul3A_440] : memref<25600xi32, #tpu.memory_space<vmem>> -> memref<256xi32, #tpu.memory_space<vmem>>
      %dma_start3A_442 = arith.constant 0 : i32
      %dma_start3A_443 = arith.constant 0 : i32
      %dma_start3A_444 = tpu.memref_slice %arg3[%dma_start3A_442, %dma_start3A_443] : memref<1003520x64xf32, #tpu.memory_space<hbm>> -> memref<1003520x64xf32, #tpu.memory_space<hbm>>
      tpu.enqueue_indirect_dma source(%dma_start3A_444 : memref<1003520x64xf32, #tpu.memory_space<hbm>>) target(%arg7 : memref<256x64xf32, #tpu.memory_space<vmem>>) offsets(%dma_start3A_441 : memref<256xi32, #tpu.memory_space<vmem>>) semaphore(%arg11 : memref<!tpu.dma_semaphore, #tpu.memory_space<semaphore_mem>>)
      %mul3A_445 = arith.constant 2 : i32
      %mul3A_446 = arith.muli %mul3A_445, %add3A_348 : i32
      %dma_start3A_447 = arith.constant 0 : i32
      %dma_start3A_448 = arith.constant 0 : i32
      %dma_start3A_449 = tpu.memref_slice %arg4[%mul3A_446, %dma_start3A_447, %add3A, %dma_start3A_448] : memref<200x8x32x1024xf32, #tpu.memory_space<hbm>> -> memref<2x8x1x1024xf32, #tpu.memory_space<hbm>>
      %dma_start3A_450 = tpu.memref_squeeze %dma_start3A_449 : memref<2x8x1x1024xf32, #tpu.memory_space<hbm>> -> memref<2x8x1024xf32, #tpu.memory_space<hbm>>
      %dma_start3A_451 = arith.constant 0 : i32
      %dma_start3A_452 = arith.constant 0 : i32
      %dma_start3A_453 = tpu.memref_slice %arg4[%mul3A_446, %dma_start3A_451, %add3A, %dma_start3A_452] : memref<200x8x32x1024xf32, #tpu.memory_space<hbm>> -> memref<2x8x1x1024xf32, #tpu.memory_space<hbm>>
      %dma_start3A_454 = tpu.memref_squeeze %dma_start3A_453 : memref<2x8x1x1024xf32, #tpu.memory_space<hbm>> -> memref<2x8x1024xf32, #tpu.memory_space<hbm>>
      tpu.enqueue_dma source(%arg9 : memref<2x8x1024xf32, #tpu.memory_space<vmem>>) target(%dma_start3A_454 : memref<2x8x1024xf32, #tpu.memory_space<hbm>>) target_semaphore(%arg13 : memref<!tpu.dma_semaphore, #tpu.memory_space<semaphore_mem>>)
    }
    %scan3A_207 = arith.constant 49 : i32
    %dma_wait3A_208 = arith.constant 0 : i32
    %dma_wait3A_209 = tpu.memref_slice %arg5[%dma_wait3A_208] : memref<25600xi32, #tpu.memory_space<vmem>> -> memref<256xi32, #tpu.memory_space<vmem>>
    %dma_wait3A_210 = arith.constant 0 : i32
    %dma_wait3A_211 = arith.constant 0 : i32
    %dma_wait3A_212 = tpu.memref_slice %arg3[%dma_wait3A_210, %dma_wait3A_211] : memref<1003520x64xf32, #tpu.memory_space<hbm>> -> memref<1003520x64xf32, #tpu.memory_space<hbm>>
    tpu.wait_indirect_dma semaphore(%arg10 : memref<!tpu.dma_semaphore, #tpu.memory_space<semaphore_mem>>) src(%dma_wait3A_212 : memref<1003520x64xf32, #tpu.memory_space<hbm>>) dst(%arg6 : memref<256x64xf32, #tpu.memory_space<vmem>>)
    %dma_wait3A_213 = arith.constant 0 : i32
    %dma_wait3A_214 = arith.constant 0 : i32
    %dma_wait3A_215 = arith.constant 0 : i32
    %dma_wait3A_216 = tpu.memref_slice %arg4[%dma_wait3A_213, %dma_wait3A_214, %add3A, %dma_wait3A_215] : memref<200x8x32x1024xf32, #tpu.memory_space<hbm>> -> memref<2x8x1x1024xf32, #tpu.memory_space<hbm>>
    %dma_wait3A_217 = tpu.memref_squeeze %dma_wait3A_216 : memref<2x8x1x1024xf32, #tpu.memory_space<hbm>> -> memref<2x8x1024xf32, #tpu.memory_space<hbm>>
    %dma_wait3A_218 = arith.constant 0 : i32
    %dma_wait3A_219 = arith.constant 0 : i32
    %dma_wait3A_220 = arith.constant 0 : i32
    %dma_wait3A_221 = tpu.memref_slice %arg4[%dma_wait3A_218, %dma_wait3A_219, %add3A, %dma_wait3A_220] : memref<200x8x32x1024xf32, #tpu.memory_space<hbm>> -> memref<2x8x1x1024xf32, #tpu.memory_space<hbm>>
    %dma_wait3A_222 = tpu.memref_squeeze %dma_wait3A_221 : memref<2x8x1x1024xf32, #tpu.memory_space<hbm>> -> memref<2x8x1024xf32, #tpu.memory_space<hbm>>
    tpu.wait_dma2 semaphore(%arg12 : memref<!tpu.dma_semaphore, #tpu.memory_space<semaphore_mem>>) src(%arg8 : memref<2x8x1024xf32, #tpu.memory_space<vmem>>) dst(%dma_wait3A_222 : memref<2x8x1024xf32, #tpu.memory_space<hbm>>)
    %dma_wait3A_223 = arith.constant 0 : i32
    %dma_wait3A_224 = tpu.memref_slice %arg5[%dma_wait3A_223] : memref<25600xi32, #tpu.memory_space<vmem>> -> memref<256xi32, #tpu.memory_space<vmem>>
    %dma_wait3A_225 = arith.constant 0 : i32
    %dma_wait3A_226 = arith.constant 0 : i32
    %dma_wait3A_227 = tpu.memref_slice %arg3[%dma_wait3A_225, %dma_wait3A_226] : memref<1003520x64xf32, #tpu.memory_space<hbm>> -> memref<1003520x64xf32, #tpu.memory_space<hbm>>
    tpu.wait_indirect_dma semaphore(%arg11 : memref<!tpu.dma_semaphore, #tpu.memory_space<semaphore_mem>>) src(%dma_wait3A_227 : memref<1003520x64xf32, #tpu.memory_space<hbm>>) dst(%arg7 : memref<256x64xf32, #tpu.memory_space<vmem>>)
    %dma_wait3A_228 = arith.constant 0 : i32
    %dma_wait3A_229 = arith.constant 0 : i32
    %dma_wait3A_230 = arith.constant 0 : i32
    %dma_wait3A_231 = tpu.memref_slice %arg4[%dma_wait3A_228, %dma_wait3A_229, %add3A, %dma_wait3A_230] : memref<200x8x32x1024xf32, #tpu.memory_space<hbm>> -> memref<2x8x1x1024xf32, #tpu.memory_space<hbm>>
    %dma_wait3A_232 = tpu.memref_squeeze %dma_wait3A_231 : memref<2x8x1x1024xf32, #tpu.memory_space<hbm>> -> memref<2x8x1024xf32, #tpu.memory_space<hbm>>
    %dma_wait3A_233 = arith.constant 0 : i32
    %dma_wait3A_234 = arith.constant 0 : i32
    %dma_wait3A_235 = arith.constant 0 : i32
    %dma_wait3A_236 = tpu.memref_slice %arg4[%dma_wait3A_233, %dma_wait3A_234, %add3A, %dma_wait3A_235] : memref<200x8x32x1024xf32, #tpu.memory_space<hbm>> -> memref<2x8x1x1024xf32, #tpu.memory_space<hbm>>
    %dma_wait3A_237 = tpu.memref_squeeze %dma_wait3A_236 : memref<2x8x1x1024xf32, #tpu.memory_space<hbm>> -> memref<2x8x1024xf32, #tpu.memory_space<hbm>>
    tpu.wait_dma2 semaphore(%arg13 : memref<!tpu.dma_semaphore, #tpu.memory_space<semaphore_mem>>) src(%arg9 : memref<2x8x1024xf32, #tpu.memory_space<vmem>>) dst(%dma_wait3A_237 : memref<2x8x1024xf32, #tpu.memory_space<hbm>>)
    return
  }
}

module attributes {stable_mosaic.version = 14 : i64} {
  func.func @_k1_tc_body(%arg0: i32, %arg1: memref<64x2048xf32, #tpu.memory_space<vmem>>, %arg2: memref<64x2048xf32, #tpu.memory_space<vmem>>, %arg3: memref<2048x128xf32, #tpu.memory_space<vmem>>) attributes {dimension_semantics = [#tpu.dimension_semantics<arbitrary>], iteration_bounds = array<i64: 245>, scalar_prefetch = 0 : i64, scratch_operands = 0 : i64, tpu.core_type = #tpu.core_type<tc>, window_params = [{transform_indices = @transform_0, window_bounds = array<i64: 64, 2048>}, {transform_indices = @transform_1, window_bounds = array<i64: 64, 2048>}, {transform_indices = @transform_2, window_bounds = array<i64: 2048, 128>}]} {
    %get3A = arith.constant 0 : index
    %get3A_0 = arith.constant 0 : index
    %get3A_1 = vector.load %arg1[%get3A, %get3A_0] : memref<64x2048xf32, #tpu.memory_space<vmem>>, vector<64x2048xf32>
    %transpose3A = tpu.transpose %get3A_1, [1, 0] : vector<64x2048xf32> -> vector<2048x64xf32>
    %swap3A = arith.constant 0 : index
    %swap3A_2 = arith.constant 0 : index
    %swap3A_3 = vector.load %arg3[%swap3A, %swap3A_2] : memref<2048x128xf32, #tpu.memory_space<vmem>>, vector<2048x64xf32>
    tpu.vector_store %arg3[%swap3A, %swap3A_2], %transpose3A {strides = array<i32>} : memref<2048x128xf32, #tpu.memory_space<vmem>>, vector<2048x64xf32>,
    %get3A_4 = arith.constant 0 : index
    %get3A_5 = arith.constant 0 : index
    %get3A_6 = vector.load %arg2[%get3A_4, %get3A_5] : memref<64x2048xf32, #tpu.memory_space<vmem>>, vector<64x2048xf32>
    %transpose3A_7 = tpu.transpose %get3A_6, [1, 0] : vector<64x2048xf32> -> vector<2048x64xf32>
    %swap3A_8 = arith.constant 0 : index
    %swap3A_9 = arith.constant 64 : index
    %swap3A_10 = vector.load %arg3[%swap3A_8, %swap3A_9] : memref<2048x128xf32, #tpu.memory_space<vmem>>, vector<2048x64xf32>
    tpu.vector_store %arg3[%swap3A_8, %swap3A_9], %transpose3A_7 {strides = array<i32>} : memref<2048x128xf32, #tpu.memory_space<vmem>>, vector<2048x64xf32>,
    return
  }
  func.func @transform_0(%arg0: i32) -> (i32, i32) {
    %c0_i32 = arith.constant 0 : i32
    %c0_i32_0 = arith.constant 0 : i32
    return %c0_i32, %arg0 : i32, i32
  }
  func.func @transform_1(%arg0: i32) -> (i32, i32) {
    %add3A = arith.constant 245 : i32
    %add3A_0 = arith.addi %arg0, %add3A : i32
    %min3A = arith.constant 487 : i32
    %min3A_1 = arith.minsi %add3A_0, %min3A : i32
    %c0_i32 = arith.constant 0 : i32
    %c0_i32_2 = arith.constant 0 : i32
    return %c0_i32, %min3A_1 : i32, i32
  }
  func.func @transform_2(%arg0: i32) -> (i32, i32) {
    %c0_i32 = arith.constant 0 : i32
    %c0_i32_0 = arith.constant 0 : i32
    return %arg0, %c0_i32 : i32, i32
  }
}

module attributes {stable_mosaic.version = 14 : i64} {
  func.func @_k1b_body(%arg0: i32, %arg1: memref<64x1024xf32, #tpu.memory_space<vmem>>, %arg2: memref<64x1024xf32, #tpu.memory_space<vmem>>, %arg3: memref<8x128xf32, #tpu.memory_space<vmem>>, %arg4: memref<1024x128xf32, #tpu.memory_space<vmem>>) attributes {dimension_semantics = [#tpu.dimension_semantics<arbitrary>], iteration_bounds = array<i64: 1>, scalar_prefetch = 0 : i64, scratch_operands = 0 : i64, tpu.core_type = #tpu.core_type<tc>, window_params = [{transform_indices = @transform_0, window_bounds = array<i64: 64, 1024>}, {transform_indices = @transform_1, window_bounds = array<i64: 64, 1024>}, {transform_indices = @transform_2, window_bounds = array<i64: 8, 128>}, {transform_indices = @transform_3, window_bounds = array<i64: 1024, 128>}]} {
    %get3A = arith.constant 0 : index
    %get3A_0 = arith.constant 0 : index
    %get3A_1 = vector.load %arg1[%get3A, %get3A_0] : memref<64x1024xf32, #tpu.memory_space<vmem>>, vector<64x1024xf32>
    %transpose3A = tpu.transpose %get3A_1, [1, 0] : vector<64x1024xf32> -> vector<1024x64xf32>
    %swap3A = arith.constant 0 : index
    %swap3A_2 = arith.constant 0 : index
    %swap3A_3 = vector.load %arg4[%swap3A, %swap3A_2] : memref<1024x128xf32, #tpu.memory_space<vmem>>, vector<1024x64xf32>
    tpu.vector_store %arg4[%swap3A, %swap3A_2], %transpose3A {strides = array<i32>} : memref<1024x128xf32, #tpu.memory_space<vmem>>, vector<1024x64xf32>,
    %get3A_4 = arith.constant 0 : index
    %get3A_5 = arith.constant 0 : index
    %get3A_6 = vector.load %arg2[%get3A_4, %get3A_5] : memref<64x1024xf32, #tpu.memory_space<vmem>>, vector<64x1024xf32>
    %transpose3A_7 = tpu.transpose %get3A_6, [1, 0] : vector<64x1024xf32> -> vector<1024x64xf32>
    %swap3A_8 = arith.constant 0 : index
    %swap3A_9 = arith.constant 64 : index
    %swap3A_10 = vector.load %arg4[%swap3A_8, %swap3A_9] : memref<1024x128xf32, #tpu.memory_space<vmem>>, vector<1024x64xf32>
    tpu.vector_store %arg4[%swap3A_8, %swap3A_9], %transpose3A_7 {strides = array<i32>} : memref<1024x128xf32, #tpu.memory_space<vmem>>, vector<1024x64xf32>,
    return
  }
  func.func @transform_0(%arg0: i32) -> (i32, i32) {
    %c0_i32 = arith.constant 0 : i32
    %c486_i32 = arith.constant 486 : i32
    %c0_i32_0 = arith.constant 0 : i32
    return %c0_i32, %c486_i32 : i32, i32
  }
  func.func @transform_1(%arg0: i32) -> (i32, i32) {
    %c0_i32 = arith.constant 0 : i32
    %c976_i32 = arith.constant 976 : i32
    %c0_i32_0 = arith.constant 0 : i32
    return %c0_i32, %c976_i32 : i32, i32
  }
  func.func @transform_2(%arg0: i32) -> (i32, i32) {
    %c0_i32 = arith.constant 0 : i32
    %c0_i32_0 = arith.constant 0 : i32
    %c0_i32_1 = arith.constant 0 : i32
    return %c0_i32, %c0_i32_0 : i32, i32
  }
  func.func @transform_3(%arg0: i32) -> (i32, i32) {
    %c486_i32 = arith.constant 486 : i32
    %c0_i32 = arith.constant 0 : i32
    %c0_i32_0 = arith.constant 0 : i32
    return %c486_i32, %c0_i32 : i32, i32
  }
}

</mosaic_0001>

<sc_bundles>
// kernel: _embed.5.cloned.1.call-start
scs
__scs_entry_jumppad:
0x0: {  	(pc) =	sbr.rel $0x88, $3  }
0x1: {  	(tag) =	ssettag $0x0;
	lr =	simm.s32 $0x1  }
0x2: {  	[smem:$0x3F9F] =	sst lr;
	_ =	strace $0xD0000000  }
0x3: {  	_ = 	snop  }
0x4: {  	_ = 	snop  }
0x5: {  	_ = 	snop  }
0x6: {  	_ = 	snop  }
0x7: {  	_ = 	snop  }
__scs_overlays_trampoline_lowered:
0x8: {  	[smem:$0x3FAE] =	sst s0  }
0x9: {  	[smem:$0x3FAF] =	sst s1  }
0xa: {  	[smem:$0x3FB0] =	sst s2  }
0xb: {  	[smem:$0x3FB1] =	sst s3  }
0xc: {  	[smem:$0x3FB2] =	sst s4  }
0xd: {  	[smem:$0x3FB3] =	sst s5  }
0xe: {  	[smem:$0x3FB4] =	sst s6  }
0xf: {  	[smem:$0x3FB5] =	sst s7  }
0x10: {  	[smem:$0x3FB6] =	sst s8  }
0x11: {  	[smem:$0x3FB7] =	sst s9;
	s0 =	simm.s32 @!p0 $0x0  }
0x12: {  	s1 =	sld [smem:$0x3F9D];
	s0 =	simm.s32 @p0 $0x1  }
0x13: {  	[smem:$0x3FB8] =	sst s0;
	s0 =	simm.s32 @!p1 $0x0  }
0x14: {  	s2 =	sld [smem:$0x3F9C];
	s0 =	simm.s32 @p1 $0x1  }
0x15: {  	[smem:$0x3FB9] =	sst s0;
	s0 =	simm.s32 @!p2 $0x0  }
0x16: {  	s3 =	sld [smem:$0x3FDB];
	s0 =	simm.s32 @p2 $0x1  }
0x17: {  	s4 =	simm.s32 $0x1BF5;
	[smem:$0x3FBB] =	sst s0  }
0x18: {  	s0 =	sld [smem:$0x3F9E];
	_ =	swait.ge [sflag:s4], $0x0  }
0x19: {  	s7 =	sld [smem:$0x3F9F]  }
0x1a: {  	s8 =	sadd.s32 $0xFFFFE003, lr  }
0x1b: {  	s9 =	sadd.s32 $0xFFFFFEF7, lr;
	s5 =	simm.s32 $0xFFFFFFFF;
	p2 =	slt.u32 s8, $0xFFFFF086  }
0x1c: {  	p1 =	slt.u32 s9, $0xF7A;
	s5 =	simm.s32 @!p2 $0x0  }
0x1d: {  	s5 =	simm.s32 @p1 $0x1;
	p0 =	seq.s32 s7, s2  }
0x1e: {  	s7 =	smul.u32 @!p0 $0xF7A, s2;
	p2 =	seq.s32 @!p0 s5, $0x0  }
0x1f: {  	s9 =	smul.u32 $0xF7A, s1;
	s8 =	simm.s32 @!p0 $0x1BF5;
	p2 =	por !p2, p0  }
0x20: {  	[sflag:s8] =	ssyncset.s32 @!p0 $0xFFFFF086;
	s6 =	sadd.s32 @!p0 s3, s7;
	s7 =	simm.s32 @!p0 $0x108  }
0x21: {  	s3 =	sadd.s32 s3, s9;
	s6 =	sadd.s32 @!p0 $0x88, s6;
	s7 =	simm.s32 @p2 $0x1082  }
0x22: {  	[simem:s7], [sflag:s8] =	dma.local @!p0 [hbm:s6], $0xF7A  }
0x23: {  	s9 =	sor.u32 $0xD0000000, s2;
	s6 =	simm.s32 $0x108;
	_ =	swait.ge @!p0 [sflag:s8], $0x0  }
0x24: {  	s3 =	sadd.s32 $0x88, s3;
	s6 =	simm.s32 @!p1 $0x1082;
	[sflag:s4] =	ssyncset.s32 $0xFFFFF086  }
0x25: {  	[simem:s6], [sflag:s4] =	dma.local [hbm:s3], $0xF7A  }
0x26: {  	[smem:$0x3F9F] =	sst s1;
	(tag) =	ssettag s2;
	_ =	strace s9  }
0x27: {  	s1 =	sld [smem:$0x3FAF]  }
0x28: {  	s2 =	sld [smem:$0x3FB0]  }
0x29: {  	s4 =	sld [smem:$0x3FB2]  }
0x2a: {  	p0 =	seq.s32 s5, $0x0;
	s5 =	sld [smem:$0x3FB3]  }
0x2b: {  	s6 =	sld [smem:$0x3FB4]  }
0x2c: {  	s7 =	sld [smem:$0x3FB5]  }
0x2d: {  	s3 =	simm.s32 $0x108;
	s8 =	sld [smem:$0x3FB6]  }
0x2e: {  	s3 =	simm.s32 @!p0 $0x1082;
	s9 =	sld [smem:$0x3FB7]  }
0x2f: {  	lr =	sadd.s32 s0, s3;
	s0 =	sld [smem:$0x3FAE]  }
0x30: {  	s3 =	sld [smem:$0x3FB1]  }
0x31: {  	[smem:$0x3FBA] =	sst s10  }
0x32: {  	s10 =	sld [smem:$0x3FB8];
	_ =	sdelay $0x3  }
0x33: {  	p0 =	seq.s32 s10, $0x1;
	s10 =	sld [smem:$0x3FBA];
	_ =	sdelay $0x3  }
0x34: {  	[smem:$0x3FBA] =	sst s10  }
0x35: {  	s10 =	sld [smem:$0x3FB9];
	_ =	sdelay $0x3  }
0x36: {  	p1 =	seq.s32 s10, $0x1;
	s10 =	sld [smem:$0x3FBA];
	_ =	sdelay $0x3  }
0x37: {  	[smem:$0x3FBA] =	sst s10  }
0x38: {  	s10 =	sld [smem:$0x3FBB]  }
0x39: {  	_ = 	snop;
	(pc) =	sbr.ind lr, $3  }
0x3a: {  	_ = 	snop  }
0x3b: {  	_ = 	snop  }
0x3c: {  	p2 =	seq.s32 s10, $0x1;
	s10 =	sld [smem:$0x3FBA]  }
0x3d: {  	_ =	shalt  }
0x3e: {  	_ =	shalt  }
0x3f: {  	_ =	shalt  }
0x40: {  	_ =	shalt  }
0x41: {  	_ =	shalt  }
0x42: {  	_ =	shalt  }
0x43: {  	_ =	shalt  }
0x44: {  	_ =	shalt  }
0x45: {  	_ =	shalt  }
0x46: {  	_ =	shalt  }
0x47: {  	_ =	shalt  }
0x48: {  	_ =	shalt  }
0x49: {  	_ =	shalt  }
0x4a: {  	_ =	shalt  }
0x4b: {  	_ =	shalt  }
0x4c: {  	_ =	shalt  }
0x4d: {  	_ =	shalt  }
0x4e: {  	_ =	shalt  }
0x4f: {  	_ =	shalt  }
0x50: {  	_ =	shalt  }
0x51: {  	_ =	shalt  }
0x52: {  	_ =	shalt  }
0x53: {  	_ =	shalt  }
0x54: {  	_ =	shalt  }
0x55: {  	_ =	shalt  }
0x56: {  	_ =	shalt  }
0x57: {  	_ =	shalt  }
0x58: {  	_ =	shalt  }
0x59: {  	_ =	shalt  }
0x5a: {  	_ =	shalt  }
0x5b: {  	_ =	shalt  }
0x5c: {  	_ =	shalt  }
0x5d: {  	_ =	shalt  }
0x5e: {  	_ =	shalt  }
0x5f: {  	_ =	shalt  }
0x60: {  	_ =	shalt  }
0x61: {  	_ =	shalt  }
0x62: {  	_ =	shalt  }
0x63: {  	_ =	shalt  }
0x64: {  	_ =	shalt  }
0x65: {  	_ =	shalt  }
0x66: {  	_ =	shalt  }
0x67: {  	_ =	shalt  }
0x68: {  	_ =	shalt  }
0x69: {  	_ =	shalt  }
0x6a: {  	_ =	shalt  }
0x6b: {  	_ =	shalt  }
0x6c: {  	_ =	shalt  }
0x6d: {  	_ =	shalt  }
0x6e: {  	_ =	shalt  }
0x6f: {  	_ =	shalt  }
0x70: {  	_ =	shalt  }
0x71: {  	_ =	shalt  }
0x72: {  	_ =	shalt  }
0x73: {  	_ =	shalt  }
0x74: {  	_ =	shalt  }
0x75: {  	_ =	shalt  }
0x76: {  	_ =	shalt  }
0x77: {  	_ =	shalt  }
0x78: {  	_ =	shalt  }
0x79: {  	_ =	shalt  }
0x7a: {  	_ =	shalt  }
0x7b: {  	_ =	shalt  }
0x7c: {  	_ =	shalt  }
0x7d: {  	_ =	shalt  }
0x7e: {  	_ =	shalt  }
0x7f: {  	_ =	shalt  }
0x80: {  	_ =	shalt  }
0x81: {  	_ =	shalt  }
0x82: {  	_ =	shalt  }
0x83: {  	_ =	shalt  }
0x84: {  	_ =	shalt  }
0x85: {  	_ =	shalt  }
0x86: {  	_ =	shalt  }
0x87: {  	_ =	shalt  }
.Lfunc_end0:
.L_simem_size_0:
called_computation_lowered:
.L_overlay_start_0:
0x88: {  	s2 =	sld [smem:$0x3FD9]  }
0x89: {  	s3 =	sld [smem:$0x3FFE];
	_ =	sdelay $0x1  }
0x8a: {  	s1 =	srdreg.scid  }
0x8b: {  	s0 =	sand.u32 $0x1, s1  }
0x8c: {  	s17 =	sshll.u32 s0, $0xA;
	s2 =	sadd.s32 s3, s2  }
0x8d: {  	s2 =	sadd.s32 s2, s17  }
0x8e: {  	[smem:$0x3FC6] =	sst s2  }
0x8f: {  	_ = 	snop  }
0x90: {  	s2 =	sld [smem:$0x3FD0];
	(tm) =	ssettm $0x1  }
0x91: {  	s18 =	sld [smem:$0x3FFB];
	_ =	sdelay $0x3  }
0x92: {  	_ =	strace s18  }
0x93: {  	s3 =	sld [smem:$0x3FFC];
	_ =	sdelay $0x3  }
0x94: {  	_ =	strace s3  }
0x95: {  	s3 =	sld [smem:$0x3FFD];
	_ =	sdelay $0x3  }
0x96: {  	_ =	strace s3  }
0x97: {  	_ =	strace $0x8FFFFFFF  }
0x98: {  	s19 =	sld [smem:$0x3FDB];
	_ =	sdelay $0x1  }
0x99: {  	s4 =	simm.s32 $_scs_section_size  }
0x9a: {  	s5 =	simm.s32 $_size__tile_overlayer_lowered;
	s6 =	simm.s32 $_tile_overlayer_lowered  }
0x9b: {  	s22 =	simm.s32 $0x1BFF;
	s21 =	sshll.u32 s6, $0x1;
	s3 =	sadd.s32 s4, s19  }
0x9c: {  	s7 =	simm.s32 $0x0;
	s20 =	sshll.u32 s5, $0x1;
	s5 =	sadd.s32 s21, s3  }
0x9d: {  	[timem:s7], [sflag:s22] =	dma.local [hbm:s5], s20  }
0x9e: {  	_ =	swait.ge [sflag:s22], s20  }
0x9f: {  	s4 =	ssub.s32 $0x0, s20;
	[sflag:s22] =	ssyncset.done $0x0  }
0xa0: {  	[sflag:s22] =	ssyncadd.s32 s4;
	_ =	sdelay $0x1  }
0xa1: {  	s23 =	simm.s32 $0x1B8B  }
0xa2: {  	_ =	swait.ge [sflag:s23], $0x1  }
0xa3: {  	[sflag:s23] =	ssyncset.done $0x0  }
0xa4: {  	s25 =	simm.s32 $0x1B8E;
	s24 =	sld [smem:$0x3FFE];
	[sflag:s23] =	ssyncadd.s32 $0xFFFFFFFF  }
0xa5: {  	s26 =	simm.s32 $execute0_lowered;
	[smem:$0x3FD2] =	sst s25  }
0xa6: {  	s5 =	sshll.u32 s26, $0x1;
	_ =	strace $0x80000046;
	[dreg:$0x1] =	wrdreg $0xFFFFFFFF  }
0xa7: {  	s28 =	simm.s32 $_size_execute0_lowered;
	s3 =	sadd.s32 s3, s5;
	[dreg:$0x0] =	wrdreg $0x0  }
0xa8: {  	s5 =	sshll.u32 s28, $0x1;
	[dreg:$0x2] =	wrdreg s3  }
0xa9: {  	[dreg:$0x3] =	wrdreg s5  }
0xaa: {  	[dreg:$0x4] =	wrdreg $0xC0  }
0xab: {  	_ =	task [dreg:s7], $0x5FFFF  }
0xac: {  	[dreg:$0x1] =	wrdreg $0xFFFFFFFF  }
0xad: {  	[dreg:$0x0] =	wrdreg $0x60  }
0xae: {  	[dreg:$0x2] =	wrdreg s24  }
0xaf: {  	[dreg:$0x3] =	wrdreg s2  }
0xb0: {  	[dreg:$0x4] =	wrdreg $0x9  }
0xb1: {  	_ =	task.clear_ibuf [dreg:s7], $0x5FFFF;
	_ =	strace $0x90000046  }
0xb2: {  	s29 =	simm.s32 $0x9;
	_ =	strace $0x80000048  }
0xb3: {  	_ =	swait.ge [sflag:s29], $0x1  }
0xb4: {  	[sflag:s29] =	ssyncadd.s32 $0xFFFFFFFF  }
0xb5: {  	_ =	strace $0x90000048  }
0xb6: {  	_ =	sfence  }
0xb7: {  	s30 =	sld [smem:$0x0];
	_ =	sdelay $0x2  }
0xb8: {  	s31 =	sshll.u32 s1, $0xD;
	s1 =	sshrl.u32 s1, $0x2  }
0xb9: {  	s3 =	sand.u32 $0x4000, s31;
	s1 =	sadd.s32 s1, s30  }
0xba: {  	s0 =	sor.u32 s3, s0;
	s1 =	sshll.u32 s1, $0x11  }
0xbb: {  	s0 =	sor.u32 s1, s0  }
0xbc: {  	s0 =	sadd.s32 $0x8F2B, s0  }
0xbd: {  	[sflag:s0] =	ssyncadd.remote.s32 $0x1  }
0xbe: {  	_ =	sfence.sel $0xFFFF  }
0xbf: {  	[dreg:$0x0] =	wrdreg $0xFFFFFFFF;
	(pc) =	sbr.abs _section_cstart, $3  }
0xc0: {  	[dreg:$0x1] =	wrdreg $0xFFFFFFFF  }
0xc1: {  	_ =	task.clear_ibuf [dreg:s7], $0x2FFFF;
	_ =	strace $0x9FFFFFFF  }
0xc2: {  	(tm) =	ssettm $0x7FFFFFFF  }
0xc3: {  	_ =	shalt  }
tec
execute0_lowered:
.L_overlay_start_1:
0x0: {  	(tag) =	ssettag $0x1  }
0x1: {  	v0 =	vlaneseq.u32  }
0x2: {  	s0 =	rddreg [dreg:$0x0];
	s4 =	simm.s32 $0x0;
	v0 =	vmul.u32 $0x80, v0  }
0x3: {  	[smem:$0x7FF] =	sst s4  }
0x4: {  	s2 =	rddreg [dreg:$0x1];
	_ =	strace $0x80000047;
	v1 =	vor.u32 $0x2800, v0;
	[tilespmem:$0x1FFF0] =	vst v0  }
0x5: {  	v23 =	vor.u32 $0x800, v0;
	[tilespmem:$0x1FCB0] =	vst v1  }
0x6: {  	v24 =	vor.u32 $0x1000, v0;
	[tilespmem:$0x1FDB0] =	vst v23  }
0x7: {  	v45 =	vor.u32 $0x1800, v0;
	[tilespmem:$0x1FDC0] =	vst v24  }
0x8: {  	v26 =	vor.u32 $0x1, v0;
	[tilespmem:$0x1FDD0] =	vst v45  }
0x9: {  	v27 =	vor.u32 $0x801, v0;
	[tilespmem:$0x1FDE0] =	vst v26  }
0xa: {  	v28 =	vor.u32 $0x1001, v0;
	[tilespmem:$0x1FDF0] =	vst v27  }
0xb: {  	v29 =	vor.u32 $0x1801, v0;
	[tilespmem:$0x1FE00] =	vst v28  }
0xc: {  	v30 =	vor.u32 $0x2, v0;
	[tilespmem:$0x1FE10] =	vst v29  }
0xd: {  	v31 =	vor.u32 $0x802, v0;
	[tilespmem:$0x1FE20] =	vst v30  }
0xe: {  	v33 =	vor.u32 $0x1002, v0;
	[tilespmem:$0x1FE30] =	vst v31  }
0xf: {  	v52 =	vor.u32 $0x1802, v0;
	[tilespmem:$0x1FE40] =	vst v33  }
0x10: {  	v21 =	vor.u32 $0x3, v0;
	[tilespmem:$0x1FE50] =	vst v52  }
0x11: {  	v22 =	vor.u32 $0x803, v0;
	[tilespmem:$0x1FE60] =	vst v21  }
0x12: {  	v25 =	vor.u32 $0x1803, v0;
	[tilespmem:$0x1FE70] =	vst v22  }
0x13: {  	v32 =	vor.u32 $0x4, v0;
	[tilespmem:$0x1FE80] =	vst v25  }
0x14: {  	v35 =	vor.u32 $0x804, v0;
	[tilespmem:$0x1FE90] =	vst v32  }
0x15: {  	v36 =	vor.u32 $0x1004, v0;
	[tilespmem:$0x1FEA0] =	vst v35  }
0x16: {  	v53 =	vor.u32 $0x1804, v0;
	[tilespmem:$0x1FEB0] =	vst v36  }
0x17: {  	v38 =	vor.u32 $0x5, v0;
	[tilespmem:$0x1FEC0] =	vst v53  }
0x18: {  	v39 =	vor.u32 $0x805, v0;
	[tilespmem:$0x1FED0] =	vst v38  }
0x19: {  	v40 =	vor.u32 $0x1005, v0;
	[tilespmem:$0x1FEE0] =	vst v39  }
0x1a: {  	v41 =	vor.u32 $0x1805, v0;
	[tilespmem:$0x1FEF0] =	vst v40  }
0x1b: {  	v42 =	vor.u32 $0x6, v0;
	[tilespmem:$0x1FF00] =	vst v41  }
0x1c: {  	v43 =	vor.u32 $0x806, v0;
	[tilespmem:$0x1FF10] =	vst v42  }
0x1d: {  	v44 =	vor.u32 $0x1006, v0;
	[tilespmem:$0x1FF20] =	vst v43  }
0x1e: {  	v18 =	vor.u32 $0x1806, v0;
	[tilespmem:$0x1FF30] =	vst v44  }
0x1f: {  	v15 =	vor.u32 $0x7, v0;
	[tilespmem:$0x1FF40] =	vst v18  }
0x20: {  	v46 =	vor.u32 $0x807, v0;
	[tilespmem:$0x1FF50] =	vst v15  }
0x21: {  	v55 =	vor.u32 $0x1007, v0;
	[tilespmem:$0x1FF60] =	vst v46  }
0x22: {  	v16 =	vor.u32 $0x1807, v0;
	[tilespmem:$0x1FF70] =	vst v55  }
0x23: {  	v50 =	vor.u32 $0x2000, v0;
	[tilespmem:$0x1FF80] =	vst v16  }
0x24: {  	v48 =	vor.u32 $0x2004, v0;
	[tilespmem:$0x1FF90] =	vst v50  }
0x25: {  	v37 =	vor.u32 $0x3803, v0;
	[tilespmem:$0x1FFA0] =	vst v48  }
0x26: {  	v20 =	vor.u32 $0x3004, v0;
	[tilespmem:$0x1FFB0] =	vst v37  }
0x27: {  	v47 =	vor.u32 $0x3804, v0;
	[tilespmem:$0x1FFC0] =	vst v20  }
0x28: {  	v49 =	vor.u32 $0x2805, v0;
	[tilespmem:$0x1FFD0] =	vst v47  }
0x29: {  	v1 =	vor.u32 $0x3000, v0;
	[tilespmem:$0x1FFE0] =	vst v49  }
0x2a: {  	[tilespmem:$0x1FCC0] =	vst v1;
	v1 =	vor.u32 $0x3800, v0  }
0x2b: {  	[tilespmem:$0x1FCD0] =	vst v1;
	v1 =	vor.u32 $0x2001, v0  }
0x2c: {  	[tilespmem:$0x1FCE0] =	vst v1;
	v1 =	vor.u32 $0x2801, v0  }
0x2d: {  	s1 =	srdreg.scid;
	[tilespmem:$0x1FCF0] =	vst v1;
	v1 =	vor.u32 $0x3001, v0  }
0x2e: {  	s3 =	stileid.u32;
	s11 =	simm.s32 $0x5;
	s12 =	simm.s32 $0x100;
	[tilespmem:$0x1FD00] =	vst v1;
	v1 =	vor.u32 $0x3801, v0  }
0x2f: {  	s13 =	simm.s32 $0x6400;
	s14 =	simm.s32 $0xA400;
	s15 =	simm.s32 $0x1;
	[tilespmem:$0x1FD10] =	vst v1;
	v1 =	vor.u32 $0x2002, v0  }
0x30: {  	s16 =	simm.s32 $0xE400;
	s1 =	sand.u32 $0x1, s1;
	s3 =	sshll.u32 s3, $0x1;
	[tilespmem:$0x1FD20] =	vst v1;
	v1 =	vor.u32 $0x2802, v0  }
0x31: {  	s18 =	simm.s32 $0x400;
	s3 =	sor.u32 s1, s3;
	s1 =	ssub.s32 $0x2, s1;
	[tilespmem:$0x1FD30] =	vst v1;
	v1 =	vor.u32 $0x3002, v0  }
0x32: {  	s19 =	simm.s32 $0x8000;
	s26 =	smul.u32 $0xC80, s3;
	s5 =	sshrl.u32 s1, $0x1;
	[tilespmem:$0x1FD40] =	vst v1;
	v1 =	vor.u32 $0x3802, v0  }
0x33: {  	s20 =	simm.s32 $0x2;
	s21 =	simm.s32 $0x12400;
	s28 =	ssub.s32 s1, s5;
	[tilespmem:$0x1FD50] =	vst v1;
	v1 =	vor.u32 $0x2003, v0  }
0x34: {  	s4 =	sadd.s32 $0x600, s0;
	s6 =	sadd.s32 s26, s0;
	s0 =	smax.u32 s28, $0x1;
	[tilespmem:$0x1FD60] =	vst v1;
	v1 =	vor.u32 $0x2803, v0  }
0x35: {  	s29 =	sadd.s32 $0x7A8600, s6;
	s6 =	sshll.u32 s3, $0x7;
	[dreg:$0x6] =	wrdreg s0;
	[tilespmem:$0x1FD70] =	vst v1;
	v1 =	vor.u32 $0x3003, v0  }
0x36: {  	s7 =	sadd.s32 $0x10000, s2;
	[dreg:$0x3] =	wrdreg s29;
	s30 =	sadd.s32 s2, s6;
	[tilespmem:$0x1FD80] =	vst v1;
	v1 =	vor.u32 $0x2804, v0  }
0x37: {  	s23 =	simm.s32 $0x3;
	s31 =	sadd.s32 s6, s7;
	[dreg:$0x4] =	wrdreg s30;
	[tilespmem:$0x1FD90] =	vst v1;
	v1 =	vor.u32 $0x3005, v0  }
0x38: {  	v14 =	vimm.s32 $0x0;
	s24 =	simm.s32 $0x4;
	s25 =	simm.s32 $0x0;
	v17 =	vor.u32 $0x1003, v0;
	v51 =	vor.u32 $0x2005, v0;
	[dreg:$0x5] =	wrdreg s31;
	[tilespmem:$0x1FDA0] =	vst v1  }
.LBB2_1:
0x39: {  	s0 =	simm.s32 $0x0;
	s1 =	rddreg [dreg:$0x3]  }
0x3a: {  	[tilespmem:s0], [sflag:$0x5] =	stream.linear.gather [hbm4b:s1+s0], $0x6400, $0x38;
	[tilespmem:$0x16400] =	vst v63  }
0x3b: {  	_ =	swait.ge [sflag:s11], $0x6400  }
0x3c: {  	[sflag:s11] =	ssyncset.done $0x0  }
0x3d: {  	s0 =	simm.s32 $0x40;
	[sflag:s11] =	ssyncadd.s32 $0xFFFF9C00  }
0x3e: {  	v1 =	vld [tilespmem:s0+$0x30]  }
0x3f: {  	v2 =	vld [tilespmem:s0+$0xFFFFFFD0]  }
0x40: {  	v3 =	vld [tilespmem:s0+$0xFFFFFFE0]  }
0x41: {  	v4 =	vld [tilespmem:s0+$0xFFFFFFF0];
	_ =	sdelay $0x1  }
0x42: {  	v5 =	vld [tilespmem:s0+$0x0]  }
0x43: {  	v6 =	vld [tilespmem:s0+$0x10];
	vm0 =	vgt.s32 v1, $0x7A7FF;
	vm1 =	vgt.s32 v2, $0x7A7FF  }
0x44: {  	v7 =	vld [tilespmem:s0+$0x20];
	v1 =	vshll.u32 v1, $0x1;
	v2 =	vshll.u32 v2, $0x1;
	v8 =	vsel vm0, $0xFFF0B001, v14  }
0x45: {  	v9 =	vld [tilespmem:s0+$0xFFFFFFC0];
	v10 =	vsel vm1, $0xFFF0B001, v14;
	vm0 =	vgt.s32 v3, $0x7A7FF;
	vm1 =	vgt.s32 v4, $0x7A7FF  }
0x46: {  	s1 =	simm.s32 $0xC0;
	v3 =	vshll.u32 v3, $0x1;
	v4 =	vshll.u32 v4, $0x1;
	v1 =	vadd.s32 v1, v8  }
0x47: {  	v13 =	vld [tilespmem:s1+$0x30];
	v8 =	vsel vm0, $0xFFF0B001, v14;
	v11 =	vsel vm1, $0xFFF0B001, v14;
	vm0 =	vgt.s32 v5, $0x7A7FF  }
0x48: {  	vm1 =	vgt.s32 v6, $0x7A7FF;
	v5 =	vshll.u32 v5, $0x1;
	v6 =	vshll.u32 v6, $0x1  }
0x49: {  	v12 =	vsel vm0, $0xFFF0B001, v14;
	v56 =	vsel vm1, $0xFFF0B001, v14;
	vm0 =	vgt.s32 v7, $0x7A7FF  }
0x4a: {  	vm1 =	vgt.s32 v9, $0x7A7FF;
	v9 =	vshll.u32 v9, $0x1;
	v7 =	vshll.u32 v7, $0x1  }
0x4b: {  	v57 =	vld [tilespmem:s1+$0xFFFFFFD0];
	v3 =	vadd.s32 v3, v8;
	v8 =	vadd.s32 v4, v11;
	v58 =	vsel vm0, $0xFFF0B001, v14  }
0x4c: {  	v59 =	vld [tilespmem:s1+$0xFFFFFFE0];
	v60 =	vsel vm1, $0xFFF0B001, v14;
	v11 =	vadd.s32 v6, v56;
	vm0 =	vgt.s32 v13, $0x7A7FF  }
0x4d: {  	v61 =	vld [tilespmem:s1+$0xFFFFFFF0];
	[tilespmem:s0+$0x30] =	vst v1;
	v1 =	vadd.s32 v9, v60;
	v9 =	vadd.s32 v2, v10;
	v10 =	vadd.s32 v5, v12  }
0x4e: {  	[tilespmem:s0+$0xFFFFFFE0] =	vst v3;
	v2 =	vld [tilespmem:s1+$0x0];
	v5 =	vadd.s32 v7, v58;
	v6 =	vsel vm0, $0xFFF0B001, v14;
	v7 =	vshll.u32 v13, $0x1  }
0x4f: {  	[tilespmem:s0+$0xFFFFFFC0] =	vst v1;
	v1 =	vld [tilespmem:s1+$0x10];
	v3 =	vadd.s32 v7, v6  }
0x50: {  	[tilespmem:s1+$0x30] =	vst v3;
	v3 =	vld [tilespmem:s1+$0x20]  }
0x51: {  	vm1 =	vgt.s32 v57, $0x7A7FF;
	v56 =	vshll.u32 v59, $0x1;
	vm0 =	vgt.s32 v59, $0x7A7FF;
	[tilespmem:s0+$0xFFFFFFD0] =	vst v9;
	v9 =	vld [tilespmem:s1+$0xFFFFFFC0]  }
0x52: {  	[tilespmem:s0+$0xFFFFFFF0] =	vst v8;
	v4 =	vsel vm1, $0xFFF0B001, v14;
	v6 =	vsel vm0, $0xFFF0B001, v14;
	vm0 =	vgt.s32 v61, $0x7A7FF  }
0x53: {  	v58 =	vshll.u32 v61, $0x1;
	[tilespmem:s0+$0x10] =	vst v11;
	v8 =	vsel vm0, $0xFFF0B001, v14;
	vm0 =	vgt.s32 v2, $0x7A7FF  }
0x54: {  	s3 =	simm.s32 $0x80;
	s5 =	simm.s32 $0x140;
	v7 =	vshll.u32 v57, $0x1;
	[tilespmem:s0+$0x0] =	vst v10;
	v57 =	vsel vm0, $0xFFF0B001, v14;
	vm0 =	vgt.s32 v1, $0x7A7FF  }
.LBB2_2:
0x55: {  	v10 =	vld [tilespmem:s5+$0x30];
	s3 =	sadd.s32 $0x80, s3;
	v11 =	vshll.u32 v2, $0x1;
	v12 =	vsel vm0, $0xFFF0B001, v14;
	vm0 =	vgt.s32 v3, $0x7A7FF;
	[tilespmem:s0+$0x20] =	vst v5;
	s0 =	smov.u32 s1;
	s1 =	smov.u32 s5  }
0x56: {  	v13 =	vld [tilespmem:s5+$0xFFFFFFD0];
	p0 =	slt.u32 s3, $0x6380;
	vm1 =	vgt.s32 v9, $0x7A7FF;
	v2 =	vshll.u32 v9, $0x1;
	v5 =	vsel vm0, $0xFFF0B001, v14  }
0x57: {  	v1 =	vshll.u32 v1, $0x1;
	v3 =	vshll.u32 v3, $0x1;
	v59 =	vld [tilespmem:s5+$0xFFFFFFE0];
	v9 =	vsel vm1, $0xFFF0B001, v14  }
0x58: {  	v4 =	vadd.s32 v7, v4;
	v6 =	vadd.s32 v56, v6;
	v60 =	vld [tilespmem:s5+$0xFFFFFFF0];
	v9 =	vadd.s32 v2, v9  }
0x59: {  	v7 =	vadd.s32 v58, v8;
	v11 =	vadd.s32 v11, v57;
	v12 =	vadd.s32 v1, v12;
	v2 =	vld [tilespmem:s5+$0x0];
	[tilespmem:s0+$0xFFFFFFC0] =	vst v9  }
0x5a: {  	v5 =	vadd.s32 v3, v5;
	v1 =	vld [tilespmem:s5+$0x10];
	vm0 =	vgt.s32 v10, $0x7A7FF;
	[tilespmem:s0+$0xFFFFFFD0] =	vst v4  }
.Ltmp0:
0x5b: {  	v10 =	vshll.u32 v10, $0x1;
	vm1 =	vgt.s32 v13, $0x7A7FF;
	v3 =	vld [tilespmem:s5+$0x20];
	v8 =	vsel vm0, $0xFFF0B001, v14;
	[tilespmem:s0+$0xFFFFFFE0] =	vst v6;
	(pc) =	sbr.rel @p0 .LBB2_2-.Ltmp0, $4  }
0x5c: {  	v9 =	vld [tilespmem:s5+$0xFFFFFFC0];
	v4 =	vsel vm1, $0xFFF0B001, v14;
	vm0 =	vgt.s32 v59, $0x7A7FF;
	v8 =	vadd.s32 v10, v8;
	[tilespmem:s0+$0xFFFFFFF0] =	vst v7  }
0x5d: {  	v7 =	vshll.u32 v13, $0x1;
	v6 =	vsel vm0, $0xFFF0B001, v14;
	vm0 =	vgt.s32 v60, $0x7A7FF;
	[tilespmem:s5+$0x30] =	vst v8  }
0x5e: {  	v56 =	vshll.u32 v59, $0x1;
	v8 =	vsel vm0, $0xFFF0B001, v14;
	vm0 =	vgt.s32 v2, $0x7A7FF;
	[tilespmem:s0+$0x0] =	vst v11  }
0x5f: {  	v58 =	vshll.u32 v60, $0x1;
	s5 =	sadd.s32 $0x80, s5;
	v57 =	vsel vm0, $0xFFF0B001, v14;
	vm0 =	vgt.s32 v1, $0x7A7FF;
	[tilespmem:s0+$0x10] =	vst v12  }
0x60: {  	[tilespmem:s0+$0x20] =	vst v5;
	v4 =	vadd.s32 v7, v4;
	v2 =	vshll.u32 v2, $0x1;
	v1 =	vshll.u32 v1, $0x1  }
0x61: {  	vm1 =	vgt.s32 v9, $0x7A7FF;
	[tilespmem:s1+$0xFFFFFFD0] =	vst v4;
	v4 =	vsel vm0, $0xFFF0B001, v14;
	v2 =	vadd.s32 v2, v57  }
0x62: {  	v9 =	vshll.u32 v9, $0x1;
	v10 =	vsel vm1, $0xFFF0B001, v14;
	v1 =	vadd.s32 v1, v4;
	[tilespmem:s1+$0x0] =	vst v2  }
0x63: {  	v5 =	vadd.s32 v9, v10;
	[tilespmem:s1+$0x10] =	vst v1  }
0x64: {  	vm15 =	vgt.s32 v3, $0x7A7FF;
	[tilespmem:s1+$0xFFFFFFC0] =	vst v5;
	v5 =	vadd.s32 v56, v6  }
0x65: {  	v3 =	vshll.u32 v3, $0x1;
	v6 =	vadd.s32 v58, v8;
	[tilespmem:s1+$0xFFFFFFE0] =	vst v5;
	v5 =	vsel vm15, $0xFFF0B001, v14  }
0x66: {  	[tilespmem:s1+$0xFFFFFFF0] =	vst v6;
	v2 =	vadd.s32 v3, v5  }
0x67: {  	s30 =	simm.s32 $0x0;
	[tilespmem:s1+$0x20] =	vst v2  }
0x68: {  	[tilespmem:s13], [sflag:$0x1] =	stream.indirect.gather [hbm4b:s4+s12], $0x40, s30, s12, $0xb8;
	[tilespmem:$0x16400] =	vst v63  }
0x69: {  	_ = 	snop  }
0x6a: {  	[tilespmem:s14], [sflag:$0x2] =	stream.indirect.gather [hbm4b:s4+s12], $0x40, s12, s12, $0xb8;
	[tilespmem:$0x16400] =	vst v63  }
0x6b: {  	_ =	swait.ge [sflag:s15], $0x4000  }
0x6c: {  	[sflag:s15] =	ssyncset.done $0x0  }
0x6d: {  	s3 =	simm.s32 $0x6500;
	s22 =	simm.s32 $0x7;
	[sflag:s15] =	ssyncadd.s32 $0xFFFFC000  }
0x6e: {  	s8 =	simm.s32 $0x1;
	v2 =	vor.u32 s22, v15;
	v1 =	vld [tilespmem:s3+$0xC0]  }
0x6f: {  	s10 =	simm.s32 $0x2;
	v4 =	vor.u32 s8, v26;
	v3 =	vld [tilespmem:s3+$0xFFFFFF40]  }
0x70: {  	s5 =	simm.s32 $0x3;
	v6 =	vor.u32 s10, v30;
	v5 =	vld [tilespmem:s3+$0xFFFFFF80]  }
0x71: {  	s31 =	simm.s32 $0x4;
	v8 =	vor.u32 s5, v21;
	v7 =	vld [tilespmem:s3+$0xFFFFFFC0]  }
0x72: {  	s9 =	simm.s32 $0x5;
	v10 =	vor.u32 s31, v32;
	v9 =	vld [tilespmem:s3+$0x0]  }
0x73: {  	s17 =	simm.s32 $0x6;
	v12 =	vor.u32 s9, v38;
	v11 =	vld [tilespmem:s3+$0x40];
	[tilespmem:v2+s16+$0x0] =	vst.idx.msk $0xffff, v1  }
0x74: {  	[tilespmem:v4+s16+$0x0] =	vst.idx.msk $0xffff, v3;
	v3 =	vld [tilespmem:s3+$0x80];
	v4 =	vor.u32 s17, v42  }
0x75: {  	v2 =	vor.u32 s22, v46;
	[tilespmem:v6+s16+$0x0] =	vst.idx.msk $0xffff, v5;
	v1 =	vld [tilespmem:s3+$0xD0]  }
0x76: {  	v5 =	vld [tilespmem:s3+$0xFFFFFF00];
	v6 =	vor.u32 s30, v0;
	[tilespmem:v8+s16+$0x0] =	vst.idx.msk $0xffff, v7  }
0x77: {  	v8 =	vor.u32 s8, v27;
	[tilespmem:v10+s16+$0x0] =	vst.idx.msk $0xffff, v9;
	v7 =	vld [tilespmem:s3+$0xFFFFFF50]  }
0x78: {  	v10 =	vor.u32 s10, v31;
	[tilespmem:v12+s16+$0x0] =	vst.idx.msk $0xffff, v11;
	v9 =	vld [tilespmem:s3+$0xFFFFFF90]  }
0x79: {  	v12 =	vor.u32 s5, v22;
	v11 =	vld [tilespmem:s3+$0xFFFFFFD0];
	[tilespmem:v4+s16+$0x0] =	vst.idx.msk $0xffff, v3  }
0x7a: {  	v3 =	vld [tilespmem:s3+$0x10];
	v4 =	vor.u32 s31, v35;
	[tilespmem:v2+s16+$0x0] =	vst.idx.msk $0xffff, v1  }
0x7b: {  	[tilespmem:v6+s16+$0x0] =	vst.idx.msk $0xffff, v5;
	v2 =	vor.u32 s22, v55;
	v1 =	vld [tilespmem:s3+$0xE0]  }
0x7c: {  	v5 =	vld [tilespmem:s3+$0x50];
	v6 =	vor.u32 s9, v39;
	[tilespmem:v8+s16+$0x0] =	vst.idx.msk $0xffff, v7  }
0x7d: {  	[tilespmem:v10+s16+$0x0] =	vst.idx.msk $0xffff, v9;
	v7 =	vld [tilespmem:s3+$0x90];
	v8 =	vor.u32 s17, v43  }
0x7e: {  	v9 =	vld [tilespmem:s3+$0xFFFFFF10];
	v10 =	vor.u32 s30, v23;
	[tilespmem:v12+s16+$0x0] =	vst.idx.msk $0xffff, v11  }
0x7f: {  	v12 =	vor.u32 s8, v28;
	v11 =	vld [tilespmem:s3+$0xFFFFFF60];
	[tilespmem:v4+s16+$0x0] =	vst.idx.msk $0xffff, v3  }
0x80: {  	v3 =	vld [tilespmem:s3+$0xFFFFFFA0];
	v4 =	vor.u32 s10, v33;
	[tilespmem:v2+s16+$0x0] =	vst.idx.msk $0xffff, v1  }
0x81: {  	[tilespmem:v6+s16+$0x0] =	vst.idx.msk $0xffff, v5;
	v2 =	vor.u32 s22, v16;
	v1 =	vld [tilespmem:s3+$0xF0]  }
0x82: {  	v5 =	vld [tilespmem:s3+$0xFFFFFFE0];
	v6 =	vor.u32 s5, v17;
	[tilespmem:v8+s16+$0x0] =	vst.idx.msk $0xffff, v7  }
0x83: {  	[tilespmem:v10+s16+$0x0] =	vst.idx.msk $0xffff, v9;
	v7 =	vld [tilespmem:s3+$0x20];
	v8 =	vor.u32 s31, v36  }
0x84: {  	v9 =	vld [tilespmem:s3+$0x60];
	v10 =	vor.u32 s9, v40;
	[tilespmem:v12+s16+$0x0] =	vst.idx.msk $0xffff, v11  }
0x85: {  	v11 =	vld [tilespmem:s3+$0xA0];
	v12 =	vor.u32 s17, v44;
	[tilespmem:v4+s16+$0x0] =	vst.idx.msk $0xffff, v3  }
0x86: {  	[tilespmem:v2+s16+$0x0] =	vst.idx.msk $0xffff, v1;
	v1 =	vld [tilespmem:s3+$0xFFFFFF20];
	v2 =	vor.u32 s30, v24  }
0x87: {  	v13 =	vor.u32 s8, v29;
	v3 =	vld [tilespmem:s3+$0xFFFFFF70];
	[tilespmem:v6+s16+$0x0] =	vst.idx.msk $0xffff, v5  }
0x88: {  	v63 =	vor.u32 s10, v52;
	v62 =	vld [tilespmem:s3+$0xFFFFFFB0];
	[tilespmem:v8+s16+$0x0] =	vst.idx.msk $0xffff, v7  }
0x89: {  	v8 =	vld [tilespmem:s3+$0xFFFFFFF0];
	[tilespmem:v10+s16+$0x0] =	vst.idx.msk $0xffff, v9;
	v10 =	vor.u32 s5, v25  }
0x8a: {  	v9 =	vor.u32 s31, v53;
	v4 =	vld [tilespmem:s3+$0x30];
	[tilespmem:v12+s16+$0x0] =	vst.idx.msk $0xffff, v11  }
0x8b: {  	v7 =	vor.u32 s9, v41;
	[tilespmem:v2+s16+$0x0] =	vst.idx.msk $0xffff, v1;
	v1 =	vld [tilespmem:s3+$0x70]  }
0x8c: {  	s26 =	simm.s32 $0x8;
	v5 =	vor.u32 s17, v18;
	[tilespmem:v13+s16+$0x0] =	vst.idx.msk $0xffff, v3;
	v2 =	vld [tilespmem:s3+$0xB0]  }
0x8d: {  	s29 =	simm.s32 $0xF;
	s28 =	simm.s32 $0x6700;
	s1 =	simm.s32 $0x10;
	v6 =	vor.u32 s30, v45;
	[tilespmem:v63+s16+$0x0] =	vst.idx.msk $0xffff, v62;
	v3 =	vld [tilespmem:s3+$0xFFFFFF30]  }
.LBB2_4:
0x8e: {  	p0 =	slt.u32 s1, $0x78;
	s17 =	sadd.s32 $0x1, s26;
	v11 =	vld [tilespmem:s28+$0xC0];
	v12 =	vor.u32 s29, v15;
	[tilespmem:v10+s16+$0x0] =	vst.idx.msk $0xffff, v8;
	s0 =	smov.u32 s26  }
0x8f: {  	s26 =	smov.u32 s1;
	v8 =	vld [tilespmem:s28+$0xFFFFFF40];
	v10 =	vor.u32 s17, v26;
	s22 =	sadd.s32 $0x2, s0;
	[tilespmem:v9+s16+$0x0] =	vst.idx.msk $0xffff, v4  }
0x90: {  	s3 =	sadd.s32 $0x3, s0;
	v4 =	vld [tilespmem:s28+$0xFFFFFF80];
	v9 =	vor.u32 s22, v30;
	[tilespmem:v7+s16+$0x0] =	vst.idx.msk $0xffff, v1  }
0x91: {  	s5 =	sadd.s32 $0x4, s0;
	v7 =	vor.u32 s3, v21;
	v1 =	vld [tilespmem:s28+$0xFFFFFFC0];
	[tilespmem:v5+s16+$0x0] =	vst.idx.msk $0xffff, v2  }
0x92: {  	s30 =	sadd.s32 $0x5, s0;
	v5 =	vor.u32 s5, v32;
	v2 =	vld [tilespmem:s28+$0x0];
	[tilespmem:v6+s16+$0x0] =	vst.idx.msk $0xffff, v3  }
0x93: {  	v6 =	vor.u32 s30, v38;
	v3 =	vld [tilespmem:s28+$0x40];
	[tilespmem:v12+s16+$0x0] =	vst.idx.msk $0xffff, v11  }
0x94: {  	s8 =	sadd.s32 $0x6, s0;
	[tilespmem:v10+s16+$0x0] =	vst.idx.msk $0xffff, v8;
	v8 =	vld [tilespmem:s28+$0xD0];
	v10 =	vor.u32 s29, v46  }
0x95: {  	[tilespmem:v9+s16+$0x0] =	vst.idx.msk $0xffff, v4;
	v4 =	vld [tilespmem:s28+$0x80];
	v9 =	vor.u32 s8, v42  }
0x96: {  	v12 =	vor.u32 s0, v0;
	v11 =	vld [tilespmem:s28+$0xFFFFFF00];
	[tilespmem:v7+s16+$0x0] =	vst.idx.msk $0xffff, v1  }
0x97: {  	v7 =	vor.u32 s17, v27;
	v1 =	vld [tilespmem:s28+$0xFFFFFF50];
	[tilespmem:v5+s16+$0x0] =	vst.idx.msk $0xffff, v2  }
0x98: {  	v5 =	vor.u32 s22, v31;
	v2 =	vld [tilespmem:s28+$0xFFFFFF90];
	[tilespmem:v6+s16+$0x0] =	vst.idx.msk $0xffff, v3  }
0x99: {  	v6 =	vor.u32 s3, v22;
	v3 =	vld [tilespmem:s28+$0xFFFFFFD0];
	[tilespmem:v10+s16+$0x0] =	vst.idx.msk $0xffff, v8  }
0x9a: {  	v8 =	vor.u32 s29, v55;
	[tilespmem:v9+s16+$0x0] =	vst.idx.msk $0xffff, v4;
	v4 =	vld [tilespmem:s28+$0xE0]  }
0x9b: {  	v10 =	vor.u32 s5, v35;
	[tilespmem:v12+s16+$0x0] =	vst.idx.msk $0xffff, v11;
	v9 =	vld [tilespmem:s28+$0x10]  }
0x9c: {  	[tilespmem:v7+s16+$0x0] =	vst.idx.msk $0xffff, v1;
	v1 =	vld [tilespmem:s28+$0x50];
	v7 =	vor.u32 s30, v39  }
0x9d: {  	[tilespmem:v5+s16+$0x0] =	vst.idx.msk $0xffff, v2;
	v2 =	vld [tilespmem:s28+$0x90];
	v5 =	vor.u32 s8, v43  }
0x9e: {  	v12 =	vor.u32 s0, v23;
	v11 =	vld [tilespmem:s28+$0xFFFFFF10];
	[tilespmem:v6+s16+$0x0] =	vst.idx.msk $0xffff, v3  }
0x9f: {  	v6 =	vor.u32 s17, v28;
	v3 =	vld [tilespmem:s28+$0xFFFFFF60];
	[tilespmem:v8+s16+$0x0] =	vst.idx.msk $0xffff, v4  }
0xa0: {  	v8 =	vor.u32 s29, v16;
	[tilespmem:v10+s16+$0x0] =	vst.idx.msk $0xffff, v9;
	v4 =	vld [tilespmem:s28+$0xF0]  }
0xa1: {  	v10 =	vor.u32 s22, v33;
	v9 =	vld [tilespmem:s28+$0xFFFFFFA0];
	[tilespmem:v7+s16+$0x0] =	vst.idx.msk $0xffff, v1  }
0xa2: {  	v7 =	vor.u32 s3, v17;
	v1 =	vld [tilespmem:s28+$0xFFFFFFE0];
	[tilespmem:v5+s16+$0x0] =	vst.idx.msk $0xffff, v2  }
0xa3: {  	v5 =	vor.u32 s5, v36;
	[tilespmem:v12+s16+$0x0] =	vst.idx.msk $0xffff, v11;
	v2 =	vld [tilespmem:s28+$0x20]  }
0xa4: {  	[tilespmem:v6+s16+$0x0] =	vst.idx.msk $0xffff, v3;
	v3 =	vld [tilespmem:s28+$0x60];
	v6 =	vor.u32 s30, v40  }
0xa5: {  	v12 =	vor.u32 s8, v44;
	v11 =	vld [tilespmem:s28+$0xA0];
	[tilespmem:v8+s16+$0x0] =	vst.idx.msk $0xffff, v4  }
0xa6: {  	v56 =	vor.u32 s0, v24;
	v13 =	vld [tilespmem:s28+$0xFFFFFF20];
	[tilespmem:v10+s16+$0x0] =	vst.idx.msk $0xffff, v9  }
0xa7: {  	v58 =	vor.u32 s17, v29;
	v57 =	vld [tilespmem:s28+$0xFFFFFF70];
	[tilespmem:v7+s16+$0x0] =	vst.idx.msk $0xffff, v1  }
0xa8: {  	v60 =	vor.u32 s22, v52;
	v59 =	vld [tilespmem:s28+$0xFFFFFFB0];
	[tilespmem:v5+s16+$0x0] =	vst.idx.msk $0xffff, v2  }
.Ltmp1:
0xa9: {  	v10 =	vor.u32 s3, v25;
	v8 =	vld [tilespmem:s28+$0xFFFFFFF0];
	[tilespmem:v6+s16+$0x0] =	vst.idx.msk $0xffff, v3;
	(pc) =	sbr.rel @p0 .LBB2_4-.Ltmp1, $4  }
0xaa: {  	v9 =	vor.u32 s5, v53;
	v4 =	vld [tilespmem:s28+$0x30];
	[tilespmem:v12+s16+$0x0] =	vst.idx.msk $0xffff, v11  }
0xab: {  	v7 =	vor.u32 s30, v41;
	[tilespmem:v56+s16+$0x0] =	vst.idx.msk $0xffff, v13;
	v1 =	vld [tilespmem:s28+$0x70]  }
0xac: {  	v5 =	vor.u32 s8, v18;
	[tilespmem:v58+s16+$0x0] =	vst.idx.msk $0xffff, v57;
	v2 =	vld [tilespmem:s28+$0xB0]  }
0xad: {  	s1 =	sadd.s32 $0x8, s1;
	s29 =	sadd.s32 $0x7, s26;
	v6 =	vor.u32 s0, v45;
	v3 =	vld [tilespmem:s28+$0xFFFFFF30];
	[tilespmem:v60+s16+$0x0] =	vst.idx.msk $0xffff, v59;
	s28 =	sadd.s32 $0x200, s28  }
0xae: {  	_ =	sdelay $0x3  }
0xaf: {  	s0 =	sadd.s32 $0x1, s26;
	v11 =	vld [tilespmem:s28+$0xC0];
	v12 =	vor.u32 s29, v15;
	[tilespmem:v10+s16+$0x0] =	vst.idx.msk $0xffff, v8  }
0xb0: {  	v8 =	vld [tilespmem:s28+$0xFFFFFF40];
	s1 =	sadd.s32 $0x2, s26;
	v10 =	vor.u32 s0, v26;
	[tilespmem:v9+s16+$0x0] =	vst.idx.msk $0xffff, v4  }
0xb1: {  	s3 =	sadd.s32 $0x3, s26;
	v4 =	vld [tilespmem:s28+$0xFFFFFF80];
	v9 =	vor.u32 s1, v30;
	[tilespmem:v7+s16+$0x0] =	vst.idx.msk $0xffff, v1  }
0xb2: {  	s5 =	sadd.s32 $0x4, s26;
	v1 =	vld [tilespmem:s28+$0xFFFFFFC0];
	v7 =	vor.u32 s3, v21;
	[tilespmem:v5+s16+$0x0] =	vst.idx.msk $0xffff, v2  }
0xb3: {  	s8 =	sadd.s32 $0x5, s26;
	v2 =	vld [tilespmem:s28+$0x0];
	v5 =	vor.u32 s5, v32;
	[tilespmem:v6+s16+$0x0] =	vst.idx.msk $0xffff, v3  }
0xb4: {  	v3 =	vld [tilespmem:s28+$0x40];
	v6 =	vor.u32 s8, v38;
	[tilespmem:v12+s16+$0x0] =	vst.idx.msk $0xffff, v11  }
0xb5: {  	s9 =	sadd.s32 $0x6, s26;
	[tilespmem:v10+s16+$0x0] =	vst.idx.msk $0xffff, v8;
	v8 =	vld [tilespmem:s28+$0xD0];
	v10 =	vor.u32 s29, v46  }
0xb6: {  	[tilespmem:v9+s16+$0x0] =	vst.idx.msk $0xffff, v4;
	v4 =	vld [tilespmem:s28+$0x80];
	v9 =	vor.u32 s9, v42  }
0xb7: {  	v11 =	vld [tilespmem:s28+$0xFFFFFF00];
	v12 =	vor.u32 s26, v0;
	[tilespmem:v7+s16+$0x0] =	vst.idx.msk $0xffff, v1  }
0xb8: {  	v1 =	vld [tilespmem:s28+$0xFFFFFF50];
	v7 =	vor.u32 s0, v27;
	[tilespmem:v5+s16+$0x0] =	vst.idx.msk $0xffff, v2  }
0xb9: {  	v2 =	vld [tilespmem:s28+$0xFFFFFF90];
	v5 =	vor.u32 s1, v31;
	[tilespmem:v6+s16+$0x0] =	vst.idx.msk $0xffff, v3  }
0xba: {  	v3 =	vld [tilespmem:s28+$0xFFFFFFD0];
	v6 =	vor.u32 s3, v22;
	[tilespmem:v10+s16+$0x0] =	vst.idx.msk $0xffff, v8  }
0xbb: {  	[tilespmem:v9+s16+$0x0] =	vst.idx.msk $0xffff, v4;
	v9 =	vld [tilespmem:s28+$0x10];
	v10 =	vor.u32 s5, v35  }
0xbc: {  	[tilespmem:v12+s16+$0x0] =	vst.idx.msk $0xffff, v11;
	v8 =	vor.u32 s29, v55;
	v4 =	vld [tilespmem:s28+$0xE0]  }
0xbd: {  	[tilespmem:v7+s16+$0x0] =	vst.idx.msk $0xffff, v1;
	v1 =	vld [tilespmem:s28+$0x50];
	v7 =	vor.u32 s8, v39  }
0xbe: {  	v12 =	vor.u32 s26, v23;
	v11 =	vld [tilespmem:s28+$0xFFFFFF10];
	[tilespmem:v5+s16+$0x0] =	vst.idx.msk $0xffff, v2  }
0xbf: {  	v2 =	vld [tilespmem:s28+$0x90];
	v5 =	vor.u32 s9, v43;
	[tilespmem:v6+s16+$0x0] =	vst.idx.msk $0xffff, v3  }
0xc0: {  	v3 =	vld [tilespmem:s28+$0xFFFFFF60];
	v6 =	vor.u32 s0, v28;
	[tilespmem:v10+s16+$0x0] =	vst.idx.msk $0xffff, v9  }
0xc1: {  	v9 =	vld [tilespmem:s28+$0xFFFFFFA0];
	v10 =	vor.u32 s1, v33;
	[tilespmem:v8+s16+$0x0] =	vst.idx.msk $0xffff, v4  }
0xc2: {  	[tilespmem:v7+s16+$0x0] =	vst.idx.msk $0xffff, v1;
	v1 =	vld [tilespmem:s28+$0xFFFFFFE0];
	v7 =	vor.u32 s3, v17  }
0xc3: {  	[tilespmem:v12+s16+$0x0] =	vst.idx.msk $0xffff, v11;
	v8 =	vor.u32 s29, v16;
	v4 =	vld [tilespmem:s28+$0xF0]  }
0xc4: {  	[tilespmem:v5+s16+$0x0] =	vst.idx.msk $0xffff, v2;
	v2 =	vld [tilespmem:s28+$0x20];
	v5 =	vor.u32 s5, v36  }
0xc5: {  	[tilespmem:v6+s16+$0x0] =	vst.idx.msk $0xffff, v3;
	v3 =	vld [tilespmem:s28+$0x60];
	v6 =	vor.u32 s8, v40  }
0xc6: {  	v12 =	vor.u32 s9, v44;
	v11 =	vld [tilespmem:s28+$0xA0];
	[tilespmem:v10+s16+$0x0] =	vst.idx.msk $0xffff, v9  }
0xc7: {  	v9 =	vld [tilespmem:s28+$0xFFFFFF70];
	v10 =	vor.u32 s0, v29;
	[tilespmem:v7+s16+$0x0] =	vst.idx.msk $0xffff, v1  }
0xc8: {  	[tilespmem:v8+s16+$0x0] =	vst.idx.msk $0xffff, v4;
	v4 =	vld [tilespmem:s28+$0xFFFFFF20];
	v8 =	vor.u32 s26, v24  }
0xc9: {  	v1 =	vld [tilespmem:s28+$0xFFFFFFB0];
	v7 =	vor.u32 s1, v52;
	[tilespmem:v5+s16+$0x0] =	vst.idx.msk $0xffff, v2  }
0xca: {  	v2 =	vld [tilespmem:s28+$0xFFFFFFF0];
	v5 =	vor.u32 s3, v25;
	[tilespmem:v6+s16+$0x0] =	vst.idx.msk $0xffff, v3  }
0xcb: {  	v3 =	vld [tilespmem:s28+$0x30];
	v6 =	vor.u32 s5, v53;
	[tilespmem:v12+s16+$0x0] =	vst.idx.msk $0xffff, v11  }
0xcc: {  	[tilespmem:v10+s16+$0x0] =	vst.idx.msk $0xffff, v9;
	v9 =	vld [tilespmem:s28+$0xB0];
	v10 =	vor.u32 s9, v18  }
0xcd: {  	[tilespmem:v8+s16+$0x0] =	vst.idx.msk $0xffff, v4;
	v4 =	vld [tilespmem:s28+$0x70];
	v8 =	vor.u32 s8, v41  }
0xce: {  	v12 =	vor.u32 s26, v45;
	[tilespmem:v7+s16+$0x0] =	vst.idx.msk $0xffff, v1;
	v11 =	vld [tilespmem:s28+$0xFFFFFF30]  }
0xcf: {  	[tilespmem:v5+s16+$0x0] =	vst.idx.msk $0xffff, v2  }
0xd0: {  	[tilespmem:v6+s16+$0x0] =	vst.idx.msk $0xffff, v3  }
0xd1: {  	[tilespmem:v10+s16+$0x0] =	vst.idx.msk $0xffff, v9  }
0xd2: {  	[tilespmem:v8+s16+$0x0] =	vst.idx.msk $0xffff, v4  }
0xd3: {  	[tilespmem:v12+s16+$0x0] =	vst.idx.msk $0xffff, v11  }
0xd4: {  	v18 =	vld [tilespmem:$0x1FCE0]  }
0xd5: {  	v38 =	vld [tilespmem:$0x1FD20]  }
0xd6: {  	v56 =	vor.u32 $0x2007, v0;
	s26 =	simm.s32 $0x85F0;
	s28 =	simm.s32 $0x0;
	v43 =	vld [tilespmem:$0x1FD60]  }
0xd7: {  	v2 =	vor.u32 s28, v56;
	v1 =	vld [tilespmem:s26+$0xFFFFFFD0]  }
0xd8: {  	v3 =	vor.u32 s28, v50;
	v4 =	vld [tilespmem:s26+$0xFFFFFE10]  }
0xd9: {  	v6 =	vld [tilespmem:s26+$0xFFFFFE50];
	v5 =	vor.u32 s28, v18  }
0xda: {  	v8 =	vld [tilespmem:s26+$0xFFFFFE90];
	v7 =	vor.u32 s28, v38  }
0xdb: {  	v10 =	vld [tilespmem:s26+$0xFFFFFED0];
	v9 =	vor.u32 s28, v43  }
0xdc: {  	v59 =	vor.u32 $0x2807, v0;
	v11 =	vor.u32 s28, v48;
	v12 =	vld [tilespmem:s26+$0xFFFFFF10];
	[tilespmem:v2+s16+$0x0] =	vst.idx.msk $0xffff, v1  }
0xdd: {  	[tilespmem:v3+s16+$0x0] =	vst.idx.msk $0xffff, v4;
	v2 =	vor.u32 s28, v59;
	v1 =	vld [tilespmem:s26+$0xFFFFFFE0]  }
0xde: {  	v57 =	vor.u32 $0x2006, v0;
	v3 =	vor.u32 s28, v51;
	v4 =	vld [tilespmem:s26+$0xFFFFFF50];
	[tilespmem:v5+s16+$0x0] =	vst.idx.msk $0xffff, v6  }
0xdf: {  	v5 =	vor.u32 s28, v57;
	[tilespmem:v7+s16+$0x0] =	vst.idx.msk $0xffff, v8;
	v6 =	vld [tilespmem:s26+$0xFFFFFF90]  }
0xe0: {  	v19 =	vld [tilespmem:$0x1FCB0];
	[tilespmem:v9+s16+$0x0] =	vst.idx.msk $0xffff, v10  }
0xe1: {  	v32 =	vld [tilespmem:$0x1FCF0];
	[tilespmem:v11+s16+$0x0] =	vst.idx.msk $0xffff, v12  }
0xe2: {  	v39 =	vld [tilespmem:$0x1FD30];
	[tilespmem:v2+s16+$0x0] =	vst.idx.msk $0xffff, v1  }
0xe3: {  	v8 =	vld [tilespmem:s26+$0xFFFFFE20];
	[tilespmem:v3+s16+$0x0] =	vst.idx.msk $0xffff, v4  }
0xe4: {  	v44 =	vld [tilespmem:$0x1FD70];
	[tilespmem:v5+s16+$0x0] =	vst.idx.msk $0xffff, v6  }
0xe5: {  	v54 =	vmov v55;
	v7 =	vor.u32 s28, v19;
	v55 =	vld [tilespmem:$0x1FD90]  }
0xe6: {  	v10 =	vld [tilespmem:s26+$0xFFFFFE60];
	v9 =	vor.u32 s28, v32  }
0xe7: {  	v63 =	vor.u32 $0x3007, v0;
	v12 =	vld [tilespmem:s26+$0xFFFFFEA0];
	v11 =	vor.u32 s28, v39  }
0xe8: {  	v2 =	vor.u32 s28, v63;
	v1 =	vld [tilespmem:s26+$0xFFFFFFF0]  }
0xe9: {  	v4 =	vld [tilespmem:s26+$0xFFFFFEE0];
	v3 =	vor.u32 s28, v44  }
0xea: {  	v6 =	vld [tilespmem:s26+$0xFFFFFF20];
	v5 =	vor.u32 s28, v55;
	[tilespmem:v7+s16+$0x0] =	vst.idx.msk $0xffff, v8  }
0xeb: {  	v7 =	vor.u32 s28, v49;
	v8 =	vld [tilespmem:s26+$0xFFFFFF60];
	[tilespmem:v9+s16+$0x0] =	vst.idx.msk $0xffff, v10  }
0xec: {  	[tilespmem:v11+s16+$0x0] =	vst.idx.msk $0xffff, v12  }
0xed: {  	v25 =	vld [tilespmem:$0x1FCC0];
	[tilespmem:v2+s16+$0x0] =	vst.idx.msk $0xffff, v1  }
0xee: {  	v10 =	vld [tilespmem:s26+$0xFFFFFFA0];
	[tilespmem:v3+s16+$0x0] =	vst.idx.msk $0xffff, v4  }
0xef: {  	v35 =	vld [tilespmem:$0x1FD00];
	[tilespmem:v5+s16+$0x0] =	vst.idx.msk $0xffff, v6  }
0xf0: {  	v58 =	vor.u32 $0x2806, v0;
	v40 =	vld [tilespmem:$0x1FD40];
	[tilespmem:v7+s16+$0x0] =	vst.idx.msk $0xffff, v8  }
0xf1: {  	v9 =	vor.u32 s28, v58;
	v46 =	vld [tilespmem:$0x1FD80]  }
0xf2: {  	v12 =	vld [tilespmem:s26+$0xFFFFFE30];
	v1 =	vor.u32 $0x3807, v0;
	v11 =	vor.u32 s28, v25  }
0xf3: {  	v2 =	vld [tilespmem:s26+$0x0];
	v3 =	vor.u32 s28, v1  }
0xf4: {  	v13 =	vld [tilespmem:s26+$0xFFFFFE70];
	v4 =	vor.u32 s28, v35  }
0xf5: {  	v6 =	vld [tilespmem:s26+$0xFFFFFEB0];
	v5 =	vor.u32 s28, v40  }
0xf6: {  	v8 =	vld [tilespmem:s26+$0xFFFFFEF0];
	[tilespmem:v9+s16+$0x0] =	vst.idx.msk $0xffff, v10;
	v7 =	vor.u32 s28, v46  }
0xf7: {  	v10 =	vor.u32 s28, v20;
	[tilespmem:v11+s16+$0x0] =	vst.idx.msk $0xffff, v12;
	v12 =	vld [tilespmem:s26+$0xFFFFFF30]  }
0xf8: {  	v53 =	vld [tilespmem:$0x1FDA0];
	[tilespmem:v3+s16+$0x0] =	vst.idx.msk $0xffff, v2  }
0xf9: {  	[tilespmem:v4+s16+$0x0] =	vst.idx.msk $0xffff, v13  }
0xfa: {  	[tilespmem:v5+s16+$0x0] =	vst.idx.msk $0xffff, v6  }
0xfb: {  	v16 =	vld [tilespmem:s26+$0xFFFFFF70];
	[tilespmem:v7+s16+$0x0] =	vst.idx.msk $0xffff, v8  }
0xfc: {  	v34 =	vld [tilespmem:$0x1FCD0];
	[tilespmem:v10+s16+$0x0] =	vst.idx.msk $0xffff, v12  }
0xfd: {  	v60 =	vor.u32 $0x3006, v0;
	v36 =	vld [tilespmem:$0x1FD10]  }
0xfe: {  	v15 =	vor.u32 s28, v60;
	v2 =	vld [tilespmem:s26+$0xFFFFFFB0]  }
0xff: {  	p0 =	por $0x1, $0x1;
	v14 =	vor.u32 s28, v53;
	v42 =	vld [tilespmem:$0x1FD50]  }
.Ltmp2:
0x100: {  	v13 =	vld [tilespmem:s26+$0xFFFFFE40];
	(pc) =	sbr.rel @!p0 .LBB2_7-.Ltmp2, $4  }
0x101: {  	v11 =	vld [tilespmem:s26+$0xFFFFFE80]  }
0x102: {  	v61 =	vor.u32 $0x3805, v0;
	v62 =	vor.u32 $0x3806, v0;
	v9 =	vld [tilespmem:s26+$0xFFFFFEC0];
	v7 =	vor.u32 s28, v36  }
0x103: {  	v4 =	vor.u32 s28, v47;
	v3 =	vor.u32 s28, v61;
	v10 =	vld [tilespmem:s26+$0xFFFFFF00];
	[tilespmem:v15+s16+$0x0] =	vst.idx.msk $0xffff, v2;
	v8 =	vor.u32 s28, v34  }
0x104: {  	v5 =	vor.u32 s28, v37;
	v2 =	vor.u32 s28, v62;
	v12 =	vld [tilespmem:s26+$0xFFFFFF40];
	v6 =	vor.u32 s28, v42;
	[tilespmem:v14+s16+$0x0] =	vst.idx.msk $0xffff, v16  }
.LBB2_6:
0x105: {  	_ = 	snop  }
0x106: {  	v1 =	vld [tilespmem:s26+$0xFFFFFF80]  }
0x107: {  	s28 =	sadd.s32 $0x8, s28;
	v56 =	vor.u32 $0x2007, v0;
	[tilespmem:v7+s16+$0x0] =	vst.idx.msk $0xffff, v11;
	v7 =	vld [tilespmem:s26+$0xFFFFFFC0];
	s26 =	sadd.s32 $0x200, s26  }
0x108: {  	v59 =	vor.u32 s28, v56;
	[tilespmem:v8+s16+$0x0] =	vst.idx.msk $0xffff, v13;
	v13 =	vld [tilespmem:s26+$0xFFFFFFD0]  }
0x109: {  	v57 =	vor.u32 $0x2006, v0  }
0x10a: {  	v15 =	vor.u32 s28, v57  }
0x10b: {  	[tilespmem:$0x1FBD0] =	vst v15;
	v15 =	vor.u32 s28, v39  }
0x10c: {  	[tilespmem:$0x1FBF0] =	vst v15  }
0x10d: {  	v15 =	vor.u32 s28, v44;
	[tilespmem:v59+s16+$0x0] =	vst.idx.msk $0xffff, v13;
	v59 =	vor.u32 $0x2807, v0  }
0x10e: {  	[tilespmem:$0x1FC00] =	vst v15;
	v13 =	vld [tilespmem:s26+$0xFFFFFFE0];
	v15 =	vor.u32 s28, v59  }
0x10f: {  	[tilespmem:v6+s16+$0x0] =	vst.idx.msk $0xffff, v9  }
0x110: {  	[tilespmem:v5+s16+$0x0] =	vst.idx.msk $0xffff, v10  }
0x111: {  	v9 =	vor.u32 s28, v38;
	v5 =	vor.u32 s28, v19;
	[tilespmem:v4+s16+$0x0] =	vst.idx.msk $0xffff, v12;
	v4 =	vld [tilespmem:s26+$0xFFFFFE90]  }
0x112: {  	[tilespmem:$0x1FBE0] =	vst v5;
	v5 =	vld [tilespmem:s26+$0xFFFFFE50]  }
0x113: {  	v11 =	vor.u32 s28, v18;
	[tilespmem:v15+s16+$0x0] =	vst.idx.msk $0xffff, v13;
	v15 =	vld [tilespmem:$0x1FBD0];
	_ =	sdelay $0x1  }
0x114: {  	v8 =	vor.u32 s28, v50;
	v6 =	vld [tilespmem:s26+$0xFFFFFE10];
	[tilespmem:v2+s16+$0x0] =	vst.idx.msk $0xffff, v7  }
0x115: {  	[tilespmem:v9+s16+$0x0] =	vst.idx.msk $0xffff, v4;
	v9 =	vld [tilespmem:s26+$0xFFFFFF90]  }
0x116: {  	v63 =	vor.u32 s28, v43;
	[tilespmem:v3+s16+$0x0] =	vst.idx.msk $0xffff, v1;
	v1 =	vld [tilespmem:s26+$0xFFFFFED0]  }
0x117: {  	v10 =	vor.u32 s28, v51;
	[tilespmem:v11+s16+$0x0] =	vst.idx.msk $0xffff, v5;
	v11 =	vld [tilespmem:s26+$0xFFFFFF50];
	_ =	sdelay $0x1  }
0x118: {  	[tilespmem:v8+s16+$0x0] =	vst.idx.msk $0xffff, v6  }
0x119: {  	[tilespmem:v15+s16+$0x0] =	vst.idx.msk $0xffff, v9;
	v9 =	vld [tilespmem:$0x1FBE0]  }
0x11a: {  	v12 =	vor.u32 s28, v32;
	[tilespmem:v63+s16+$0x0] =	vst.idx.msk $0xffff, v1;
	v63 =	vor.u32 $0x3007, v0;
	v1 =	vld [tilespmem:s26+$0xFFFFFE60]  }
0x11b: {  	v2 =	vor.u32 s28, v25;
	[tilespmem:v10+s16+$0x0] =	vst.idx.msk $0xffff, v11;
	v11 =	vor.u32 s28, v63;
	v10 =	vld [tilespmem:s26+$0xFFFFFFF0]  }
0x11c: {  	[tilespmem:$0x1FC40] =	vst v2;
	v2 =	vor.u32 s28, v35;
	v16 =	vld [tilespmem:s26+$0xFFFFFE20]  }
0x11d: {  	v14 =	vor.u32 s28, v48;
	v3 =	vor.u32 s28, v55;
	[tilespmem:$0x1FC50] =	vst v2;
	v2 =	vld [tilespmem:s26+$0xFFFFFF10]  }
0x11e: {  	[tilespmem:$0x1FC10] =	vst v3  }
0x11f: {  	[tilespmem:v12+s16+$0x0] =	vst.idx.msk $0xffff, v1;
	v1 =	vld [tilespmem:$0x1FBF0]  }
0x120: {  	[tilespmem:v11+s16+$0x0] =	vst.idx.msk $0xffff, v10;
	v10 =	vld [tilespmem:$0x1FC00]  }
0x121: {  	[tilespmem:v9+s16+$0x0] =	vst.idx.msk $0xffff, v16;
	v16 =	vld [tilespmem:$0x1FC10]  }
0x122: {  	[tilespmem:v14+s16+$0x0] =	vst.idx.msk $0xffff, v2;
	v14 =	vld [tilespmem:s26+$0xFFFFFEA0]  }
0x123: {  	v13 =	vld [tilespmem:s26+$0xFFFFFEE0]  }
0x124: {  	v9 =	vld [tilespmem:s26+$0xFFFFFF20]  }
0x125: {  	v3 =	vor.u32 s28, v49  }
0x126: {  	[tilespmem:$0x1FC20] =	vst v3  }
0x127: {  	[tilespmem:v1+s16+$0x0] =	vst.idx.msk $0xffff, v14;
	v1 =	vor.u32 $0x3807, v0  }
0x128: {  	v11 =	vor.u32 s28, v1;
	[tilespmem:v10+s16+$0x0] =	vst.idx.msk $0xffff, v13;
	v10 =	vld [tilespmem:s26+$0x0]  }
0x129: {  	[tilespmem:v16+s16+$0x0] =	vst.idx.msk $0xffff, v9;
	v16 =	vld [tilespmem:$0x1FC20];
	_ =	sdelay $0x2  }
0x12a: {  	v12 =	vld [tilespmem:s26+$0xFFFFFF60]  }
0x12b: {  	[tilespmem:v11+s16+$0x0] =	vst.idx.msk $0xffff, v10;
	v10 =	vld [tilespmem:$0x1FC50]  }
0x12c: {  	v58 =	vor.u32 $0x2806, v0  }
0x12d: {  	v3 =	vor.u32 s28, v58  }
0x12e: {  	[tilespmem:$0x1FC30] =	vst v3;
	v13 =	vld [tilespmem:s26+$0xFFFFFE70]  }
0x12f: {  	[tilespmem:v16+s16+$0x0] =	vst.idx.msk $0xffff, v12;
	v16 =	vld [tilespmem:$0x1FC30];
	_ =	sdelay $0x1  }
0x130: {  	v3 =	vor.u32 s28, v40  }
0x131: {  	[tilespmem:$0x1FC60] =	vst v3;
	v14 =	vld [tilespmem:s26+$0xFFFFFFA0]  }
0x132: {  	[tilespmem:v10+s16+$0x0] =	vst.idx.msk $0xffff, v13;
	v10 =	vld [tilespmem:$0x1FC60];
	_ =	sdelay $0x2  }
0x133: {  	v9 =	vld [tilespmem:s26+$0xFFFFFEB0]  }
0x134: {  	[tilespmem:v16+s16+$0x0] =	vst.idx.msk $0xffff, v14;
	v14 =	vld [tilespmem:$0x1FC40]  }
0x135: {  	v3 =	vor.u32 s28, v46  }
0x136: {  	[tilespmem:$0x1FC70] =	vst v3;
	v3 =	vor.u32 s28, v20  }
0x137: {  	[tilespmem:$0x1FC80] =	vst v3;
	v15 =	vld [tilespmem:s26+$0xFFFFFE30]  }
0x138: {  	[tilespmem:v10+s16+$0x0] =	vst.idx.msk $0xffff, v9;
	v9 =	vld [tilespmem:$0x1FC70]  }
0x139: {  	v10 =	vld [tilespmem:$0x1FC80];
	_ =	sdelay $0x1  }
0x13a: {  	v12 =	vld [tilespmem:s26+$0xFFFFFEF0]  }
0x13b: {  	[tilespmem:v14+s16+$0x0] =	vst.idx.msk $0xffff, v15;
	v14 =	vld [tilespmem:s26+$0xFFFFFF30]  }
0x13c: {  	v60 =	vor.u32 $0x3006, v0;
	v3 =	vor.u32 s28, v53  }
0x13d: {  	[tilespmem:$0x1FC90] =	vst v3;
	v3 =	vor.u32 s28, v60  }
0x13e: {  	[tilespmem:$0x1FCA0] =	vst v3  }
0x13f: {  	[tilespmem:v9+s16+$0x0] =	vst.idx.msk $0xffff, v12;
	v12 =	vld [tilespmem:$0x1FC90]  }
0x140: {  	[tilespmem:v10+s16+$0x0] =	vst.idx.msk $0xffff, v14;
	v14 =	vld [tilespmem:$0x1FCA0];
	_ =	sdelay $0x1  }
0x141: {  	v15 =	vld [tilespmem:s26+$0xFFFFFF70]  }
0x142: {  	p0 =	slt.u32 s28, $0x78;
	v16 =	vld [tilespmem:s26+$0xFFFFFFB0]  }
.Ltmp3:
0x143: {  	v11 =	vld [tilespmem:s26+$0xFFFFFE80];
	(pc) =	sbr.rel @p0 .LBB2_6-.Ltmp3, $4  }
0x144: {  	v9 =	vld [tilespmem:s26+$0xFFFFFEC0]  }
0x145: {  	v61 =	vor.u32 $0x3805, v0;
	v62 =	vor.u32 $0x3806, v0;
	v7 =	vor.u32 s28, v36;
	v13 =	vld [tilespmem:s26+$0xFFFFFE40]  }
0x146: {  	v8 =	vor.u32 s28, v34;
	v6 =	vor.u32 s28, v42;
	v5 =	vor.u32 s28, v37;
	v10 =	vld [tilespmem:s26+$0xFFFFFF00];
	[tilespmem:v12+s16+$0x0] =	vst.idx.msk $0xffff, v15  }
0x147: {  	v4 =	vor.u32 s28, v47;
	v3 =	vor.u32 s28, v61;
	v2 =	vor.u32 s28, v62;
	v12 =	vld [tilespmem:s26+$0xFFFFFF40];
	[tilespmem:v14+s16+$0x0] =	vst.idx.msk $0xffff, v16  }
.LBB2_7:
0x148: {  	_ =	sdelay $0x3  }
0x149: {  	[tilespmem:v7+s16+$0x0] =	vst.idx.msk $0xffff, v11;
	v7 =	vld [tilespmem:s26+$0xFFFFFFC0]  }
0x14a: {  	[tilespmem:v8+s16+$0x0] =	vst.idx.msk $0xffff, v13;
	v8 =	vld [tilespmem:s26+$0xFFFFFF80]  }
0x14b: {  	[tilespmem:v6+s16+$0x0] =	vst.idx.msk $0xffff, v9  }
0x14c: {  	[tilespmem:v5+s16+$0x0] =	vst.idx.msk $0xffff, v10  }
0x14d: {  	[tilespmem:v4+s16+$0x0] =	vst.idx.msk $0xffff, v12  }
0x14e: {  	[tilespmem:v2+s16+$0x0] =	vst.idx.msk $0xffff, v7  }
0x14f: {  	s0 =	simm.s32 $0x200;
	[tilespmem:v3+s16+$0x0] =	vst.idx.msk $0xffff, v8  }
0x150: {  	[tilespmem:s13], [sflag:$0x1] =	stream.indirect.gather [hbm4b:s4+s12], $0x40, s0, s12, $0xb8;
	[tilespmem:$0x16400] =	vst v63  }
0x151: {  	s30 =	rddreg [dreg:$0x4]  }
0x152: {  	[hbm4b:s30+s18] =	stream.strided.scatter [tilespmem:s16], [sflag:$0x3], $0x4000, s19, s18, $0x38;
	[tilespmem:$0x16400] =	vst v63  }
0x153: {  	_ =	swait.ge [sflag:s20], $0x4000  }
0x154: {  	v55 =	vld [tilespmem:$0x1FF50];
	_ =	sdelay $0x1  }
0x155: {  	[sflag:s20] =	ssyncset.done $0x0  }
0x156: {  	s31 =	simm.s32 $0xA500;
	s5 =	simm.s32 $0x1;
	[sflag:s20] =	ssyncadd.s32 $0xFFFFC000  }
0x157: {  	s22 =	simm.s32 $0x7;
	v5 =	vor.u32 s5, v26;
	v4 =	vld [tilespmem:s31+$0xFFFFFF40]  }
0x158: {  	s10 =	simm.s32 $0x2;
	v2 =	vld [tilespmem:s31+$0xC0];
	v3 =	vor.u32 s22, v55  }
0x159: {  	v7 =	vor.u32 s10, v30;
	v6 =	vld [tilespmem:s31+$0xFFFFFF80];
	_ =	sdelay $0x1  }
0x15a: {  	v32 =	vld [tilespmem:$0x1FE90]  }
0x15b: {  	v38 =	vld [tilespmem:$0x1FED0];
	[tilespmem:v5+s21+$0x0] =	vst.idx.msk $0xffff, v4  }
0x15c: {  	v8 =	vld [tilespmem:s31+$0xFFFFFFC0];
	[tilespmem:v3+s21+$0x0] =	vst.idx.msk $0xffff, v2  }
0x15d: {  	s3 =	simm.s32 $0x3;
	v46 =	vld [tilespmem:$0x1FF60];
	[tilespmem:v7+s21+$0x0] =	vst.idx.msk $0xffff, v6  }
0x15e: {  	s1 =	simm.s32 $0x4;
	v9 =	vor.u32 s3, v21;
	v42 =	vld [tilespmem:$0x1FF10]  }
0x15f: {  	s8 =	simm.s32 $0x5;
	v10 =	vld [tilespmem:s31+$0x0];
	v11 =	vor.u32 s1, v32  }
0x160: {  	s9 =	simm.s32 $0x0;
	v35 =	vld [tilespmem:s31+$0x40];
	v49 =	vor.u32 s8, v38  }
0x161: {  	v6 =	vld [tilespmem:s31+$0xFFFFFF00];
	v7 =	vor.u32 s9, v0  }
0x162: {  	s17 =	simm.s32 $0x6;
	v2 =	vld [tilespmem:s31+$0xD0];
	v3 =	vor.u32 s22, v46  }
0x163: {  	v4 =	vld [tilespmem:s31+$0x80];
	[tilespmem:v9+s21+$0x0] =	vst.idx.msk $0xffff, v8;
	v5 =	vor.u32 s17, v42  }
0x164: {  	v8 =	vld [tilespmem:s31+$0xFFFFFF50];
	v9 =	vor.u32 s5, v27;
	[tilespmem:v11+s21+$0x0] =	vst.idx.msk $0xffff, v10  }
0x165: {  	[tilespmem:v49+s21+$0x0] =	vst.idx.msk $0xffff, v35  }
0x166: {  	v10 =	vld [tilespmem:s31+$0xFFFFFF90];
	v11 =	vor.u32 s10, v31;
	[tilespmem:v7+s21+$0x0] =	vst.idx.msk $0xffff, v6  }
0x167: {  	[tilespmem:v3+s21+$0x0] =	vst.idx.msk $0xffff, v2  }
0x168: {  	[tilespmem:v5+s21+$0x0] =	vst.idx.msk $0xffff, v4  }
0x169: {  	v35 =	vld [tilespmem:$0x1FEA0];
	[tilespmem:v9+s21+$0x0] =	vst.idx.msk $0xffff, v8  }
0x16a: {  	v39 =	vld [tilespmem:$0x1FEE0]  }
0x16b: {  	v53 =	vld [tilespmem:s31+$0xFFFFFFD0];
	[tilespmem:v11+s21+$0x0] =	vst.idx.msk $0xffff, v10  }
0x16c: {  	v47 =	vor.u32 s3, v22;
	v43 =	vld [tilespmem:$0x1FF20]  }
0x16d: {  	v3 =	vor.u32 s22, v54;
	v2 =	vld [tilespmem:s31+$0xE0]  }
0x16e: {  	v4 =	vld [tilespmem:s31+$0x10];
	v5 =	vor.u32 s1, v35  }
0x16f: {  	v6 =	vld [tilespmem:s31+$0x50];
	v7 =	vor.u32 s8, v39  }
0x170: {  	v10 =	vld [tilespmem:s31+$0xFFFFFF10];
	v11 =	vor.u32 s9, v23  }
0x171: {  	v8 =	vld [tilespmem:s31+$0x90];
	[tilespmem:v47+s21+$0x0] =	vst.idx.msk $0xffff, v53;
	v9 =	vor.u32 s17, v43  }
0x172: {  	v34 =	vor.u32 s5, v28;
	v49 =	vld [tilespmem:s31+$0xFFFFFF60];
	[tilespmem:v3+s21+$0x0] =	vst.idx.msk $0xffff, v2  }
0x173: {  	[tilespmem:v5+s21+$0x0] =	vst.idx.msk $0xffff, v4  }
0x174: {  	v53 =	vld [tilespmem:$0x1FF80];
	[tilespmem:v7+s21+$0x0] =	vst.idx.msk $0xffff, v6  }
0x175: {  	[tilespmem:v11+s21+$0x0] =	vst.idx.msk $0xffff, v10  }
0x176: {  	v4 =	vld [tilespmem:s31+$0xFFFFFFA0];
	[tilespmem:v9+s21+$0x0] =	vst.idx.msk $0xffff, v8  }
0x177: {  	v36 =	vld [tilespmem:$0x1FEB0];
	[tilespmem:v34+s21+$0x0] =	vst.idx.msk $0xffff, v49  }
0x178: {  	v40 =	vld [tilespmem:$0x1FEF0]  }
0x179: {  	v5 =	vor.u32 s10, v33;
	v44 =	vld [tilespmem:$0x1FF30]  }
0x17a: {  	v2 =	vld [tilespmem:s31+$0xF0];
	v3 =	vor.u32 s22, v53  }
0x17b: {  	v6 =	vld [tilespmem:s31+$0xFFFFFFE0];
	v7 =	vor.u32 s3, v17  }
0x17c: {  	v8 =	vld [tilespmem:s31+$0x20];
	v9 =	vor.u32 s1, v36  }
0x17d: {  	v10 =	vld [tilespmem:s31+$0x60];
	v11 =	vor.u32 s8, v40  }
0x17e: {  	v37 =	vld [tilespmem:s31+$0xA0];
	[tilespmem:v5+s21+$0x0] =	vst.idx.msk $0xffff, v4;
	v49 =	vor.u32 s17, v44  }
0x17f: {  	[tilespmem:v3+s21+$0x0] =	vst.idx.msk $0xffff, v2;
	v2 =	vld [tilespmem:s31+$0xFFFFFF20];
	v3 =	vor.u32 s9, v24  }
0x180: {  	[tilespmem:v7+s21+$0x0] =	vst.idx.msk $0xffff, v6  }
0x181: {  	v14 =	vor.u32 s5, v29;
	v4 =	vld [tilespmem:s31+$0xFFFFFF70];
	[tilespmem:v9+s21+$0x0] =	vst.idx.msk $0xffff, v8  }
0x182: {  	[tilespmem:v11+s21+$0x0] =	vst.idx.msk $0xffff, v10  }
0x183: {  	[tilespmem:v49+s21+$0x0] =	vst.idx.msk $0xffff, v37  }
0x184: {  	v25 =	vld [tilespmem:$0x1FE80];
	[tilespmem:v3+s21+$0x0] =	vst.idx.msk $0xffff, v2  }
0x185: {  	v20 =	vld [tilespmem:$0x1FEC0]  }
0x186: {  	[tilespmem:v14+s21+$0x0] =	vst.idx.msk $0xffff, v4  }
0x187: {  	v49 =	vld [tilespmem:$0x1FF40]  }
0x188: {  	v16 =	vor.u32 s10, v52;
	v15 =	vld [tilespmem:s31+$0xFFFFFFB0]  }
0x189: {  	v8 =	vld [tilespmem:s31+$0xFFFFFFF0];
	v11 =	vor.u32 s3, v25  }
0x18a: {  	v5 =	vld [tilespmem:s31+$0x30];
	v10 =	vor.u32 s1, v20  }
0x18b: {  	v9 =	vor.u32 s8, v41;
	v2 =	vld [tilespmem:s31+$0x70]  }
0x18c: {  	s29 =	simm.s32 $0xF;
	v3 =	vld [tilespmem:s31+$0xB0];
	v6 =	vor.u32 s17, v49  }
0x18d: {  	s28 =	simm.s32 $0xA700;
	s26 =	simm.s32 $0x8;
	v7 =	vor.u32 s9, v45;
	v4 =	vld [tilespmem:s31+$0xFFFFFF30];
	[tilespmem:v16+s21+$0x0] =	vst.idx.msk $0xffff, v15;
	s1 =	simm.s32 $0x10  }
.LBB2_8:
0x18e: {  	p0 =	slt.u32 s1, $0x78;
	s17 =	sadd.s32 $0x1, s26;
	v12 =	vld [tilespmem:s28+$0xC0];
	v13 =	vor.u32 s29, v55;
	[tilespmem:v11+s21+$0x0] =	vst.idx.msk $0xffff, v8;
	s0 =	smov.u32 s26  }
0x18f: {  	s26 =	smov.u32 s1;
	v8 =	vld [tilespmem:s28+$0xFFFFFF40];
	v11 =	vor.u32 s17, v26;
	s22 =	sadd.s32 $0x2, s0;
	[tilespmem:v10+s21+$0x0] =	vst.idx.msk $0xffff, v5  }
0x190: {  	s3 =	sadd.s32 $0x3, s0;
	v5 =	vld [tilespmem:s28+$0xFFFFFF80];
	v10 =	vor.u32 s22, v30;
	[tilespmem:v9+s21+$0x0] =	vst.idx.msk $0xffff, v2  }
0x191: {  	s5 =	sadd.s32 $0x4, s0;
	v9 =	vor.u32 s3, v21;
	v2 =	vld [tilespmem:s28+$0xFFFFFFC0];
	[tilespmem:v6+s21+$0x0] =	vst.idx.msk $0xffff, v3  }
0x192: {  	s30 =	sadd.s32 $0x5, s0;
	v6 =	vor.u32 s5, v32;
	v3 =	vld [tilespmem:s28+$0x0];
	[tilespmem:v7+s21+$0x0] =	vst.idx.msk $0xffff, v4  }
0x193: {  	v7 =	vor.u32 s30, v38;
	v4 =	vld [tilespmem:s28+$0x40];
	[tilespmem:v13+s21+$0x0] =	vst.idx.msk $0xffff, v12  }
0x194: {  	s8 =	sadd.s32 $0x6, s0;
	[tilespmem:v11+s21+$0x0] =	vst.idx.msk $0xffff, v8;
	v8 =	vld [tilespmem:s28+$0xD0];
	v11 =	vor.u32 s29, v46  }
0x195: {  	[tilespmem:v10+s21+$0x0] =	vst.idx.msk $0xffff, v5;
	v5 =	vld [tilespmem:s28+$0x80];
	v10 =	vor.u32 s8, v42  }
0x196: {  	v13 =	vor.u32 s0, v0;
	v12 =	vld [tilespmem:s28+$0xFFFFFF00];
	[tilespmem:v9+s21+$0x0] =	vst.idx.msk $0xffff, v2  }
0x197: {  	v9 =	vor.u32 s17, v27;
	v2 =	vld [tilespmem:s28+$0xFFFFFF50];
	[tilespmem:v6+s21+$0x0] =	vst.idx.msk $0xffff, v3  }
0x198: {  	v6 =	vor.u32 s22, v31;
	v3 =	vld [tilespmem:s28+$0xFFFFFF90];
	[tilespmem:v7+s21+$0x0] =	vst.idx.msk $0xffff, v4  }
0x199: {  	v7 =	vor.u32 s3, v22;
	v4 =	vld [tilespmem:s28+$0xFFFFFFD0];
	[tilespmem:v11+s21+$0x0] =	vst.idx.msk $0xffff, v8  }
0x19a: {  	v8 =	vor.u32 s29, v54;
	[tilespmem:v10+s21+$0x0] =	vst.idx.msk $0xffff, v5;
	v5 =	vld [tilespmem:s28+$0xE0]  }
0x19b: {  	v11 =	vor.u32 s5, v35;
	[tilespmem:v13+s21+$0x0] =	vst.idx.msk $0xffff, v12;
	v10 =	vld [tilespmem:s28+$0x10]  }
0x19c: {  	[tilespmem:v9+s21+$0x0] =	vst.idx.msk $0xffff, v2;
	v2 =	vld [tilespmem:s28+$0x50];
	v9 =	vor.u32 s30, v39  }
0x19d: {  	[tilespmem:v6+s21+$0x0] =	vst.idx.msk $0xffff, v3;
	v3 =	vld [tilespmem:s28+$0x90];
	v6 =	vor.u32 s8, v43  }
0x19e: {  	v13 =	vor.u32 s0, v23;
	v12 =	vld [tilespmem:s28+$0xFFFFFF10];
	[tilespmem:v7+s21+$0x0] =	vst.idx.msk $0xffff, v4  }
0x19f: {  	v7 =	vor.u32 s17, v28;
	v4 =	vld [tilespmem:s28+$0xFFFFFF60];
	[tilespmem:v8+s21+$0x0] =	vst.idx.msk $0xffff, v5  }
0x1a0: {  	v8 =	vor.u32 s29, v53;
	[tilespmem:v11+s21+$0x0] =	vst.idx.msk $0xffff, v10;
	v5 =	vld [tilespmem:s28+$0xF0]  }
0x1a1: {  	v11 =	vor.u32 s22, v33;
	v10 =	vld [tilespmem:s28+$0xFFFFFFA0];
	[tilespmem:v9+s21+$0x0] =	vst.idx.msk $0xffff, v2  }
0x1a2: {  	v9 =	vor.u32 s3, v17;
	v2 =	vld [tilespmem:s28+$0xFFFFFFE0];
	[tilespmem:v6+s21+$0x0] =	vst.idx.msk $0xffff, v3  }
0x1a3: {  	v6 =	vor.u32 s5, v36;
	[tilespmem:v13+s21+$0x0] =	vst.idx.msk $0xffff, v12;
	v3 =	vld [tilespmem:s28+$0x20]  }
0x1a4: {  	[tilespmem:v7+s21+$0x0] =	vst.idx.msk $0xffff, v4;
	v4 =	vld [tilespmem:s28+$0x60];
	v7 =	vor.u32 s30, v40  }
0x1a5: {  	v13 =	vor.u32 s8, v44;
	v12 =	vld [tilespmem:s28+$0xA0];
	[tilespmem:v8+s21+$0x0] =	vst.idx.msk $0xffff, v5  }
0x1a6: {  	v15 =	vor.u32 s0, v24;
	v14 =	vld [tilespmem:s28+$0xFFFFFF20];
	[tilespmem:v11+s21+$0x0] =	vst.idx.msk $0xffff, v10  }
0x1a7: {  	v34 =	vmov v17;
	v17 =	vor.u32 s17, v29;
	v16 =	vld [tilespmem:s28+$0xFFFFFF70];
	[tilespmem:v9+s21+$0x0] =	vst.idx.msk $0xffff, v2  }
0x1a8: {  	v19 =	vor.u32 s22, v52;
	v18 =	vld [tilespmem:s28+$0xFFFFFFB0];
	[tilespmem:v6+s21+$0x0] =	vst.idx.msk $0xffff, v3  }
.Ltmp4:
0x1a9: {  	v11 =	vor.u32 s3, v25;
	v8 =	vld [tilespmem:s28+$0xFFFFFFF0];
	[tilespmem:v7+s21+$0x0] =	vst.idx.msk $0xffff, v4;
	(pc) =	sbr.rel @p0 .LBB2_8-.Ltmp4, $4  }
0x1aa: {  	v10 =	vor.u32 s5, v20;
	v5 =	vld [tilespmem:s28+$0x30];
	[tilespmem:v13+s21+$0x0] =	vst.idx.msk $0xffff, v12  }
0x1ab: {  	v9 =	vor.u32 s30, v41;
	[tilespmem:v15+s21+$0x0] =	vst.idx.msk $0xffff, v14;
	v2 =	vld [tilespmem:s28+$0x70]  }
0x1ac: {  	v6 =	vor.u32 s8, v49;
	[tilespmem:v17+s21+$0x0] =	vst.idx.msk $0xffff, v16;
	v17 =	vmov v34;
	v3 =	vld [tilespmem:s28+$0xB0]  }
0x1ad: {  	s1 =	sadd.s32 $0x8, s1;
	s29 =	sadd.s32 $0x7, s26;
	v7 =	vor.u32 s0, v45;
	v4 =	vld [tilespmem:s28+$0xFFFFFF30];
	[tilespmem:v19+s21+$0x0] =	vst.idx.msk $0xffff, v18;
	s28 =	sadd.s32 $0x200, s28  }
0x1ae: {  	_ =	sdelay $0x3  }
0x1af: {  	s0 =	sadd.s32 $0x1, s26;
	v12 =	vld [tilespmem:s28+$0xC0];
	[tilespmem:v11+s21+$0x0] =	vst.idx.msk $0xffff, v8;
	v8 =	vor.u32 s29, v55  }
0x1b0: {  	v11 =	vld [tilespmem:s28+$0xFFFFFF40];
	s1 =	sadd.s32 $0x2, s26;
	[tilespmem:v10+s21+$0x0] =	vst.idx.msk $0xffff, v5;
	v5 =	vor.u32 s0, v26  }
0x1b1: {  	s3 =	sadd.s32 $0x3, s26;
	v10 =	vld [tilespmem:s28+$0xFFFFFF80];
	[tilespmem:v9+s21+$0x0] =	vst.idx.msk $0xffff, v2;
	v2 =	vor.u32 s1, v30  }
0x1b2: {  	s5 =	sadd.s32 $0x4, s26;
	v9 =	vld [tilespmem:s28+$0xFFFFFFC0];
	[tilespmem:v6+s21+$0x0] =	vst.idx.msk $0xffff, v3;
	v3 =	vor.u32 s3, v21  }
0x1b3: {  	s8 =	sadd.s32 $0x5, s26;
	v6 =	vld [tilespmem:s28+$0x0];
	[tilespmem:v7+s21+$0x0] =	vst.idx.msk $0xffff, v4;
	v4 =	vor.u32 s5, v32  }
0x1b4: {  	v7 =	vld [tilespmem:s28+$0x40];
	[tilespmem:v8+s21+$0x0] =	vst.idx.msk $0xffff, v12;
	v8 =	vor.u32 s8, v38  }
0x1b5: {  	s9 =	sadd.s32 $0x6, s26;
	[tilespmem:v5+s21+$0x0] =	vst.idx.msk $0xffff, v11;
	v5 =	vld [tilespmem:s28+$0xD0];
	v11 =	vor.u32 s29, v46  }
0x1b6: {  	[tilespmem:v2+s21+$0x0] =	vst.idx.msk $0xffff, v10;
	v2 =	vld [tilespmem:s28+$0x80];
	v10 =	vor.u32 s9, v42  }
0x1b7: {  	v12 =	vld [tilespmem:s28+$0xFFFFFF00];
	[tilespmem:v3+s21+$0x0] =	vst.idx.msk $0xffff, v9;
	v3 =	vor.u32 s26, v0  }
0x1b8: {  	v9 =	vld [tilespmem:s28+$0xFFFFFF50];
	[tilespmem:v4+s21+$0x0] =	vst.idx.msk $0xffff, v6;
	v4 =	vor.u32 s0, v27  }
0x1b9: {  	v6 =	vld [tilespmem:s28+$0xFFFFFF90];
	[tilespmem:v8+s21+$0x0] =	vst.idx.msk $0xffff, v7;
	v7 =	vor.u32 s1, v31  }
0x1ba: {  	v8 =	vld [tilespmem:s28+$0xFFFFFFD0];
	[tilespmem:v11+s21+$0x0] =	vst.idx.msk $0xffff, v5;
	v5 =	vor.u32 s3, v22  }
0x1bb: {  	[tilespmem:v10+s21+$0x0] =	vst.idx.msk $0xffff, v2;
	v2 =	vld [tilespmem:s28+$0xE0];
	v10 =	vor.u32 s29, v54  }
0x1bc: {  	v11 =	vor.u32 s5, v35;
	[tilespmem:v3+s21+$0x0] =	vst.idx.msk $0xffff, v12;
	v3 =	vld [tilespmem:s28+$0x10]  }
0x1bd: {  	[tilespmem:v4+s21+$0x0] =	vst.idx.msk $0xffff, v9;
	v4 =	vld [tilespmem:s28+$0x50];
	v9 =	vor.u32 s8, v39  }
0x1be: {  	[tilespmem:v7+s21+$0x0] =	vst.idx.msk $0xffff, v6;
	v6 =	vld [tilespmem:s28+$0x90];
	v7 =	vor.u32 s9, v43  }
0x1bf: {  	v12 =	vld [tilespmem:s28+$0xFFFFFF10];
	[tilespmem:v5+s21+$0x0] =	vst.idx.msk $0xffff, v8;
	v5 =	vor.u32 s26, v23  }
0x1c0: {  	v8 =	vld [tilespmem:s28+$0xFFFFFF60];
	[tilespmem:v10+s21+$0x0] =	vst.idx.msk $0xffff, v2;
	v2 =	vor.u32 s0, v28  }
0x1c1: {  	v10 =	vor.u32 s29, v53;
	[tilespmem:v11+s21+$0x0] =	vst.idx.msk $0xffff, v3;
	v3 =	vld [tilespmem:s28+$0xF0]  }
0x1c2: {  	v11 =	vld [tilespmem:s28+$0xFFFFFFA0];
	[tilespmem:v9+s21+$0x0] =	vst.idx.msk $0xffff, v4;
	v4 =	vor.u32 s1, v33  }
0x1c3: {  	v9 =	vld [tilespmem:s28+$0xFFFFFFE0];
	[tilespmem:v7+s21+$0x0] =	vst.idx.msk $0xffff, v6;
	v6 =	vor.u32 s3, v17  }
0x1c4: {  	v7 =	vor.u32 s5, v36;
	[tilespmem:v5+s21+$0x0] =	vst.idx.msk $0xffff, v12;
	v5 =	vld [tilespmem:s28+$0x20]  }
0x1c5: {  	[tilespmem:v2+s21+$0x0] =	vst.idx.msk $0xffff, v8;
	v2 =	vld [tilespmem:s28+$0x60];
	v8 =	vor.u32 s8, v40  }
0x1c6: {  	v12 =	vld [tilespmem:s28+$0xA0];
	[tilespmem:v10+s21+$0x0] =	vst.idx.msk $0xffff, v3;
	v3 =	vor.u32 s9, v44  }
0x1c7: {  	v10 =	vld [tilespmem:s28+$0xFFFFFF20];
	[tilespmem:v4+s21+$0x0] =	vst.idx.msk $0xffff, v11;
	v4 =	vor.u32 s26, v24  }
0x1c8: {  	v11 =	vld [tilespmem:s28+$0xFFFFFF70];
	[tilespmem:v6+s21+$0x0] =	vst.idx.msk $0xffff, v9;
	v6 =	vor.u32 s0, v29  }
0x1c9: {  	v9 =	vld [tilespmem:s28+$0xFFFFFFB0];
	[tilespmem:v7+s21+$0x0] =	vst.idx.msk $0xffff, v5;
	v5 =	vor.u32 s1, v52  }
0x1ca: {  	v7 =	vld [tilespmem:s28+$0xFFFFFFF0];
	[tilespmem:v8+s21+$0x0] =	vst.idx.msk $0xffff, v2;
	v2 =	vor.u32 s3, v25  }
0x1cb: {  	v8 =	vld [tilespmem:s28+$0x30];
	[tilespmem:v3+s21+$0x0] =	vst.idx.msk $0xffff, v12;
	v3 =	vor.u32 s5, v20  }
0x1cc: {  	[tilespmem:v4+s21+$0x0] =	vst.idx.msk $0xffff, v10;
	v4 =	vld [tilespmem:s28+$0x70];
	v10 =	vor.u32 s8, v41  }
0x1cd: {  	[tilespmem:v6+s21+$0x0] =	vst.idx.msk $0xffff, v11;
	v6 =	vld [tilespmem:s28+$0xB0];
	v11 =	vor.u32 s9, v49  }
0x1ce: {  	v12 =	vld [tilespmem:s28+$0xFFFFFF30];
	[tilespmem:v5+s21+$0x0] =	vst.idx.msk $0xffff, v9;
	v5 =	vor.u32 s26, v45  }
0x1cf: {  	[tilespmem:v2+s21+$0x0] =	vst.idx.msk $0xffff, v7  }
0x1d0: {  	[tilespmem:v3+s21+$0x0] =	vst.idx.msk $0xffff, v8  }
0x1d1: {  	[tilespmem:v10+s21+$0x0] =	vst.idx.msk $0xffff, v4  }
0x1d2: {  	[tilespmem:v11+s21+$0x0] =	vst.idx.msk $0xffff, v6  }
0x1d3: {  	[tilespmem:v5+s21+$0x0] =	vst.idx.msk $0xffff, v12  }
0x1d4: {  	v6 =	vld [tilespmem:$0x1FCE0]  }
0x1d5: {  	v8 =	vld [tilespmem:$0x1FD20]  }
0x1d6: {  	s28 =	simm.s32 $0x0;
	s26 =	simm.s32 $0xC5F0;
	v10 =	vld [tilespmem:$0x1FD60]  }
0x1d7: {  	v3 =	vor.u32 s28, v56;
	v2 =	vld [tilespmem:s26+$0xFFFFFFD0]  }
0x1d8: {  	v4 =	vor.u32 s28, v50;
	v5 =	vld [tilespmem:s26+$0xFFFFFE10]  }
0x1d9: {  	v7 =	vld [tilespmem:s26+$0xFFFFFE50];
	v6 =	vor.u32 s28, v6  }
0x1da: {  	v9 =	vld [tilespmem:s26+$0xFFFFFE90];
	v8 =	vor.u32 s28, v8  }
0x1db: {  	v11 =	vld [tilespmem:s26+$0xFFFFFED0];
	v10 =	vor.u32 s28, v10  }
0x1dc: {  	v12 =	vor.u32 s28, v48;
	[tilespmem:v3+s21+$0x0] =	vst.idx.msk $0xffff, v2;
	v2 =	vld [tilespmem:s26+$0xFFFFFF10]  }
0x1dd: {  	[tilespmem:v4+s21+$0x0] =	vst.idx.msk $0xffff, v5  }
0x1de: {  	[tilespmem:v6+s21+$0x0] =	vst.idx.msk $0xffff, v7  }
0x1df: {  	v3 =	vld [tilespmem:s26+$0xFFFFFFE0];
	[tilespmem:v8+s21+$0x0] =	vst.idx.msk $0xffff, v9  }
0x1e0: {  	v9 =	vld [tilespmem:$0x1FCB0];
	[tilespmem:v10+s21+$0x0] =	vst.idx.msk $0xffff, v11  }
0x1e1: {  	v32 =	vld [tilespmem:$0x1FCF0];
	[tilespmem:v12+s21+$0x0] =	vst.idx.msk $0xffff, v2  }
0x1e2: {  	v4 =	vor.u32 s28, v59;
	v39 =	vld [tilespmem:$0x1FD30]  }
0x1e3: {  	v5 =	vor.u32 s28, v51;
	v6 =	vld [tilespmem:s26+$0xFFFFFF50]  }
0x1e4: {  	v7 =	vor.u32 s28, v57;
	v8 =	vld [tilespmem:s26+$0xFFFFFF90]  }
0x1e5: {  	v10 =	vld [tilespmem:s26+$0xFFFFFE20];
	v38 =	vmov v9;
	v9 =	vor.u32 s28, v9  }
0x1e6: {  	v2 =	vld [tilespmem:s26+$0xFFFFFE60];
	v11 =	vor.u32 s28, v32  }
0x1e7: {  	[tilespmem:v4+s21+$0x0] =	vst.idx.msk $0xffff, v3;
	v3 =	vld [tilespmem:s26+$0xFFFFFEA0];
	v12 =	vor.u32 s28, v39  }
0x1e8: {  	[tilespmem:v5+s21+$0x0] =	vst.idx.msk $0xffff, v6  }
0x1e9: {  	v44 =	vld [tilespmem:$0x1FD70];
	[tilespmem:v7+s21+$0x0] =	vst.idx.msk $0xffff, v8  }
0x1ea: {  	v37 =	vmov v48;
	v48 =	vmov v51;
	v51 =	vld [tilespmem:$0x1FD90];
	[tilespmem:v9+s21+$0x0] =	vst.idx.msk $0xffff, v10  }
0x1eb: {  	v52 =	vld [tilespmem:$0x1FFE0];
	[tilespmem:v11+s21+$0x0] =	vst.idx.msk $0xffff, v2  }
0x1ec: {  	v4 =	vld [tilespmem:s26+$0xFFFFFFF0];
	[tilespmem:v12+s21+$0x0] =	vst.idx.msk $0xffff, v3  }
0x1ed: {  	v5 =	vor.u32 s28, v63;
	v12 =	vld [tilespmem:$0x1FCC0]  }
0x1ee: {  	v7 =	vld [tilespmem:s26+$0xFFFFFEE0];
	v6 =	vor.u32 s28, v44  }
0x1ef: {  	v9 =	vld [tilespmem:s26+$0xFFFFFF20];
	v8 =	vor.u32 s28, v51  }
0x1f0: {  	v2 =	vld [tilespmem:s26+$0xFFFFFF60];
	v10 =	vor.u32 s28, v52  }
0x1f1: {  	v11 =	vor.u32 s28, v58;
	v3 =	vld [tilespmem:s26+$0xFFFFFFA0]  }
0x1f2: {  	[tilespmem:v5+s21+$0x0] =	vst.idx.msk $0xffff, v4;
	v4 =	vld [tilespmem:s26+$0xFFFFFE30];
	v43 =	vmov v12;
	v12 =	vor.u32 s28, v12  }
0x1f3: {  	v5 =	vld [tilespmem:s26+$0x0];
	[tilespmem:v6+s21+$0x0] =	vst.idx.msk $0xffff, v7  }
0x1f4: {  	v35 =	vld [tilespmem:$0x1FD00];
	[tilespmem:v8+s21+$0x0] =	vst.idx.msk $0xffff, v9  }
0x1f5: {  	v40 =	vld [tilespmem:$0x1FD40];
	[tilespmem:v10+s21+$0x0] =	vst.idx.msk $0xffff, v2  }
0x1f6: {  	v46 =	vld [tilespmem:$0x1FD80];
	[tilespmem:v11+s21+$0x0] =	vst.idx.msk $0xffff, v3  }
0x1f7: {  	v17 =	vld [tilespmem:$0x1FFC0];
	[tilespmem:v12+s21+$0x0] =	vst.idx.msk $0xffff, v4  }
0x1f8: {  	v6 =	vor.u32 s28, v1;
	v45 =	vld [tilespmem:$0x1FDA0]  }
0x1f9: {  	v8 =	vld [tilespmem:s26+$0xFFFFFE70];
	v7 =	vor.u32 s28, v35  }
0x1fa: {  	v2 =	vld [tilespmem:s26+$0xFFFFFEB0];
	v9 =	vor.u32 s28, v40  }
0x1fb: {  	v3 =	vld [tilespmem:s26+$0xFFFFFEF0];
	v10 =	vor.u32 s28, v46  }
0x1fc: {  	v4 =	vld [tilespmem:s26+$0xFFFFFF30];
	v11 =	vor.u32 s28, v17  }
0x1fd: {  	[tilespmem:v6+s21+$0x0] =	vst.idx.msk $0xffff, v5;
	v5 =	vld [tilespmem:s26+$0xFFFFFF70];
	v13 =	vor.u32 s28, v45  }
0x1fe: {  	[tilespmem:v7+s21+$0x0] =	vst.idx.msk $0xffff, v8  }
0x1ff: {  	v25 =	vld [tilespmem:$0x1FCD0];
	[tilespmem:v9+s21+$0x0] =	vst.idx.msk $0xffff, v2  }
0x200: {  	v14 =	vor.u32 s28, v60;
	v15 =	vld [tilespmem:s26+$0xFFFFFFB0];
	[tilespmem:v10+s21+$0x0] =	vst.idx.msk $0xffff, v3  }
0x201: {  	[tilespmem:v11+s21+$0x0] =	vst.idx.msk $0xffff, v4  }
0x202: {  	v2 =	vld [tilespmem:s26+$0xFFFFFE40];
	[tilespmem:v13+s21+$0x0] =	vst.idx.msk $0xffff, v5  }
0x203: {  	v36 =	vld [tilespmem:$0x1FD10]  }
0x204: {  	v42 =	vld [tilespmem:$0x1FD50]  }
0x205: {  	v16 =	vor.u32 s28, v25;
	v47 =	vld [tilespmem:$0x1FFB0];
	[tilespmem:v14+s21+$0x0] =	vst.idx.msk $0xffff, v15  }
0x206: {  	p0 =	por $0x1, $0x1;
	v49 =	vld [tilespmem:$0x1FFD0]  }
.Ltmp5:
0x207: {  	v12 =	vld [tilespmem:s26+$0xFFFFFE80];
	(pc) =	sbr.rel @!p0 .LBB2_11-.Ltmp5, $4  }
0x208: {  	v9 =	vld [tilespmem:s26+$0xFFFFFEC0]  }
0x209: {  	v8 =	vld [tilespmem:s26+$0xFFFFFF00]  }
0x20a: {  	v55 =	vmovc v54;
	v3 =	vor.u32 s28, v61;
	v10 =	vld [tilespmem:s26+$0xFFFFFF40];
	[tilespmem:v16+s21+$0x0] =	vst.idx.msk $0xffff, v2;
	v2 =	vor.u32 s28, v62;
	v6 =	vor.u32 s28, v42  }
0x20b: {  	v53 =	vmovc v20;
	v54 =	vmovc v17;
	v11 =	vld [tilespmem:s26+$0xFFFFFF80];
	v7 =	vor.u32 s28, v36;
	v4 =	vor.u32 s28, v47;
	v5 =	vor.u32 s28, v49  }
.LBB2_10:
0x20c: {  	_ =	sdelay $0x2  }
0x20d: {  	[tilespmem:v6+s21+$0x0] =	vst.idx.msk $0xffff, v9;
	v9 =	vld [tilespmem:$0x1FD20];
	_ =	sdelay $0x3  }
0x20e: {  	s28 =	sadd.s32 $0x8, s28;
	[tilespmem:v7+s21+$0x0] =	vst.idx.msk $0xffff, v12;
	v7 =	vld [tilespmem:s26+$0xFFFFFFC0];
	s26 =	sadd.s32 $0x200, s26  }
0x20f: {  	[tilespmem:v5+s21+$0x0] =	vst.idx.msk $0xffff, v10;
	v5 =	vld [tilespmem:s26+$0xFFFFFE90];
	v9 =	vor.u32 s28, v9;
	_ =	sdelay $0x3  }
0x210: {  	[tilespmem:v2+s21+$0x0] =	vst.idx.msk $0xffff, v7  }
0x211: {  	v19 =	vor.u32 s28, v57;
	v20 =	vor.u32 s28, v44;
	[tilespmem:v9+s21+$0x0] =	vst.idx.msk $0xffff, v5;
	v9 =	vld [tilespmem:s26+$0xFFFFFF90]  }
0x212: {  	v13 =	vld [tilespmem:$0x1FCE0];
	[tilespmem:$0x1FB40] =	vst v20;
	v20 =	vor.u32 s28, v52  }
0x213: {  	[tilespmem:$0x1FB50] =	vst v20;
	v12 =	vor.u32 s28, v50;
	v6 =	vld [tilespmem:s26+$0xFFFFFE10]  }
0x214: {  	v16 =	vld [tilespmem:$0x1FD60];
	[tilespmem:v4+s21+$0x0] =	vst.idx.msk $0xffff, v8;
	v4 =	vor.u32 s28, v38  }
0x215: {  	v14 =	vld [tilespmem:s26+$0xFFFFFFD0];
	[tilespmem:$0x1FB30] =	vst v4  }
0x216: {  	v15 =	vor.u32 s28, v56;
	v20 =	vor.u32 s28, v58;
	[tilespmem:v19+s21+$0x0] =	vst.idx.msk $0xffff, v9;
	v9 =	vld [tilespmem:$0x1FB30]  }
0x217: {  	[tilespmem:$0x1FB60] =	vst v20;
	v13 =	vor.u32 s28, v13;
	v4 =	vld [tilespmem:s26+$0xFFFFFE50]  }
0x218: {  	v17 =	vor.u32 s28, v37;
	v20 =	vld [tilespmem:s26+$0xFFFFFF10];
	[tilespmem:v12+s21+$0x0] =	vst.idx.msk $0xffff, v6  }
0x219: {  	v22 =	vld [tilespmem:s26+$0xFFFFFE20]  }
0x21a: {  	[tilespmem:v3+s21+$0x0] =	vst.idx.msk $0xffff, v11  }
0x21b: {  	v16 =	vor.u32 s28, v16;
	v3 =	vld [tilespmem:s26+$0xFFFFFED0];
	[tilespmem:v15+s21+$0x0] =	vst.idx.msk $0xffff, v14  }
0x21c: {  	v21 =	vor.u32 s28, v59;
	[tilespmem:v13+s21+$0x0] =	vst.idx.msk $0xffff, v4;
	v12 =	vld [tilespmem:s26+$0xFFFFFFE0]  }
0x21d: {  	v18 =	vor.u32 s28, v48;
	v13 =	vld [tilespmem:s26+$0xFFFFFF50];
	[tilespmem:v17+s21+$0x0] =	vst.idx.msk $0xffff, v20  }
0x21e: {  	v11 =	vor.u32 s28, v51;
	[tilespmem:v9+s21+$0x0] =	vst.idx.msk $0xffff, v22;
	v9 =	vld [tilespmem:s26+$0xFFFFFF20];
	_ =	sdelay $0x1  }
0x21f: {  	[tilespmem:v16+s21+$0x0] =	vst.idx.msk $0xffff, v3  }
0x220: {  	v10 =	vor.u32 s28, v32;
	v16 =	vld [tilespmem:s26+$0xFFFFFE60];
	[tilespmem:v21+s21+$0x0] =	vst.idx.msk $0xffff, v12  }
0x221: {  	[tilespmem:v18+s21+$0x0] =	vst.idx.msk $0xffff, v13;
	v13 =	vor.u32 s28, v63;
	v12 =	vld [tilespmem:s26+$0xFFFFFFF0]  }
0x222: {  	[tilespmem:v11+s21+$0x0] =	vst.idx.msk $0xffff, v9;
	v11 =	vld [tilespmem:$0x1FB50];
	_ =	sdelay $0x2  }
0x223: {  	[tilespmem:v10+s21+$0x0] =	vst.idx.msk $0xffff, v16;
	v10 =	vld [tilespmem:s26+$0xFFFFFF60]  }
0x224: {  	[tilespmem:v13+s21+$0x0] =	vst.idx.msk $0xffff, v12;
	v12 =	vld [tilespmem:$0x1FB40];
	_ =	sdelay $0x1  }
0x225: {  	v8 =	vor.u32 s28, v39;
	v17 =	vld [tilespmem:s26+$0xFFFFFEA0]  }
0x226: {  	v18 =	vld [tilespmem:s26+$0xFFFFFEE0]  }
0x227: {  	[tilespmem:v11+s21+$0x0] =	vst.idx.msk $0xffff, v10;
	v11 =	vld [tilespmem:$0x1FB60];
	_ =	sdelay $0x2  }
0x228: {  	[tilespmem:v8+s21+$0x0] =	vst.idx.msk $0xffff, v17;
	v8 =	vld [tilespmem:s26+$0xFFFFFFA0]  }
0x229: {  	v2 =	vor.u32 s28, v43;
	v13 =	vor.u32 s28, v1;
	[tilespmem:v12+s21+$0x0] =	vst.idx.msk $0xffff, v18;
	v12 =	vld [tilespmem:s26+$0x0]  }
0x22a: {  	[tilespmem:$0x1FB70] =	vst v2;
	v2 =	vor.u32 s28, v35  }
0x22b: {  	[tilespmem:$0x1FB80] =	vst v2;
	v2 =	vor.u32 s28, v40  }
0x22c: {  	[tilespmem:$0x1FB90] =	vst v2  }
0x22d: {  	v14 =	vor.u32 s28, v45;
	[tilespmem:v11+s21+$0x0] =	vst.idx.msk $0xffff, v8;
	v11 =	vld [tilespmem:s26+$0xFFFFFF70]  }
0x22e: {  	v2 =	vor.u32 s28, v54;
	[tilespmem:v13+s21+$0x0] =	vst.idx.msk $0xffff, v12;
	v12 =	vld [tilespmem:$0x1FB80]  }
0x22f: {  	[tilespmem:$0x1FBA0] =	vst v2;
	v2 =	vor.u32 s28, v25  }
0x230: {  	[tilespmem:$0x1FBC0] =	vst v2;
	v2 =	vor.u32 s28, v60;
	v17 =	vld [tilespmem:s26+$0xFFFFFE70]  }
0x231: {  	[tilespmem:$0x1FBB0] =	vst v2;
	v10 =	vld [tilespmem:s26+$0xFFFFFEF0]  }
0x232: {  	[tilespmem:v14+s21+$0x0] =	vst.idx.msk $0xffff, v11;
	v11 =	vld [tilespmem:$0x1FBB0]  }
0x233: {  	v15 =	vor.u32 s28, v46;
	v8 =	vld [tilespmem:$0x1FB70]  }
0x234: {  	v16 =	vld [tilespmem:s26+$0xFFFFFE30]  }
0x235: {  	v13 =	vld [tilespmem:s26+$0xFFFFFFB0]  }
0x236: {  	[tilespmem:v12+s21+$0x0] =	vst.idx.msk $0xffff, v17;
	v12 =	vld [tilespmem:$0x1FB90];
	_ =	sdelay $0x1  }
0x237: {  	[tilespmem:v15+s21+$0x0] =	vst.idx.msk $0xffff, v10;
	v10 =	vld [tilespmem:$0x1FBA0]  }
0x238: {  	v9 =	vld [tilespmem:s26+$0xFFFFFEB0]  }
0x239: {  	[tilespmem:v11+s21+$0x0] =	vst.idx.msk $0xffff, v13;
	v11 =	vld [tilespmem:$0x1FBC0]  }
0x23a: {  	[tilespmem:v8+s21+$0x0] =	vst.idx.msk $0xffff, v16;
	v8 =	vld [tilespmem:s26+$0xFFFFFF30];
	_ =	sdelay $0x1  }
0x23b: {  	p0 =	slt.u32 s28, $0x78;
	v16 =	vld [tilespmem:s26+$0xFFFFFE40]  }
.Ltmp6:
0x23c: {  	[tilespmem:v12+s21+$0x0] =	vst.idx.msk $0xffff, v9;
	v12 =	vld [tilespmem:s26+$0xFFFFFE80];
	(pc) =	sbr.rel @p0 .LBB2_10-.Ltmp6, $4  }
0x23d: {  	v9 =	vld [tilespmem:s26+$0xFFFFFEC0]  }
0x23e: {  	[tilespmem:v10+s21+$0x0] =	vst.idx.msk $0xffff, v8;
	v8 =	vld [tilespmem:s26+$0xFFFFFF00]  }
0x23f: {  	v7 =	vor.u32 s28, v36;
	v6 =	vor.u32 s28, v42;
	v4 =	vor.u32 s28, v47;
	v10 =	vld [tilespmem:s26+$0xFFFFFF40]  }
0x240: {  	v3 =	vor.u32 s28, v61;
	v5 =	vor.u32 s28, v49;
	v2 =	vor.u32 s28, v62;
	[tilespmem:v11+s21+$0x0] =	vst.idx.msk $0xffff, v16;
	v11 =	vld [tilespmem:s26+$0xFFFFFF80]  }
.LBB2_11:
0x241: {  	_ =	sdelay $0x3  }
0x242: {  	[tilespmem:v7+s21+$0x0] =	vst.idx.msk $0xffff, v12;
	v54 =	vld [tilespmem:s26+$0xFFFFFFC0]  }
0x243: {  	[tilespmem:v6+s21+$0x0] =	vst.idx.msk $0xffff, v9  }
0x244: {  	[tilespmem:v4+s21+$0x0] =	vst.idx.msk $0xffff, v8  }
0x245: {  	[tilespmem:v5+s21+$0x0] =	vst.idx.msk $0xffff, v10  }
0x246: {  	[tilespmem:v3+s21+$0x0] =	vst.idx.msk $0xffff, v11  }
0x247: {  	[tilespmem:v2+s21+$0x0] =	vst.idx.msk $0xffff, v54  }
0x248: {  	v21 =	vld [tilespmem:$0x1FE60]  }
0x249: {  	v22 =	vld [tilespmem:$0x1FE70]  }
0x24a: {  	v32 =	vld [tilespmem:$0x1FE90]  }
0x24b: {  	v35 =	vld [tilespmem:$0x1FEA0]  }
0x24c: {  	v36 =	vld [tilespmem:$0x1FEB0]  }
0x24d: {  	v38 =	vld [tilespmem:$0x1FED0]  }
0x24e: {  	v39 =	vld [tilespmem:$0x1FEE0]  }
0x24f: {  	v40 =	vld [tilespmem:$0x1FEF0]  }
0x250: {  	v42 =	vld [tilespmem:$0x1FF10]  }
0x251: {  	v43 =	vld [tilespmem:$0x1FF20]  }
0x252: {  	v44 =	vld [tilespmem:$0x1FF30]  }
0x253: {  	s0 =	simm.s32 $0x300;
	v46 =	vld [tilespmem:$0x1FF60]  }
0x254: {  	[tilespmem:s14], [sflag:$0x2] =	stream.indirect.gather [hbm4b:s4+s12], $0x40, s0, s12, $0xb8;
	v18 =	vld [tilespmem:$0x1FF50]  }
0x255: {  	s26 =	simm.s32 $0x1;
	s31 =	rddreg [dreg:$0x5];
	v19 =	vld [tilespmem:$0x1FF80]  }
0x256: {  	v51 =	vmov v48;
	v48 =	vmov v37;
	v49 =	vmov v52;
	v45 =	vld [tilespmem:$0x1FDD0];
	[hbm4b:s31+s18] =	stream.strided.scatter [tilespmem:s21], [sflag:$0x4], $0x4000, s19, s18, $0x38  }
.LBB2_12:
0x257: {  	_ =	swait.ge [sflag:s15], $0x4000  }
0x258: {  	[sflag:s15] =	ssyncset.done $0x0  }
0x259: {  	[sflag:s15] =	ssyncadd.s32 $0xFFFFC000  }
0x25a: {  	_ =	swait.ge [sflag:s23], $0x4000  }
0x25b: {  	[sflag:s23] =	ssyncset.done $0x0  }
0x25c: {  	s0 =	simm.s32 $0x6500;
	s22 =	simm.s32 $0x7;
	[sflag:s23] =	ssyncadd.s32 $0xFFFFC000  }
0x25d: {  	s5 =	simm.s32 $0x1;
	v3 =	vor.u32 s22, v18;
	v2 =	vld [tilespmem:s0+$0xC0]  }
0x25e: {  	s10 =	simm.s32 $0x2;
	v5 =	vor.u32 s5, v26;
	v4 =	vld [tilespmem:s0+$0xFFFFFF40]  }
0x25f: {  	s3 =	simm.s32 $0x3;
	v7 =	vor.u32 s10, v30;
	v6 =	vld [tilespmem:s0+$0xFFFFFF80]  }
0x260: {  	s1 =	simm.s32 $0x4;
	v9 =	vor.u32 s3, v21;
	v8 =	vld [tilespmem:s0+$0xFFFFFFC0]  }
0x261: {  	s8 =	simm.s32 $0x5;
	v11 =	vor.u32 s1, v32;
	v10 =	vld [tilespmem:s0+$0x0]  }
0x262: {  	s17 =	simm.s32 $0x6;
	v13 =	vor.u32 s8, v38;
	v12 =	vld [tilespmem:s0+$0x40];
	[tilespmem:v3+s16+$0x0] =	vst.idx.msk $0xffff, v2  }
0x263: {  	s9 =	simm.s32 $0x0;
	[tilespmem:v5+s16+$0x0] =	vst.idx.msk $0xffff, v4;
	v4 =	vld [tilespmem:s0+$0x80];
	v5 =	vor.u32 s17, v42  }
0x264: {  	[tilespmem:v7+s16+$0x0] =	vst.idx.msk $0xffff, v6;
	v6 =	vld [tilespmem:s0+$0xFFFFFF00];
	v7 =	vor.u32 s9, v0  }
0x265: {  	v3 =	vor.u32 s22, v46;
	[tilespmem:v9+s16+$0x0] =	vst.idx.msk $0xffff, v8;
	v2 =	vld [tilespmem:s0+$0xD0]  }
0x266: {  	v9 =	vor.u32 s5, v27;
	[tilespmem:v11+s16+$0x0] =	vst.idx.msk $0xffff, v10;
	v8 =	vld [tilespmem:s0+$0xFFFFFF50]  }
0x267: {  	v11 =	vor.u32 s10, v31;
	[tilespmem:v13+s16+$0x0] =	vst.idx.msk $0xffff, v12;
	v10 =	vld [tilespmem:s0+$0xFFFFFF90]  }
0x268: {  	v54 =	vmov v49;
	v52 =	vor.u32 s3, v22;
	v49 =	vld [tilespmem:s0+$0xFFFFFFD0];
	[tilespmem:v5+s16+$0x0] =	vst.idx.msk $0xffff, v4  }
0x269: {  	[tilespmem:v7+s16+$0x0] =	vst.idx.msk $0xffff, v6;
	v4 =	vld [tilespmem:s0+$0x10];
	v5 =	vor.u32 s1, v35  }
0x26a: {  	v6 =	vld [tilespmem:s0+$0x50];
	v7 =	vor.u32 s8, v39;
	[tilespmem:v3+s16+$0x0] =	vst.idx.msk $0xffff, v2  }
0x26b: {  	v3 =	vor.u32 s22, v55;
	[tilespmem:v9+s16+$0x0] =	vst.idx.msk $0xffff, v8;
	v2 =	vld [tilespmem:s0+$0xE0]  }
0x26c: {  	[tilespmem:v11+s16+$0x0] =	vst.idx.msk $0xffff, v10;
	v8 =	vld [tilespmem:s0+$0x90];
	v9 =	vor.u32 s17, v43  }
0x26d: {  	v10 =	vld [tilespmem:s0+$0xFFFFFF10];
	v11 =	vor.u32 s9, v23;
	[tilespmem:v52+s16+$0x0] =	vst.idx.msk $0xffff, v49  }
0x26e: {  	v47 =	vor.u32 s5, v28;
	v37 =	vld [tilespmem:s0+$0xFFFFFF60];
	[tilespmem:v5+s16+$0x0] =	vst.idx.msk $0xffff, v4  }
0x26f: {  	v4 =	vld [tilespmem:s0+$0xFFFFFFA0];
	v5 =	vor.u32 s10, v33;
	[tilespmem:v7+s16+$0x0] =	vst.idx.msk $0xffff, v6  }
0x270: {  	v6 =	vld [tilespmem:s0+$0xFFFFFFE0];
	v7 =	vor.u32 s3, v34;
	[tilespmem:v3+s16+$0x0] =	vst.idx.msk $0xffff, v2  }
0x271: {  	[tilespmem:v9+s16+$0x0] =	vst.idx.msk $0xffff, v8;
	v3 =	vor.u32 s22, v19;
	v2 =	vld [tilespmem:s0+$0xF0]  }
0x272: {  	[tilespmem:v11+s16+$0x0] =	vst.idx.msk $0xffff, v10;
	v8 =	vld [tilespmem:s0+$0x20];
	v9 =	vor.u32 s1, v36  }
0x273: {  	v10 =	vld [tilespmem:s0+$0x60];
	v11 =	vor.u32 s8, v40;
	[tilespmem:v47+s16+$0x0] =	vst.idx.msk $0xffff, v37  }
0x274: {  	v52 =	vor.u32 s17, v44;
	v49 =	vld [tilespmem:s0+$0xA0];
	[tilespmem:v5+s16+$0x0] =	vst.idx.msk $0xffff, v4  }
0x275: {  	v4 =	vld [tilespmem:s0+$0xFFFFFF70];
	[tilespmem:v7+s16+$0x0] =	vst.idx.msk $0xffff, v6  }
0x276: {  	v14 =	vor.u32 s5, v29;
	[tilespmem:v3+s16+$0x0] =	vst.idx.msk $0xffff, v2;
	v2 =	vld [tilespmem:s0+$0xFFFFFF20]  }
0x277: {  	v3 =	vor.u32 s9, v24;
	v20 =	vld [tilespmem:$0x1FE50];
	[tilespmem:v9+s16+$0x0] =	vst.idx.msk $0xffff, v8  }
0x278: {  	[tilespmem:v11+s16+$0x0] =	vst.idx.msk $0xffff, v10  }
0x279: {  	[tilespmem:v52+s16+$0x0] =	vst.idx.msk $0xffff, v49  }
0x27a: {  	v25 =	vld [tilespmem:$0x1FE80]  }
0x27b: {  	[tilespmem:v14+s16+$0x0] =	vst.idx.msk $0xffff, v4  }
0x27c: {  	[tilespmem:v3+s16+$0x0] =	vst.idx.msk $0xffff, v2  }
0x27d: {  	v49 =	vld [tilespmem:$0x1FF40]  }
0x27e: {  	v15 =	vld [tilespmem:s0+$0xFFFFFFB0];
	v16 =	vor.u32 s10, v20  }
0x27f: {  	v8 =	vld [tilespmem:s0+$0xFFFFFFF0];
	v11 =	vor.u32 s3, v25  }
0x280: {  	v10 =	vor.u32 s1, v53;
	v5 =	vld [tilespmem:s0+$0x30]  }
0x281: {  	v9 =	vor.u32 s8, v41;
	v2 =	vld [tilespmem:s0+$0x70]  }
0x282: {  	s28 =	simm.s32 $0x8;
	v3 =	vld [tilespmem:s0+$0xB0];
	v6 =	vor.u32 s17, v49  }
0x283: {  	v17 =	vmovc v34;
	s30 =	simm.s32 $0xF;
	s29 =	simm.s32 $0x6700;
	v37 =	vmov v18;
	v47 =	vmov v19;
	v7 =	vor.u32 s9, v45;
	s1 =	simm.s32 $0x10;
	v4 =	vld [tilespmem:s0+$0xFFFFFF30];
	[tilespmem:v16+s16+$0x0] =	vst.idx.msk $0xffff, v15  }
.LBB2_13:
0x284: {  	p0 =	slt.u32 s1, $0x78;
	s17 =	sadd.s32 $0x1, s28;
	v12 =	vld [tilespmem:s29+$0xC0];
	v13 =	vor.u32 s30, v37;
	[tilespmem:v11+s16+$0x0] =	vst.idx.msk $0xffff, v8;
	s0 =	smov.u32 s28  }
0x285: {  	s28 =	smov.u32 s1;
	v8 =	vld [tilespmem:s29+$0xFFFFFF40];
	v11 =	vor.u32 s17, v26;
	s22 =	sadd.s32 $0x2, s0;
	[tilespmem:v10+s16+$0x0] =	vst.idx.msk $0xffff, v5  }
0x286: {  	s3 =	sadd.s32 $0x3, s0;
	v5 =	vld [tilespmem:s29+$0xFFFFFF80];
	v10 =	vor.u32 s22, v30;
	[tilespmem:v9+s16+$0x0] =	vst.idx.msk $0xffff, v2  }
0x287: {  	s5 =	sadd.s32 $0x4, s0;
	v9 =	vor.u32 s3, v21;
	v2 =	vld [tilespmem:s29+$0xFFFFFFC0];
	[tilespmem:v6+s16+$0x0] =	vst.idx.msk $0xffff, v3  }
0x288: {  	s31 =	sadd.s32 $0x5, s0;
	v6 =	vor.u32 s5, v32;
	v3 =	vld [tilespmem:s29+$0x0];
	[tilespmem:v7+s16+$0x0] =	vst.idx.msk $0xffff, v4  }
0x289: {  	v7 =	vor.u32 s31, v38;
	v4 =	vld [tilespmem:s29+$0x40];
	[tilespmem:v13+s16+$0x0] =	vst.idx.msk $0xffff, v12  }
0x28a: {  	s8 =	sadd.s32 $0x6, s0;
	[tilespmem:v11+s16+$0x0] =	vst.idx.msk $0xffff, v8;
	v8 =	vld [tilespmem:s29+$0xD0];
	v11 =	vor.u32 s30, v46  }
0x28b: {  	[tilespmem:v10+s16+$0x0] =	vst.idx.msk $0xffff, v5;
	v5 =	vld [tilespmem:s29+$0x80];
	v10 =	vor.u32 s8, v42  }
0x28c: {  	v13 =	vor.u32 s0, v0;
	v12 =	vld [tilespmem:s29+$0xFFFFFF00];
	[tilespmem:v9+s16+$0x0] =	vst.idx.msk $0xffff, v2  }
0x28d: {  	v9 =	vor.u32 s17, v27;
	v2 =	vld [tilespmem:s29+$0xFFFFFF50];
	[tilespmem:v6+s16+$0x0] =	vst.idx.msk $0xffff, v3  }
0x28e: {  	v6 =	vor.u32 s22, v31;
	v3 =	vld [tilespmem:s29+$0xFFFFFF90];
	[tilespmem:v7+s16+$0x0] =	vst.idx.msk $0xffff, v4  }
0x28f: {  	v7 =	vor.u32 s3, v22;
	v4 =	vld [tilespmem:s29+$0xFFFFFFD0];
	[tilespmem:v11+s16+$0x0] =	vst.idx.msk $0xffff, v8  }
0x290: {  	v8 =	vor.u32 s30, v55;
	[tilespmem:v10+s16+$0x0] =	vst.idx.msk $0xffff, v5;
	v5 =	vld [tilespmem:s29+$0xE0]  }
0x291: {  	v11 =	vor.u32 s5, v35;
	[tilespmem:v13+s16+$0x0] =	vst.idx.msk $0xffff, v12;
	v10 =	vld [tilespmem:s29+$0x10]  }
0x292: {  	[tilespmem:v9+s16+$0x0] =	vst.idx.msk $0xffff, v2;
	v2 =	vld [tilespmem:s29+$0x50];
	v9 =	vor.u32 s31, v39  }
0x293: {  	[tilespmem:v6+s16+$0x0] =	vst.idx.msk $0xffff, v3;
	v3 =	vld [tilespmem:s29+$0x90];
	v6 =	vor.u32 s8, v43  }
0x294: {  	v13 =	vor.u32 s0, v23;
	v12 =	vld [tilespmem:s29+$0xFFFFFF10];
	[tilespmem:v7+s16+$0x0] =	vst.idx.msk $0xffff, v4  }
0x295: {  	v7 =	vor.u32 s17, v28;
	v4 =	vld [tilespmem:s29+$0xFFFFFF60];
	[tilespmem:v8+s16+$0x0] =	vst.idx.msk $0xffff, v5  }
0x296: {  	v8 =	vor.u32 s30, v47;
	[tilespmem:v11+s16+$0x0] =	vst.idx.msk $0xffff, v10;
	v5 =	vld [tilespmem:s29+$0xF0]  }
0x297: {  	v11 =	vor.u32 s22, v33;
	v10 =	vld [tilespmem:s29+$0xFFFFFFA0];
	[tilespmem:v9+s16+$0x0] =	vst.idx.msk $0xffff, v2  }
0x298: {  	v9 =	vor.u32 s3, v17;
	v2 =	vld [tilespmem:s29+$0xFFFFFFE0];
	[tilespmem:v6+s16+$0x0] =	vst.idx.msk $0xffff, v3  }
0x299: {  	v6 =	vor.u32 s5, v36;
	[tilespmem:v13+s16+$0x0] =	vst.idx.msk $0xffff, v12;
	v3 =	vld [tilespmem:s29+$0x20]  }
0x29a: {  	[tilespmem:v7+s16+$0x0] =	vst.idx.msk $0xffff, v4;
	v4 =	vld [tilespmem:s29+$0x60];
	v7 =	vor.u32 s31, v40  }
0x29b: {  	v13 =	vor.u32 s8, v44;
	v12 =	vld [tilespmem:s29+$0xA0];
	[tilespmem:v8+s16+$0x0] =	vst.idx.msk $0xffff, v5  }
0x29c: {  	v15 =	vor.u32 s0, v24;
	v14 =	vld [tilespmem:s29+$0xFFFFFF20];
	[tilespmem:v11+s16+$0x0] =	vst.idx.msk $0xffff, v10  }
0x29d: {  	v17 =	vor.u32 s17, v29;
	v16 =	vld [tilespmem:s29+$0xFFFFFF70];
	[tilespmem:v9+s16+$0x0] =	vst.idx.msk $0xffff, v2  }
0x29e: {  	v19 =	vor.u32 s22, v20;
	v18 =	vld [tilespmem:s29+$0xFFFFFFB0];
	[tilespmem:v6+s16+$0x0] =	vst.idx.msk $0xffff, v3  }
.Ltmp7:
0x29f: {  	v11 =	vor.u32 s3, v25;
	v8 =	vld [tilespmem:s29+$0xFFFFFFF0];
	[tilespmem:v7+s16+$0x0] =	vst.idx.msk $0xffff, v4;
	(pc) =	sbr.rel @p0 .LBB2_13-.Ltmp7, $4  }
0x2a0: {  	v10 =	vor.u32 s5, v53;
	v5 =	vld [tilespmem:s29+$0x30];
	[tilespmem:v13+s16+$0x0] =	vst.idx.msk $0xffff, v12  }
0x2a1: {  	v9 =	vor.u32 s31, v41;
	[tilespmem:v15+s16+$0x0] =	vst.idx.msk $0xffff, v14;
	v2 =	vld [tilespmem:s29+$0x70]  }
0x2a2: {  	v6 =	vor.u32 s8, v49;
	[tilespmem:v17+s16+$0x0] =	vst.idx.msk $0xffff, v16;
	v17 =	vmov v34;
	v3 =	vld [tilespmem:s29+$0xB0]  }
0x2a3: {  	s1 =	sadd.s32 $0x8, s1;
	s30 =	sadd.s32 $0x7, s28;
	v7 =	vor.u32 s0, v45;
	v4 =	vld [tilespmem:s29+$0xFFFFFF30];
	[tilespmem:v19+s16+$0x0] =	vst.idx.msk $0xffff, v18;
	s29 =	sadd.s32 $0x200, s29  }
0x2a4: {  	_ =	sdelay $0x3  }
0x2a5: {  	s0 =	sadd.s32 $0x1, s28;
	v12 =	vld [tilespmem:s29+$0xC0];
	[tilespmem:v11+s16+$0x0] =	vst.idx.msk $0xffff, v8;
	v8 =	vor.u32 s30, v37  }
0x2a6: {  	v11 =	vld [tilespmem:s29+$0xFFFFFF40];
	s1 =	sadd.s32 $0x2, s28;
	[tilespmem:v10+s16+$0x0] =	vst.idx.msk $0xffff, v5;
	v5 =	vor.u32 s0, v26  }
0x2a7: {  	s3 =	sadd.s32 $0x3, s28;
	v10 =	vld [tilespmem:s29+$0xFFFFFF80];
	[tilespmem:v9+s16+$0x0] =	vst.idx.msk $0xffff, v2;
	v2 =	vor.u32 s1, v30  }
0x2a8: {  	s5 =	sadd.s32 $0x4, s28;
	v9 =	vld [tilespmem:s29+$0xFFFFFFC0];
	[tilespmem:v6+s16+$0x0] =	vst.idx.msk $0xffff, v3;
	v3 =	vor.u32 s3, v21  }
0x2a9: {  	s8 =	sadd.s32 $0x5, s28;
	v6 =	vld [tilespmem:s29+$0x0];
	[tilespmem:v7+s16+$0x0] =	vst.idx.msk $0xffff, v4;
	v4 =	vor.u32 s5, v32  }
0x2aa: {  	v7 =	vld [tilespmem:s29+$0x40];
	[tilespmem:v8+s16+$0x0] =	vst.idx.msk $0xffff, v12;
	v8 =	vor.u32 s8, v38  }
0x2ab: {  	s9 =	sadd.s32 $0x6, s28;
	[tilespmem:v5+s16+$0x0] =	vst.idx.msk $0xffff, v11;
	v5 =	vld [tilespmem:s29+$0xD0];
	v11 =	vor.u32 s30, v46  }
0x2ac: {  	[tilespmem:v2+s16+$0x0] =	vst.idx.msk $0xffff, v10;
	v2 =	vld [tilespmem:s29+$0x80];
	v10 =	vor.u32 s9, v42  }
0x2ad: {  	v12 =	vld [tilespmem:s29+$0xFFFFFF00];
	[tilespmem:v3+s16+$0x0] =	vst.idx.msk $0xffff, v9;
	v3 =	vor.u32 s28, v0  }
0x2ae: {  	v9 =	vld [tilespmem:s29+$0xFFFFFF50];
	[tilespmem:v4+s16+$0x0] =	vst.idx.msk $0xffff, v6;
	v4 =	vor.u32 s0, v27  }
0x2af: {  	v6 =	vld [tilespmem:s29+$0xFFFFFF90];
	[tilespmem:v8+s16+$0x0] =	vst.idx.msk $0xffff, v7;
	v7 =	vor.u32 s1, v31  }
0x2b0: {  	v8 =	vld [tilespmem:s29+$0xFFFFFFD0];
	[tilespmem:v11+s16+$0x0] =	vst.idx.msk $0xffff, v5;
	v5 =	vor.u32 s3, v22  }
0x2b1: {  	[tilespmem:v10+s16+$0x0] =	vst.idx.msk $0xffff, v2;
	v2 =	vld [tilespmem:s29+$0xE0];
	v10 =	vor.u32 s30, v55  }
0x2b2: {  	v11 =	vor.u32 s5, v35;
	[tilespmem:v3+s16+$0x0] =	vst.idx.msk $0xffff, v12;
	v3 =	vld [tilespmem:s29+$0x10]  }
0x2b3: {  	[tilespmem:v4+s16+$0x0] =	vst.idx.msk $0xffff, v9;
	v4 =	vld [tilespmem:s29+$0x50];
	v9 =	vor.u32 s8, v39  }
0x2b4: {  	[tilespmem:v7+s16+$0x0] =	vst.idx.msk $0xffff, v6;
	v6 =	vld [tilespmem:s29+$0x90];
	v7 =	vor.u32 s9, v43  }
0x2b5: {  	v12 =	vld [tilespmem:s29+$0xFFFFFF10];
	[tilespmem:v5+s16+$0x0] =	vst.idx.msk $0xffff, v8;
	v5 =	vor.u32 s28, v23  }
0x2b6: {  	v8 =	vld [tilespmem:s29+$0xFFFFFF60];
	[tilespmem:v10+s16+$0x0] =	vst.idx.msk $0xffff, v2;
	v2 =	vor.u32 s0, v28  }
0x2b7: {  	v10 =	vor.u32 s30, v47;
	[tilespmem:v11+s16+$0x0] =	vst.idx.msk $0xffff, v3;
	v3 =	vld [tilespmem:s29+$0xF0]  }
0x2b8: {  	v11 =	vld [tilespmem:s29+$0xFFFFFFA0];
	[tilespmem:v9+s16+$0x0] =	vst.idx.msk $0xffff, v4;
	v4 =	vor.u32 s1, v33  }
0x2b9: {  	v9 =	vld [tilespmem:s29+$0xFFFFFFE0];
	[tilespmem:v7+s16+$0x0] =	vst.idx.msk $0xffff, v6;
	v6 =	vor.u32 s3, v17  }
0x2ba: {  	v7 =	vor.u32 s5, v36;
	[tilespmem:v5+s16+$0x0] =	vst.idx.msk $0xffff, v12;
	v5 =	vld [tilespmem:s29+$0x20]  }
0x2bb: {  	[tilespmem:v2+s16+$0x0] =	vst.idx.msk $0xffff, v8;
	v2 =	vld [tilespmem:s29+$0x60];
	v8 =	vor.u32 s8, v40  }
0x2bc: {  	v12 =	vld [tilespmem:s29+$0xA0];
	[tilespmem:v10+s16+$0x0] =	vst.idx.msk $0xffff, v3;
	v3 =	vor.u32 s9, v44  }
0x2bd: {  	v10 =	vld [tilespmem:s29+$0xFFFFFF20];
	[tilespmem:v4+s16+$0x0] =	vst.idx.msk $0xffff, v11;
	v4 =	vor.u32 s28, v24  }
0x2be: {  	v11 =	vld [tilespmem:s29+$0xFFFFFF70];
	[tilespmem:v6+s16+$0x0] =	vst.idx.msk $0xffff, v9;
	v6 =	vor.u32 s0, v29  }
0x2bf: {  	v9 =	vld [tilespmem:s29+$0xFFFFFFB0];
	[tilespmem:v7+s16+$0x0] =	vst.idx.msk $0xffff, v5;
	v5 =	vor.u32 s1, v20  }
0x2c0: {  	v7 =	vld [tilespmem:s29+$0xFFFFFFF0];
	[tilespmem:v8+s16+$0x0] =	vst.idx.msk $0xffff, v2;
	v2 =	vor.u32 s3, v25  }
0x2c1: {  	v8 =	vld [tilespmem:s29+$0x30];
	[tilespmem:v3+s16+$0x0] =	vst.idx.msk $0xffff, v12;
	v3 =	vor.u32 s5, v53  }
0x2c2: {  	[tilespmem:v4+s16+$0x0] =	vst.idx.msk $0xffff, v10;
	v4 =	vld [tilespmem:s29+$0x70];
	v10 =	vor.u32 s8, v41  }
0x2c3: {  	[tilespmem:v6+s16+$0x0] =	vst.idx.msk $0xffff, v11;
	v6 =	vld [tilespmem:s29+$0xB0];
	v11 =	vor.u32 s9, v49  }
0x2c4: {  	v12 =	vld [tilespmem:s29+$0xFFFFFF30];
	[tilespmem:v5+s16+$0x0] =	vst.idx.msk $0xffff, v9;
	v5 =	vor.u32 s28, v45  }
0x2c5: {  	[tilespmem:v2+s16+$0x0] =	vst.idx.msk $0xffff, v7  }
0x2c6: {  	[tilespmem:v3+s16+$0x0] =	vst.idx.msk $0xffff, v8  }
0x2c7: {  	[tilespmem:v10+s16+$0x0] =	vst.idx.msk $0xffff, v4  }
0x2c8: {  	[tilespmem:v11+s16+$0x0] =	vst.idx.msk $0xffff, v6  }
0x2c9: {  	[tilespmem:v5+s16+$0x0] =	vst.idx.msk $0xffff, v12  }
0x2ca: {  	v32 =	vld [tilespmem:$0x1FCE0]  }
0x2cb: {  	v39 =	vld [tilespmem:$0x1FD20]  }
0x2cc: {  	s29 =	simm.s32 $0x0;
	s28 =	simm.s32 $0x85F0;
	v44 =	vld [tilespmem:$0x1FD60]  }
0x2cd: {  	v3 =	vor.u32 s29, v56;
	v2 =	vld [tilespmem:s28+$0xFFFFFFD0]  }
0x2ce: {  	v4 =	vor.u32 s29, v50;
	v5 =	vld [tilespmem:s28+$0xFFFFFE10]  }
0x2cf: {  	v7 =	vld [tilespmem:s28+$0xFFFFFE50];
	v6 =	vor.u32 s29, v32  }
0x2d0: {  	v9 =	vld [tilespmem:s28+$0xFFFFFE90];
	v8 =	vor.u32 s29, v39  }
0x2d1: {  	v11 =	vld [tilespmem:s28+$0xFFFFFED0];
	v10 =	vor.u32 s29, v44  }
0x2d2: {  	v12 =	vor.u32 s29, v48;
	[tilespmem:v3+s16+$0x0] =	vst.idx.msk $0xffff, v2;
	v2 =	vld [tilespmem:s28+$0xFFFFFF10]  }
0x2d3: {  	[tilespmem:v4+s16+$0x0] =	vst.idx.msk $0xffff, v5  }
0x2d4: {  	[tilespmem:v6+s16+$0x0] =	vst.idx.msk $0xffff, v7  }
0x2d5: {  	v3 =	vld [tilespmem:s28+$0xFFFFFFE0];
	[tilespmem:v8+s16+$0x0] =	vst.idx.msk $0xffff, v9  }
0x2d6: {  	v37 =	vld [tilespmem:$0x1FCB0];
	[tilespmem:v10+s16+$0x0] =	vst.idx.msk $0xffff, v11  }
0x2d7: {  	v35 =	vld [tilespmem:$0x1FCF0];
	[tilespmem:v12+s16+$0x0] =	vst.idx.msk $0xffff, v2  }
0x2d8: {  	v4 =	vor.u32 s29, v59;
	v40 =	vld [tilespmem:$0x1FD30]  }
0x2d9: {  	v5 =	vor.u32 s29, v51;
	v6 =	vld [tilespmem:s28+$0xFFFFFF50]  }
0x2da: {  	v7 =	vor.u32 s29, v57;
	v8 =	vld [tilespmem:s28+$0xFFFFFF90]  }
0x2db: {  	v10 =	vld [tilespmem:s28+$0xFFFFFE20];
	v9 =	vor.u32 s29, v37  }
0x2dc: {  	v2 =	vld [tilespmem:s28+$0xFFFFFE60];
	v11 =	vor.u32 s29, v35  }
0x2dd: {  	[tilespmem:v4+s16+$0x0] =	vst.idx.msk $0xffff, v3;
	v3 =	vld [tilespmem:s28+$0xFFFFFEA0];
	v12 =	vor.u32 s29, v40  }
0x2de: {  	[tilespmem:v5+s16+$0x0] =	vst.idx.msk $0xffff, v6  }
0x2df: {  	v46 =	vld [tilespmem:$0x1FD70];
	[tilespmem:v7+s16+$0x0] =	vst.idx.msk $0xffff, v8  }
0x2e0: {  	v16 =	vld [tilespmem:$0x1FD90];
	[tilespmem:v9+s16+$0x0] =	vst.idx.msk $0xffff, v10  }
0x2e1: {  	[tilespmem:v11+s16+$0x0] =	vst.idx.msk $0xffff, v2  }
0x2e2: {  	v4 =	vld [tilespmem:s28+$0xFFFFFFF0];
	[tilespmem:v12+s16+$0x0] =	vst.idx.msk $0xffff, v3  }
0x2e3: {  	v5 =	vor.u32 s29, v63;
	v41 =	vld [tilespmem:$0x1FCC0]  }
0x2e4: {  	v7 =	vld [tilespmem:s28+$0xFFFFFEE0];
	v6 =	vor.u32 s29, v46  }
0x2e5: {  	v9 =	vld [tilespmem:s28+$0xFFFFFF20];
	v8 =	vor.u32 s29, v16  }
0x2e6: {  	v10 =	vor.u32 s29, v54;
	v2 =	vld [tilespmem:s28+$0xFFFFFF60]  }
0x2e7: {  	v11 =	vor.u32 s29, v58;
	v3 =	vld [tilespmem:s28+$0xFFFFFFA0]  }
0x2e8: {  	[tilespmem:v5+s16+$0x0] =	vst.idx.msk $0xffff, v4;
	v4 =	vld [tilespmem:s28+$0xFFFFFE30];
	v12 =	vor.u32 s29, v41  }
0x2e9: {  	v5 =	vld [tilespmem:s28+$0x0];
	[tilespmem:v6+s16+$0x0] =	vst.idx.msk $0xffff, v7  }
0x2ea: {  	v36 =	vld [tilespmem:$0x1FD00];
	[tilespmem:v8+s16+$0x0] =	vst.idx.msk $0xffff, v9  }
0x2eb: {  	v42 =	vld [tilespmem:$0x1FD40];
	[tilespmem:v10+s16+$0x0] =	vst.idx.msk $0xffff, v2  }
0x2ec: {  	v47 =	vmov v48;
	v48 =	vld [tilespmem:$0x1FD80];
	[tilespmem:v11+s16+$0x0] =	vst.idx.msk $0xffff, v3  }
0x2ed: {  	v52 =	vld [tilespmem:$0x1FFC0];
	[tilespmem:v12+s16+$0x0] =	vst.idx.msk $0xffff, v4  }
0x2ee: {  	v6 =	vor.u32 s29, v1;
	v0 =	vld [tilespmem:$0x1FDA0]  }
0x2ef: {  	v8 =	vld [tilespmem:s28+$0xFFFFFE70];
	v7 =	vor.u32 s29, v36  }
0x2f0: {  	v2 =	vld [tilespmem:s28+$0xFFFFFEB0];
	v9 =	vor.u32 s29, v42  }
0x2f1: {  	v3 =	vld [tilespmem:s28+$0xFFFFFEF0];
	v10 =	vor.u32 s29, v48  }
0x2f2: {  	v4 =	vld [tilespmem:s28+$0xFFFFFF30];
	v11 =	vor.u32 s29, v52  }
0x2f3: {  	[tilespmem:v6+s16+$0x0] =	vst.idx.msk $0xffff, v5;
	v5 =	vld [tilespmem:s28+$0xFFFFFF70];
	v13 =	vor.u32 s29, v0  }
0x2f4: {  	[tilespmem:v7+s16+$0x0] =	vst.idx.msk $0xffff, v8  }
0x2f5: {  	v45 =	vld [tilespmem:$0x1FCD0];
	[tilespmem:v9+s16+$0x0] =	vst.idx.msk $0xffff, v2  }
0x2f6: {  	v14 =	vor.u32 s29, v60;
	v15 =	vld [tilespmem:s28+$0xFFFFFFB0];
	[tilespmem:v10+s16+$0x0] =	vst.idx.msk $0xffff, v3  }
0x2f7: {  	[tilespmem:v11+s16+$0x0] =	vst.idx.msk $0xffff, v4  }
0x2f8: {  	[tilespmem:v13+s16+$0x0] =	vst.idx.msk $0xffff, v5  }
0x2f9: {  	v38 =	vld [tilespmem:$0x1FD10]  }
0x2fa: {  	v43 =	vld [tilespmem:$0x1FD50]  }
0x2fb: {  	v49 =	vld [tilespmem:$0x1FFB0];
	[tilespmem:v14+s16+$0x0] =	vst.idx.msk $0xffff, v15  }
0x2fc: {  	v53 =	vld [tilespmem:$0x1FFD0]  }
0x2fd: {  	p0 =	por $0x1, $0x1;
	v2 =	vld [tilespmem:s28+$0xFFFFFE40];
	v33 =	vor.u32 s29, v45  }
.Ltmp8:
0x2fe: {  	v12 =	vld [tilespmem:s28+$0xFFFFFE80];
	v7 =	vor.u32 s29, v38;
	(pc) =	sbr.rel @!p0 .LBB2_16-.Ltmp8, $4  }
0x2ff: {  	v10 =	vld [tilespmem:s28+$0xFFFFFEC0];
	v6 =	vor.u32 s29, v43  }
0x300: {  	v8 =	vld [tilespmem:s28+$0xFFFFFF00];
	v4 =	vor.u32 s29, v49  }
0x301: {  	v9 =	vld [tilespmem:s28+$0xFFFFFF40];
	v5 =	vor.u32 s29, v53  }
0x302: {  	v55 =	vmovc v54;
	v54 =	vmovc v51;
	v51 =	vmov v16;
	v3 =	vor.u32 s29, v61;
	v11 =	vld [tilespmem:s28+$0xFFFFFF80];
	[tilespmem:v33+s16+$0x0] =	vst.idx.msk $0xffff, v2;
	v2 =	vor.u32 s29, v62  }
.LBB2_15:
0x303: {  	s29 =	sadd.s32 $0x8, s29;
	[tilespmem:v7+s16+$0x0] =	vst.idx.msk $0xffff, v12;
	v7 =	vld [tilespmem:s28+$0xFFFFFFC0];
	s28 =	sadd.s32 $0x200, s28  }
0x304: {  	v12 =	vor.u32 s29, v50;
	v13 =	vor.u32 s29, v32;
	v14 =	vld [tilespmem:s28+$0xFFFFFFD0];
	v15 =	vor.u32 s29, v56;
	p0 =	slt.u32 s29, $0x78;
	[tilespmem:v6+s16+$0x0] =	vst.idx.msk $0xffff, v10  }
0x305: {  	v10 =	vor.u32 s29, v39;
	v16 =	vor.u32 s29, v44;
	v17 =	vor.u32 s29, v47;
	v6 =	vld [tilespmem:s28+$0xFFFFFE10];
	[tilespmem:v4+s16+$0x0] =	vst.idx.msk $0xffff, v8  }
0x306: {  	v18 =	vor.u32 s29, v54;
	v19 =	vor.u32 s29, v57;
	v8 =	vor.u32 s29, v37;
	v4 =	vld [tilespmem:s28+$0xFFFFFE50];
	[tilespmem:v5+s16+$0x0] =	vst.idx.msk $0xffff, v9  }
0x307: {  	v20 =	vor.u32 s29, v40;
	v21 =	vor.u32 s29, v46;
	v9 =	vor.u32 s29, v35;
	v5 =	vld [tilespmem:s28+$0xFFFFFE90];
	[tilespmem:v3+s16+$0x0] =	vst.idx.msk $0xffff, v11  }
0x308: {  	v22 =	vor.u32 s29, v55;
	v23 =	vor.u32 s29, v58;
	v11 =	vor.u32 s29, v51;
	v3 =	vld [tilespmem:s28+$0xFFFFFED0];
	[tilespmem:v2+s16+$0x0] =	vst.idx.msk $0xffff, v7  }
0x309: {  	v24 =	vor.u32 s29, v41;
	v25 =	vor.u32 s29, v36;
	v26 =	vor.u32 s29, v42;
	v27 =	vld [tilespmem:s28+$0xFFFFFF10];
	[tilespmem:v15+s16+$0x0] =	vst.idx.msk $0xffff, v14  }
0x30a: {  	v28 =	vor.u32 s29, v59;
	v14 =	vor.u32 s29, v48;
	v15 =	vor.u32 s29, v52;
	[tilespmem:v12+s16+$0x0] =	vst.idx.msk $0xffff, v6;
	v12 =	vld [tilespmem:s28+$0xFFFFFFE0]  }
0x30b: {  	v29 =	vor.u32 s29, v45;
	v30 =	vor.u32 s29, v0;
	v33 =	vor.u32 s29, v60;
	[tilespmem:v13+s16+$0x0] =	vst.idx.msk $0xffff, v4;
	v13 =	vld [tilespmem:s28+$0xFFFFFF50]  }
0x30c: {  	v7 =	vor.u32 s29, v38;
	v6 =	vor.u32 s29, v43;
	v4 =	vor.u32 s29, v49;
	[tilespmem:v10+s16+$0x0] =	vst.idx.msk $0xffff, v5;
	v10 =	vld [tilespmem:s28+$0xFFFFFF90]  }
0x30d: {  	v2 =	vor.u32 s29, v62;
	v5 =	vor.u32 s29, v53;
	v31 =	vld [tilespmem:s28+$0xFFFFFE20];
	[tilespmem:v16+s16+$0x0] =	vst.idx.msk $0xffff, v3;
	v3 =	vor.u32 s29, v61  }
0x30e: {  	v16 =	vld [tilespmem:s28+$0xFFFFFE60];
	[tilespmem:v17+s16+$0x0] =	vst.idx.msk $0xffff, v27  }
0x30f: {  	v17 =	vld [tilespmem:s28+$0xFFFFFEA0];
	[tilespmem:v28+s16+$0x0] =	vst.idx.msk $0xffff, v12  }
0x310: {  	[tilespmem:v18+s16+$0x0] =	vst.idx.msk $0xffff, v13;
	v12 =	vld [tilespmem:s28+$0xFFFFFFF0];
	v13 =	vor.u32 s29, v63  }
0x311: {  	v18 =	vld [tilespmem:s28+$0xFFFFFEE0];
	[tilespmem:v19+s16+$0x0] =	vst.idx.msk $0xffff, v10  }
0x312: {  	[tilespmem:v8+s16+$0x0] =	vst.idx.msk $0xffff, v31;
	v8 =	vld [tilespmem:s28+$0xFFFFFF20]  }
0x313: {  	[tilespmem:v9+s16+$0x0] =	vst.idx.msk $0xffff, v16;
	v9 =	vld [tilespmem:s28+$0xFFFFFF60]  }
0x314: {  	[tilespmem:v20+s16+$0x0] =	vst.idx.msk $0xffff, v17;
	v10 =	vld [tilespmem:s28+$0xFFFFFFA0]  }
0x315: {  	v16 =	vld [tilespmem:s28+$0xFFFFFE30];
	[tilespmem:v13+s16+$0x0] =	vst.idx.msk $0xffff, v12  }
0x316: {  	v13 =	vor.u32 s29, v1;
	[tilespmem:v21+s16+$0x0] =	vst.idx.msk $0xffff, v18;
	v12 =	vld [tilespmem:s28+$0x0]  }
0x317: {  	v17 =	vld [tilespmem:s28+$0xFFFFFE70];
	[tilespmem:v11+s16+$0x0] =	vst.idx.msk $0xffff, v8  }
0x318: {  	v8 =	vld [tilespmem:s28+$0xFFFFFEB0];
	[tilespmem:v22+s16+$0x0] =	vst.idx.msk $0xffff, v9  }
0x319: {  	v9 =	vld [tilespmem:s28+$0xFFFFFEF0];
	[tilespmem:v23+s16+$0x0] =	vst.idx.msk $0xffff, v10  }
0x31a: {  	[tilespmem:v24+s16+$0x0] =	vst.idx.msk $0xffff, v16;
	v11 =	vld [tilespmem:s28+$0xFFFFFF30]  }
0x31b: {  	v16 =	vld [tilespmem:s28+$0xFFFFFF70];
	[tilespmem:v13+s16+$0x0] =	vst.idx.msk $0xffff, v12  }
0x31c: {  	[tilespmem:v25+s16+$0x0] =	vst.idx.msk $0xffff, v17;
	v13 =	vld [tilespmem:s28+$0xFFFFFFB0]  }
0x31d: {  	v17 =	vld [tilespmem:s28+$0xFFFFFE40];
	[tilespmem:v26+s16+$0x0] =	vst.idx.msk $0xffff, v8  }
.Ltmp9:
0x31e: {  	v12 =	vld [tilespmem:s28+$0xFFFFFE80];
	[tilespmem:v14+s16+$0x0] =	vst.idx.msk $0xffff, v9;
	(pc) =	sbr.rel @p0 .LBB2_15-.Ltmp9, $4  }
0x31f: {  	v10 =	vld [tilespmem:s28+$0xFFFFFEC0];
	[tilespmem:v15+s16+$0x0] =	vst.idx.msk $0xffff, v11  }
0x320: {  	v8 =	vld [tilespmem:s28+$0xFFFFFF00];
	[tilespmem:v30+s16+$0x0] =	vst.idx.msk $0xffff, v16  }
0x321: {  	v9 =	vld [tilespmem:s28+$0xFFFFFF40];
	[tilespmem:v33+s16+$0x0] =	vst.idx.msk $0xffff, v13  }
0x322: {  	[tilespmem:v29+s16+$0x0] =	vst.idx.msk $0xffff, v17;
	v11 =	vld [tilespmem:s28+$0xFFFFFF80]  }
.LBB2_16:
0x323: {  	_ =	sdelay $0x3  }
0x324: {  	[tilespmem:v7+s16+$0x0] =	vst.idx.msk $0xffff, v12;
	v7 =	vld [tilespmem:s28+$0xFFFFFFC0]  }
0x325: {  	[tilespmem:v6+s16+$0x0] =	vst.idx.msk $0xffff, v10  }
0x326: {  	s28 =	sshll.u32 s26, $0x1;
	[tilespmem:v4+s16+$0x0] =	vst.idx.msk $0xffff, v8  }
0x327: {  	s0 =	smin.u32 s28, $0x61;
	[tilespmem:v5+s16+$0x0] =	vst.idx.msk $0xffff, v9  }
0x328: {  	s22 =	sshll.u32 s26, $0x11;
	s0 =	sshll.u32 s0, $0x8;
	[tilespmem:v3+s16+$0x0] =	vst.idx.msk $0xffff, v11  }
0x329: {  	s29 =	sor.u32 s6, s22;
	s0 =	sadd.s32 $0x200, s0;
	[tilespmem:v2+s16+$0x0] =	vst.idx.msk $0xffff, v7  }
0x32a: {  	[tilespmem:s13], [sflag:$0x1] =	stream.indirect.gather [hbm4b:s4+s12], $0x40, s0, s12, $0xb8;
	[tilespmem:$0x16400] =	vst v63  }
0x32b: {  	s0 =	sadd.s32 s2, s29  }
0x32c: {  	[hbm4b:s0+s18] =	stream.strided.scatter [tilespmem:s16], [sflag:$0x3], $0x4000, s19, s18, $0x38;
	[tilespmem:$0x16400] =	vst v63  }
0x32d: {  	_ =	swait.ge [sflag:s20], $0x4000  }
0x32e: {  	[sflag:s20] =	ssyncset.done $0x0  }
0x32f: {  	[sflag:s20] =	ssyncadd.s32 $0xFFFFC000  }
0x330: {  	_ =	swait.ge [sflag:s24], $0x4000  }
0x331: {  	v46 =	vld [tilespmem:$0x1FF50]  }
0x332: {  	v23 =	vld [tilespmem:$0x1FDE0]  }
0x333: {  	v27 =	vld [tilespmem:$0x1FE20]  }
0x334: {  	[sflag:s24] =	ssyncset.done $0x0  }
0x335: {  	s3 =	simm.s32 $0xA500;
	s22 =	simm.s32 $0x7;
	[sflag:s24] =	ssyncadd.s32 $0xFFFFC000  }
0x336: {  	s5 =	simm.s32 $0x1;
	v2 =	vld [tilespmem:s3+$0xC0];
	v3 =	vor.u32 s22, v46  }
0x337: {  	s10 =	simm.s32 $0x2;
	v4 =	vld [tilespmem:s3+$0xFFFFFF40];
	v5 =	vor.u32 s5, v23  }
0x338: {  	v6 =	vld [tilespmem:s3+$0xFFFFFF80];
	v7 =	vor.u32 s10, v27  }
0x339: {  	v31 =	vld [tilespmem:$0x1FE60]  }
0x33a: {  	v32 =	vld [tilespmem:$0x1FE90]  }
0x33b: {  	v38 =	vld [tilespmem:$0x1FED0];
	[tilespmem:v3+s21+$0x0] =	vst.idx.msk $0xffff, v2  }
0x33c: {  	v8 =	vld [tilespmem:s3+$0xFFFFFFC0];
	[tilespmem:v5+s21+$0x0] =	vst.idx.msk $0xffff, v4  }
0x33d: {  	v47 =	vld [tilespmem:$0x1FF60];
	[tilespmem:v7+s21+$0x0] =	vst.idx.msk $0xffff, v6  }
0x33e: {  	s1 =	simm.s32 $0x3;
	v42 =	vld [tilespmem:$0x1FF10]  }
0x33f: {  	s0 =	simm.s32 $0x4;
	v9 =	vor.u32 s1, v31;
	v0 =	vld [tilespmem:$0x1FFF0]  }
0x340: {  	s8 =	simm.s32 $0x5;
	v10 =	vld [tilespmem:s3+$0x0];
	v11 =	vor.u32 s0, v32  }
0x341: {  	v52 =	vld [tilespmem:s3+$0x40];
	v13 =	vor.u32 s8, v38  }
0x342: {  	s17 =	simm.s32 $0x6;
	v2 =	vld [tilespmem:s3+$0xD0];
	v3 =	vor.u32 s22, v47  }
0x343: {  	s9 =	simm.s32 $0x0;
	v4 =	vld [tilespmem:s3+$0x80];
	v5 =	vor.u32 s17, v42  }
0x344: {  	v6 =	vld [tilespmem:s3+$0xFFFFFF00];
	[tilespmem:v9+s21+$0x0] =	vst.idx.msk $0xffff, v8;
	v7 =	vor.u32 s9, v0  }
0x345: {  	v24 =	vld [tilespmem:$0x1FDF0];
	[tilespmem:v11+s21+$0x0] =	vst.idx.msk $0xffff, v10  }
0x346: {  	v28 =	vld [tilespmem:$0x1FE30];
	[tilespmem:v13+s21+$0x0] =	vst.idx.msk $0xffff, v52  }
0x347: {  	v33 =	vld [tilespmem:$0x1FE70];
	[tilespmem:v3+s21+$0x0] =	vst.idx.msk $0xffff, v2  }
0x348: {  	v8 =	vld [tilespmem:s3+$0xFFFFFF50];
	[tilespmem:v5+s21+$0x0] =	vst.idx.msk $0xffff, v4  }
0x349: {  	v48 =	vld [tilespmem:$0x1FF70];
	[tilespmem:v7+s21+$0x0] =	vst.idx.msk $0xffff, v6  }
0x34a: {  	v9 =	vor.u32 s5, v24;
	v35 =	vld [tilespmem:$0x1FEA0]  }
0x34b: {  	v10 =	vld [tilespmem:s3+$0xFFFFFF90];
	v11 =	vor.u32 s10, v28  }
0x34c: {  	v53 =	vld [tilespmem:s3+$0xFFFFFFD0]  }
0x34d: {  	v55 =	vor.u32 s1, v33;
	v2 =	vld [tilespmem:s3+$0xE0]  }
0x34e: {  	v4 =	vld [tilespmem:s3+$0x10];
	v3 =	vor.u32 s22, v48  }
0x34f: {  	v6 =	vld [tilespmem:s3+$0x50];
	[tilespmem:v9+s21+$0x0] =	vst.idx.msk $0xffff, v8;
	v5 =	vor.u32 s0, v35  }
0x350: {  	v39 =	vld [tilespmem:$0x1FEE0];
	[tilespmem:v11+s21+$0x0] =	vst.idx.msk $0xffff, v10  }
0x351: {  	v43 =	vld [tilespmem:$0x1FF20]  }
0x352: {  	v20 =	vld [tilespmem:$0x1FDB0];
	[tilespmem:v55+s21+$0x0] =	vst.idx.msk $0xffff, v53  }
0x353: {  	v25 =	vld [tilespmem:$0x1FE00];
	[tilespmem:v3+s21+$0x0] =	vst.idx.msk $0xffff, v2  }
0x354: {  	v8 =	vld [tilespmem:s3+$0x90];
	[tilespmem:v5+s21+$0x0] =	vst.idx.msk $0xffff, v4  }
0x355: {  	v7 =	vor.u32 s8, v39;
	v49 =	vld [tilespmem:$0x1FF80]  }
0x356: {  	v10 =	vld [tilespmem:s3+$0xFFFFFF10];
	v9 =	vor.u32 s17, v43  }
0x357: {  	v11 =	vor.u32 s9, v20;
	v29 =	vld [tilespmem:$0x1FE40]  }
0x358: {  	v45 =	vld [tilespmem:s3+$0xFFFFFF60];
	v52 =	vor.u32 s5, v25;
	_ =	sdelay $0x1  }
0x359: {  	v2 =	vld [tilespmem:s3+$0xF0];
	[tilespmem:v7+s21+$0x0] =	vst.idx.msk $0xffff, v6;
	v3 =	vor.u32 s22, v49  }
0x35a: {  	v4 =	vld [tilespmem:s3+$0xFFFFFFA0];
	[tilespmem:v9+s21+$0x0] =	vst.idx.msk $0xffff, v8  }
0x35b: {  	v6 =	vld [tilespmem:s3+$0xFFFFFFE0];
	[tilespmem:v11+s21+$0x0] =	vst.idx.msk $0xffff, v10;
	v5 =	vor.u32 s10, v29  }
0x35c: {  	v36 =	vld [tilespmem:$0x1FEB0];
	[tilespmem:v52+s21+$0x0] =	vst.idx.msk $0xffff, v45  }
0x35d: {  	v40 =	vld [tilespmem:$0x1FEF0]  }
0x35e: {  	v44 =	vld [tilespmem:$0x1FF30];
	[tilespmem:v3+s21+$0x0] =	vst.idx.msk $0xffff, v2  }
0x35f: {  	v21 =	vld [tilespmem:$0x1FDC0]  }
0x360: {  	v7 =	vor.u32 s1, v34;
	v8 =	vld [tilespmem:s3+$0x20];
	[tilespmem:v5+s21+$0x0] =	vst.idx.msk $0xffff, v4  }
0x361: {  	v9 =	vor.u32 s0, v36;
	v26 =	vld [tilespmem:$0x1FE10]  }
0x362: {  	v10 =	vld [tilespmem:s3+$0x60];
	v11 =	vor.u32 s8, v40  }
0x363: {  	v53 =	vld [tilespmem:s3+$0xA0];
	v55 =	vor.u32 s17, v44  }
0x364: {  	v2 =	vld [tilespmem:s3+$0xFFFFFF20];
	v3 =	vor.u32 s9, v21  }
0x365: {  	v4 =	vld [tilespmem:s3+$0xFFFFFF70];
	[tilespmem:v7+s21+$0x0] =	vst.idx.msk $0xffff, v6  }
0x366: {  	v30 =	vld [tilespmem:$0x1FE50];
	[tilespmem:v9+s21+$0x0] =	vst.idx.msk $0xffff, v8;
	v14 =	vor.u32 s5, v26  }
0x367: {  	[tilespmem:v11+s21+$0x0] =	vst.idx.msk $0xffff, v10  }
0x368: {  	v15 =	vld [tilespmem:s3+$0xFFFFFFB0];
	[tilespmem:v55+s21+$0x0] =	vst.idx.msk $0xffff, v53  }
0x369: {  	v37 =	vld [tilespmem:$0x1FE80];
	[tilespmem:v3+s21+$0x0] =	vst.idx.msk $0xffff, v2  }
0x36a: {  	v41 =	vld [tilespmem:$0x1FEC0]  }
0x36b: {  	v45 =	vld [tilespmem:$0x1FF00];
	[tilespmem:v14+s21+$0x0] =	vst.idx.msk $0xffff, v4  }
0x36c: {  	v50 =	vld [tilespmem:$0x1FF40]  }
0x36d: {  	v16 =	vor.u32 s10, v30;
	v22 =	vld [tilespmem:$0x1FDD0]  }
0x36e: {  	v8 =	vld [tilespmem:s3+$0xFFFFFFF0];
	v11 =	vor.u32 s1, v37  }
0x36f: {  	v5 =	vld [tilespmem:s3+$0x30];
	v10 =	vor.u32 s0, v41  }
0x370: {  	v2 =	vld [tilespmem:s3+$0x70];
	v9 =	vor.u32 s8, v45  }
0x371: {  	s30 =	simm.s32 $0x8;
	v3 =	vld [tilespmem:s3+$0xB0];
	v6 =	vor.u32 s17, v50  }
0x372: {  	v17 =	vmov v34;
	s31 =	simm.s32 $0xA700;
	s1 =	simm.s32 $0xF;
	v4 =	vld [tilespmem:s3+$0xFFFFFF30];
	[tilespmem:v16+s21+$0x0] =	vst.idx.msk $0xffff, v15;
	s0 =	simm.s32 $0x10;
	v7 =	vor.u32 s9, v22  }
.LBB2_17:
0x373: {  	p0 =	slt.u32 s0, $0x78;
	s22 =	sadd.s32 $0x1, s30;
	v12 =	vld [tilespmem:s31+$0xC0];
	v13 =	vor.u32 s1, v46;
	[tilespmem:v11+s21+$0x0] =	vst.idx.msk $0xffff, v8;
	s17 =	smov.u32 s30  }
0x374: {  	s30 =	smov.u32 s0;
	v8 =	vld [tilespmem:s31+$0xFFFFFF40];
	v11 =	vor.u32 s22, v23;
	s3 =	sadd.s32 $0x2, s17;
	[tilespmem:v10+s21+$0x0] =	vst.idx.msk $0xffff, v5  }
0x375: {  	s5 =	sadd.s32 $0x3, s17;
	v5 =	vld [tilespmem:s31+$0xFFFFFF80];
	v10 =	vor.u32 s3, v27;
	[tilespmem:v9+s21+$0x0] =	vst.idx.msk $0xffff, v2  }
0x376: {  	s8 =	sadd.s32 $0x4, s17;
	v9 =	vor.u32 s5, v31;
	v2 =	vld [tilespmem:s31+$0xFFFFFFC0];
	[tilespmem:v6+s21+$0x0] =	vst.idx.msk $0xffff, v3  }
0x377: {  	s9 =	sadd.s32 $0x5, s17;
	v6 =	vor.u32 s8, v32;
	v3 =	vld [tilespmem:s31+$0x0];
	[tilespmem:v7+s21+$0x0] =	vst.idx.msk $0xffff, v4  }
0x378: {  	v7 =	vor.u32 s9, v38;
	v4 =	vld [tilespmem:s31+$0x40];
	[tilespmem:v13+s21+$0x0] =	vst.idx.msk $0xffff, v12  }
0x379: {  	s10 =	sadd.s32 $0x6, s17;
	[tilespmem:v11+s21+$0x0] =	vst.idx.msk $0xffff, v8;
	v8 =	vld [tilespmem:s31+$0xD0];
	v11 =	vor.u32 s1, v47  }
0x37a: {  	[tilespmem:v10+s21+$0x0] =	vst.idx.msk $0xffff, v5;
	v5 =	vld [tilespmem:s31+$0x80];
	v10 =	vor.u32 s10, v42  }
0x37b: {  	v13 =	vor.u32 s17, v0;
	v12 =	vld [tilespmem:s31+$0xFFFFFF00];
	[tilespmem:v9+s21+$0x0] =	vst.idx.msk $0xffff, v2  }
0x37c: {  	v9 =	vor.u32 s22, v24;
	v2 =	vld [tilespmem:s31+$0xFFFFFF50];
	[tilespmem:v6+s21+$0x0] =	vst.idx.msk $0xffff, v3  }
0x37d: {  	v6 =	vor.u32 s3, v28;
	v3 =	vld [tilespmem:s31+$0xFFFFFF90];
	[tilespmem:v7+s21+$0x0] =	vst.idx.msk $0xffff, v4  }
0x37e: {  	v7 =	vor.u32 s5, v33;
	v4 =	vld [tilespmem:s31+$0xFFFFFFD0];
	[tilespmem:v11+s21+$0x0] =	vst.idx.msk $0xffff, v8  }
0x37f: {  	v8 =	vor.u32 s1, v48;
	[tilespmem:v10+s21+$0x0] =	vst.idx.msk $0xffff, v5;
	v5 =	vld [tilespmem:s31+$0xE0]  }
0x380: {  	v11 =	vor.u32 s8, v35;
	[tilespmem:v13+s21+$0x0] =	vst.idx.msk $0xffff, v12;
	v10 =	vld [tilespmem:s31+$0x10]  }
0x381: {  	[tilespmem:v9+s21+$0x0] =	vst.idx.msk $0xffff, v2;
	v2 =	vld [tilespmem:s31+$0x50];
	v9 =	vor.u32 s9, v39  }
0x382: {  	[tilespmem:v6+s21+$0x0] =	vst.idx.msk $0xffff, v3;
	v3 =	vld [tilespmem:s31+$0x90];
	v6 =	vor.u32 s10, v43  }
0x383: {  	v13 =	vor.u32 s17, v20;
	v12 =	vld [tilespmem:s31+$0xFFFFFF10];
	[tilespmem:v7+s21+$0x0] =	vst.idx.msk $0xffff, v4  }
0x384: {  	v7 =	vor.u32 s22, v25;
	v4 =	vld [tilespmem:s31+$0xFFFFFF60];
	[tilespmem:v8+s21+$0x0] =	vst.idx.msk $0xffff, v5  }
0x385: {  	v8 =	vor.u32 s1, v49;
	[tilespmem:v11+s21+$0x0] =	vst.idx.msk $0xffff, v10;
	v5 =	vld [tilespmem:s31+$0xF0]  }
0x386: {  	v11 =	vor.u32 s3, v29;
	v10 =	vld [tilespmem:s31+$0xFFFFFFA0];
	[tilespmem:v9+s21+$0x0] =	vst.idx.msk $0xffff, v2  }
0x387: {  	v9 =	vor.u32 s5, v17;
	v2 =	vld [tilespmem:s31+$0xFFFFFFE0];
	[tilespmem:v6+s21+$0x0] =	vst.idx.msk $0xffff, v3  }
0x388: {  	v6 =	vor.u32 s8, v36;
	[tilespmem:v13+s21+$0x0] =	vst.idx.msk $0xffff, v12;
	v3 =	vld [tilespmem:s31+$0x20]  }
0x389: {  	[tilespmem:v7+s21+$0x0] =	vst.idx.msk $0xffff, v4;
	v4 =	vld [tilespmem:s31+$0x60];
	v7 =	vor.u32 s9, v40  }
0x38a: {  	v13 =	vor.u32 s10, v44;
	v12 =	vld [tilespmem:s31+$0xA0];
	[tilespmem:v8+s21+$0x0] =	vst.idx.msk $0xffff, v5  }
0x38b: {  	v15 =	vor.u32 s17, v21;
	v14 =	vld [tilespmem:s31+$0xFFFFFF20];
	[tilespmem:v11+s21+$0x0] =	vst.idx.msk $0xffff, v10  }
0x38c: {  	v17 =	vor.u32 s22, v26;
	v16 =	vld [tilespmem:s31+$0xFFFFFF70];
	[tilespmem:v9+s21+$0x0] =	vst.idx.msk $0xffff, v2  }
0x38d: {  	v19 =	vor.u32 s3, v30;
	v18 =	vld [tilespmem:s31+$0xFFFFFFB0];
	[tilespmem:v6+s21+$0x0] =	vst.idx.msk $0xffff, v3  }
.Ltmp10:
0x38e: {  	v11 =	vor.u32 s5, v37;
	v8 =	vld [tilespmem:s31+$0xFFFFFFF0];
	[tilespmem:v7+s21+$0x0] =	vst.idx.msk $0xffff, v4;
	(pc) =	sbr.rel @p0 .LBB2_17-.Ltmp10, $4  }
0x38f: {  	v10 =	vor.u32 s8, v41;
	v5 =	vld [tilespmem:s31+$0x30];
	[tilespmem:v13+s21+$0x0] =	vst.idx.msk $0xffff, v12  }
0x390: {  	v9 =	vor.u32 s9, v45;
	[tilespmem:v15+s21+$0x0] =	vst.idx.msk $0xffff, v14;
	v2 =	vld [tilespmem:s31+$0x70]  }
0x391: {  	v6 =	vor.u32 s10, v50;
	[tilespmem:v17+s21+$0x0] =	vst.idx.msk $0xffff, v16;
	v17 =	vmov v34;
	v3 =	vld [tilespmem:s31+$0xB0]  }
0x392: {  	s0 =	sadd.s32 $0x8, s0;
	s1 =	sadd.s32 $0x7, s30;
	v7 =	vor.u32 s17, v22;
	v4 =	vld [tilespmem:s31+$0xFFFFFF30];
	[tilespmem:v19+s21+$0x0] =	vst.idx.msk $0xffff, v18;
	s31 =	sadd.s32 $0x200, s31  }
0x393: {  	_ =	sdelay $0x3  }
0x394: {  	s0 =	sadd.s32 $0x1, s30;
	v12 =	vld [tilespmem:s31+$0xC0];
	[tilespmem:v11+s21+$0x0] =	vst.idx.msk $0xffff, v8;
	v8 =	vor.u32 s1, v46  }
0x395: {  	v11 =	vld [tilespmem:s31+$0xFFFFFF40];
	s3 =	sadd.s32 $0x2, s30;
	[tilespmem:v10+s21+$0x0] =	vst.idx.msk $0xffff, v5;
	v5 =	vor.u32 s0, v23  }
0x396: {  	s5 =	sadd.s32 $0x3, s30;
	v10 =	vld [tilespmem:s31+$0xFFFFFF80];
	[tilespmem:v9+s21+$0x0] =	vst.idx.msk $0xffff, v2;
	v2 =	vor.u32 s3, v27  }
0x397: {  	s8 =	sadd.s32 $0x4, s30;
	v9 =	vld [tilespmem:s31+$0xFFFFFFC0];
	[tilespmem:v6+s21+$0x0] =	vst.idx.msk $0xffff, v3;
	v3 =	vor.u32 s5, v31  }
0x398: {  	s9 =	sadd.s32 $0x5, s30;
	v6 =	vld [tilespmem:s31+$0x0];
	[tilespmem:v7+s21+$0x0] =	vst.idx.msk $0xffff, v4;
	v4 =	vor.u32 s8, v32  }
0x399: {  	v7 =	vld [tilespmem:s31+$0x40];
	[tilespmem:v8+s21+$0x0] =	vst.idx.msk $0xffff, v12;
	v8 =	vor.u32 s9, v38  }
0x39a: {  	s10 =	sadd.s32 $0x6, s30;
	[tilespmem:v5+s21+$0x0] =	vst.idx.msk $0xffff, v11;
	v5 =	vld [tilespmem:s31+$0xD0];
	v11 =	vor.u32 s1, v47  }
0x39b: {  	[tilespmem:v2+s21+$0x0] =	vst.idx.msk $0xffff, v10;
	v2 =	vld [tilespmem:s31+$0x80];
	v10 =	vor.u32 s10, v42  }
0x39c: {  	v12 =	vld [tilespmem:s31+$0xFFFFFF00];
	[tilespmem:v3+s21+$0x0] =	vst.idx.msk $0xffff, v9;
	v3 =	vor.u32 s30, v0  }
0x39d: {  	v9 =	vld [tilespmem:s31+$0xFFFFFF50];
	[tilespmem:v4+s21+$0x0] =	vst.idx.msk $0xffff, v6;
	v4 =	vor.u32 s0, v24  }
0x39e: {  	v6 =	vld [tilespmem:s31+$0xFFFFFF90];
	[tilespmem:v8+s21+$0x0] =	vst.idx.msk $0xffff, v7;
	v7 =	vor.u32 s3, v28  }
0x39f: {  	v8 =	vld [tilespmem:s31+$0xFFFFFFD0];
	[tilespmem:v11+s21+$0x0] =	vst.idx.msk $0xffff, v5;
	v5 =	vor.u32 s5, v33  }
0x3a0: {  	[tilespmem:v10+s21+$0x0] =	vst.idx.msk $0xffff, v2;
	v2 =	vld [tilespmem:s31+$0xE0];
	v10 =	vor.u32 s1, v48  }
0x3a1: {  	v11 =	vor.u32 s8, v35;
	[tilespmem:v3+s21+$0x0] =	vst.idx.msk $0xffff, v12;
	v3 =	vld [tilespmem:s31+$0x10]  }
0x3a2: {  	[tilespmem:v4+s21+$0x0] =	vst.idx.msk $0xffff, v9;
	v4 =	vld [tilespmem:s31+$0x50];
	v9 =	vor.u32 s9, v39  }
0x3a3: {  	[tilespmem:v7+s21+$0x0] =	vst.idx.msk $0xffff, v6;
	v6 =	vld [tilespmem:s31+$0x90];
	v7 =	vor.u32 s10, v43  }
0x3a4: {  	v12 =	vld [tilespmem:s31+$0xFFFFFF10];
	[tilespmem:v5+s21+$0x0] =	vst.idx.msk $0xffff, v8;
	v5 =	vor.u32 s30, v20  }
0x3a5: {  	v8 =	vld [tilespmem:s31+$0xFFFFFF60];
	[tilespmem:v10+s21+$0x0] =	vst.idx.msk $0xffff, v2;
	v2 =	vor.u32 s0, v25  }
0x3a6: {  	v10 =	vor.u32 s1, v49;
	[tilespmem:v11+s21+$0x0] =	vst.idx.msk $0xffff, v3;
	v3 =	vld [tilespmem:s31+$0xF0]  }
0x3a7: {  	v11 =	vld [tilespmem:s31+$0xFFFFFFA0];
	[tilespmem:v9+s21+$0x0] =	vst.idx.msk $0xffff, v4;
	v4 =	vor.u32 s3, v29  }
0x3a8: {  	v9 =	vld [tilespmem:s31+$0xFFFFFFE0];
	[tilespmem:v7+s21+$0x0] =	vst.idx.msk $0xffff, v6;
	v6 =	vor.u32 s5, v17  }
0x3a9: {  	v7 =	vor.u32 s8, v36;
	[tilespmem:v5+s21+$0x0] =	vst.idx.msk $0xffff, v12;
	v5 =	vld [tilespmem:s31+$0x20]  }
0x3aa: {  	[tilespmem:v2+s21+$0x0] =	vst.idx.msk $0xffff, v8;
	v2 =	vld [tilespmem:s31+$0x60];
	v8 =	vor.u32 s9, v40  }
0x3ab: {  	v12 =	vld [tilespmem:s31+$0xA0];
	[tilespmem:v10+s21+$0x0] =	vst.idx.msk $0xffff, v3;
	v3 =	vor.u32 s10, v44  }
0x3ac: {  	v10 =	vld [tilespmem:s31+$0xFFFFFF20];
	[tilespmem:v4+s21+$0x0] =	vst.idx.msk $0xffff, v11;
	v4 =	vor.u32 s30, v21  }
0x3ad: {  	v11 =	vld [tilespmem:s31+$0xFFFFFF70];
	[tilespmem:v6+s21+$0x0] =	vst.idx.msk $0xffff, v9;
	v6 =	vor.u32 s0, v26  }
0x3ae: {  	v9 =	vld [tilespmem:s31+$0xFFFFFFB0];
	[tilespmem:v7+s21+$0x0] =	vst.idx.msk $0xffff, v5;
	v5 =	vor.u32 s3, v30  }
0x3af: {  	v7 =	vld [tilespmem:s31+$0xFFFFFFF0];
	[tilespmem:v8+s21+$0x0] =	vst.idx.msk $0xffff, v2;
	v2 =	vor.u32 s5, v37  }
0x3b0: {  	v8 =	vld [tilespmem:s31+$0x30];
	[tilespmem:v3+s21+$0x0] =	vst.idx.msk $0xffff, v12;
	v3 =	vor.u32 s8, v41  }
0x3b1: {  	[tilespmem:v4+s21+$0x0] =	vst.idx.msk $0xffff, v10;
	v4 =	vld [tilespmem:s31+$0x70];
	v10 =	vor.u32 s9, v45  }
0x3b2: {  	[tilespmem:v6+s21+$0x0] =	vst.idx.msk $0xffff, v11;
	v6 =	vld [tilespmem:s31+$0xB0];
	v11 =	vor.u32 s10, v50  }
0x3b3: {  	v12 =	vld [tilespmem:s31+$0xFFFFFF30];
	[tilespmem:v5+s21+$0x0] =	vst.idx.msk $0xffff, v9;
	v5 =	vor.u32 s30, v22  }
0x3b4: {  	[tilespmem:v2+s21+$0x0] =	vst.idx.msk $0xffff, v7  }
0x3b5: {  	[tilespmem:v3+s21+$0x0] =	vst.idx.msk $0xffff, v8  }
0x3b6: {  	[tilespmem:v10+s21+$0x0] =	vst.idx.msk $0xffff, v4  }
0x3b7: {  	[tilespmem:v11+s21+$0x0] =	vst.idx.msk $0xffff, v6  }
0x3b8: {  	s30 =	simm.s32 $0xC5F0;
	[tilespmem:v5+s21+$0x0] =	vst.idx.msk $0xffff, v12  }
0x3b9: {  	v2 =	vld [tilespmem:s30+$0xFFFFFFD0]  }
0x3ba: {  	v50 =	vld [tilespmem:$0x1FF90]  }
0x3bb: {  	v38 =	vld [tilespmem:$0x1FCE0]  }
0x3bc: {  	v43 =	vld [tilespmem:$0x1FD20]  }
0x3bd: {  	s31 =	simm.s32 $0x0;
	v48 =	vld [tilespmem:$0x1FD60]  }
0x3be: {  	v3 =	vor.u32 s31, v56;
	v37 =	vld [tilespmem:$0x1FFA0]  }
0x3bf: {  	v5 =	vld [tilespmem:s30+$0xFFFFFE10];
	v4 =	vor.u32 s31, v50  }
0x3c0: {  	v7 =	vld [tilespmem:s30+$0xFFFFFE50];
	v6 =	vor.u32 s31, v38  }
0x3c1: {  	v9 =	vld [tilespmem:s30+$0xFFFFFE90];
	v8 =	vor.u32 s31, v43  }
0x3c2: {  	v11 =	vld [tilespmem:s30+$0xFFFFFED0];
	v10 =	vor.u32 s31, v48  }
0x3c3: {  	v12 =	vor.u32 s31, v37;
	[tilespmem:v3+s21+$0x0] =	vst.idx.msk $0xffff, v2;
	v2 =	vld [tilespmem:s30+$0xFFFFFF10]  }
0x3c4: {  	[tilespmem:v4+s21+$0x0] =	vst.idx.msk $0xffff, v5  }
0x3c5: {  	[tilespmem:v6+s21+$0x0] =	vst.idx.msk $0xffff, v7  }
0x3c6: {  	v3 =	vld [tilespmem:s30+$0xFFFFFFE0];
	[tilespmem:v8+s21+$0x0] =	vst.idx.msk $0xffff, v9  }
0x3c7: {  	v32 =	vld [tilespmem:$0x1FCB0];
	[tilespmem:v10+s21+$0x0] =	vst.idx.msk $0xffff, v11  }
0x3c8: {  	v39 =	vld [tilespmem:$0x1FCF0];
	[tilespmem:v12+s21+$0x0] =	vst.idx.msk $0xffff, v2  }
0x3c9: {  	v4 =	vor.u32 s31, v59;
	v44 =	vld [tilespmem:$0x1FD30]  }
0x3ca: {  	v5 =	vor.u32 s31, v54;
	v6 =	vld [tilespmem:s30+$0xFFFFFF50]  }
0x3cb: {  	v7 =	vor.u32 s31, v57;
	v8 =	vld [tilespmem:s30+$0xFFFFFF90]  }
0x3cc: {  	v10 =	vld [tilespmem:s30+$0xFFFFFE20];
	v9 =	vor.u32 s31, v32  }
0x3cd: {  	v2 =	vld [tilespmem:s30+$0xFFFFFE60];
	v11 =	vor.u32 s31, v39  }
0x3ce: {  	[tilespmem:v4+s21+$0x0] =	vst.idx.msk $0xffff, v3;
	v3 =	vld [tilespmem:s30+$0xFFFFFEA0];
	v12 =	vor.u32 s31, v44  }
0x3cf: {  	[tilespmem:v5+s21+$0x0] =	vst.idx.msk $0xffff, v6  }
0x3d0: {  	v52 =	vld [tilespmem:$0x1FD70];
	[tilespmem:v7+s21+$0x0] =	vst.idx.msk $0xffff, v8  }
0x3d1: {  	v51 =	vld [tilespmem:$0x1FD90];
	[tilespmem:v9+s21+$0x0] =	vst.idx.msk $0xffff, v10  }
0x3d2: {  	v55 =	vld [tilespmem:$0x1FFE0];
	[tilespmem:v11+s21+$0x0] =	vst.idx.msk $0xffff, v2  }
0x3d3: {  	v4 =	vld [tilespmem:s30+$0xFFFFFFF0];
	[tilespmem:v12+s21+$0x0] =	vst.idx.msk $0xffff, v3  }
0x3d4: {  	v5 =	vor.u32 s31, v63;
	v35 =	vld [tilespmem:$0x1FCC0]  }
0x3d5: {  	v7 =	vld [tilespmem:s30+$0xFFFFFEE0];
	v6 =	vor.u32 s31, v52  }
0x3d6: {  	v9 =	vld [tilespmem:s30+$0xFFFFFF20];
	v8 =	vor.u32 s31, v51  }
0x3d7: {  	v2 =	vld [tilespmem:s30+$0xFFFFFF60];
	v10 =	vor.u32 s31, v55  }
0x3d8: {  	v11 =	vor.u32 s31, v58;
	v3 =	vld [tilespmem:s30+$0xFFFFFFA0]  }
0x3d9: {  	[tilespmem:v5+s21+$0x0] =	vst.idx.msk $0xffff, v4;
	v4 =	vld [tilespmem:s30+$0xFFFFFE30];
	v12 =	vor.u32 s31, v35  }
0x3da: {  	v5 =	vld [tilespmem:s30+$0x0];
	[tilespmem:v6+s21+$0x0] =	vst.idx.msk $0xffff, v7  }
0x3db: {  	v40 =	vld [tilespmem:$0x1FD00];
	[tilespmem:v8+s21+$0x0] =	vst.idx.msk $0xffff, v9  }
0x3dc: {  	v46 =	vld [tilespmem:$0x1FD40];
	[tilespmem:v10+s21+$0x0] =	vst.idx.msk $0xffff, v2  }
0x3dd: {  	v41 =	vld [tilespmem:$0x1FD80];
	[tilespmem:v11+s21+$0x0] =	vst.idx.msk $0xffff, v3  }
0x3de: {  	v49 =	vld [tilespmem:$0x1FFC0];
	[tilespmem:v12+s21+$0x0] =	vst.idx.msk $0xffff, v4  }
0x3df: {  	v6 =	vor.u32 s31, v1;
	v0 =	vld [tilespmem:$0x1FDA0]  }
0x3e0: {  	v8 =	vld [tilespmem:s30+$0xFFFFFE70];
	v7 =	vor.u32 s31, v40  }
0x3e1: {  	v2 =	vld [tilespmem:s30+$0xFFFFFEB0];
	v9 =	vor.u32 s31, v46  }
0x3e2: {  	v3 =	vld [tilespmem:s30+$0xFFFFFEF0];
	v10 =	vor.u32 s31, v41  }
0x3e3: {  	v4 =	vld [tilespmem:s30+$0xFFFFFF30];
	v11 =	vor.u32 s31, v49  }
0x3e4: {  	[tilespmem:v6+s21+$0x0] =	vst.idx.msk $0xffff, v5;
	v5 =	vld [tilespmem:s30+$0xFFFFFF70];
	v13 =	vor.u32 s31, v0  }
0x3e5: {  	[tilespmem:v7+s21+$0x0] =	vst.idx.msk $0xffff, v8  }
0x3e6: {  	v36 =	vld [tilespmem:$0x1FCD0];
	[tilespmem:v9+s21+$0x0] =	vst.idx.msk $0xffff, v2  }
0x3e7: {  	v14 =	vor.u32 s31, v60;
	v15 =	vld [tilespmem:s30+$0xFFFFFFB0];
	[tilespmem:v10+s21+$0x0] =	vst.idx.msk $0xffff, v3  }
0x3e8: {  	[tilespmem:v11+s21+$0x0] =	vst.idx.msk $0xffff, v4  }
0x3e9: {  	[tilespmem:v13+s21+$0x0] =	vst.idx.msk $0xffff, v5  }
0x3ea: {  	v42 =	vld [tilespmem:$0x1FD10]  }
0x3eb: {  	v47 =	vld [tilespmem:$0x1FD50]  }
0x3ec: {  	v45 =	vld [tilespmem:$0x1FFB0];
	[tilespmem:v14+s21+$0x0] =	vst.idx.msk $0xffff, v15  }
0x3ed: {  	v53 =	vld [tilespmem:$0x1FFD0]  }
0x3ee: {  	p0 =	por $0x1, $0x1;
	v2 =	vld [tilespmem:s30+$0xFFFFFE40];
	v16 =	vor.u32 s31, v36  }
.Ltmp11:
0x3ef: {  	v12 =	vld [tilespmem:s30+$0xFFFFFE80];
	v7 =	vor.u32 s31, v42;
	(pc) =	sbr.rel @!p0 .LBB2_20-.Ltmp11, $4  }
0x3f0: {  	v9 =	vld [tilespmem:s30+$0xFFFFFEC0];
	v6 =	vor.u32 s31, v47  }
0x3f1: {  	v8 =	vld [tilespmem:s30+$0xFFFFFF00];
	v4 =	vor.u32 s31, v45  }
0x3f2: {  	v10 =	vld [tilespmem:s30+$0xFFFFFF40];
	v5 =	vor.u32 s31, v53  }
0x3f3: {  	v3 =	vor.u32 s31, v61;
	v11 =	vld [tilespmem:s30+$0xFFFFFF80];
	[tilespmem:v16+s21+$0x0] =	vst.idx.msk $0xffff, v2;
	v2 =	vor.u32 s31, v62  }
.LBB2_19:
0x3f4: {  	s31 =	sadd.s32 $0x8, s31;
	[tilespmem:v7+s21+$0x0] =	vst.idx.msk $0xffff, v12;
	v7 =	vld [tilespmem:s30+$0xFFFFFFC0];
	s30 =	sadd.s32 $0x200, s30  }
0x3f5: {  	v12 =	vor.u32 s31, v50;
	v13 =	vor.u32 s31, v38;
	v14 =	vld [tilespmem:s30+$0xFFFFFFD0];
	v15 =	vor.u32 s31, v56;
	p0 =	slt.u32 s31, $0x78;
	[tilespmem:v6+s21+$0x0] =	vst.idx.msk $0xffff, v9  }
0x3f6: {  	v9 =	vor.u32 s31, v43;
	v16 =	vor.u32 s31, v48;
	v17 =	vor.u32 s31, v37;
	v6 =	vld [tilespmem:s30+$0xFFFFFE10];
	[tilespmem:v4+s21+$0x0] =	vst.idx.msk $0xffff, v8  }
0x3f7: {  	v18 =	vor.u32 s31, v54;
	v19 =	vor.u32 s31, v57;
	v8 =	vor.u32 s31, v32;
	v4 =	vld [tilespmem:s30+$0xFFFFFE50];
	[tilespmem:v5+s21+$0x0] =	vst.idx.msk $0xffff, v10  }
0x3f8: {  	v20 =	vor.u32 s31, v44;
	v21 =	vor.u32 s31, v52;
	v10 =	vor.u32 s31, v39;
	v5 =	vld [tilespmem:s30+$0xFFFFFE90];
	[tilespmem:v3+s21+$0x0] =	vst.idx.msk $0xffff, v11  }
0x3f9: {  	v22 =	vor.u32 s31, v55;
	v23 =	vor.u32 s31, v58;
	v11 =	vor.u32 s31, v51;
	v3 =	vld [tilespmem:s30+$0xFFFFFED0];
	[tilespmem:v2+s21+$0x0] =	vst.idx.msk $0xffff, v7  }
0x3fa: {  	v24 =	vor.u32 s31, v35;
	v25 =	vor.u32 s31, v40;
	v26 =	vor.u32 s31, v46;
	v27 =	vld [tilespmem:s30+$0xFFFFFF10];
	[tilespmem:v15+s21+$0x0] =	vst.idx.msk $0xffff, v14  }
0x3fb: {  	v28 =	vor.u32 s31, v59;
	v14 =	vor.u32 s31, v41;
	v15 =	vor.u32 s31, v49;
	[tilespmem:v12+s21+$0x0] =	vst.idx.msk $0xffff, v6;
	v12 =	vld [tilespmem:s30+$0xFFFFFFE0]  }
0x3fc: {  	v29 =	vor.u32 s31, v36;
	v30 =	vor.u32 s31, v0;
	v31 =	vor.u32 s31, v60;
	[tilespmem:v13+s21+$0x0] =	vst.idx.msk $0xffff, v4;
	v13 =	vld [tilespmem:s30+$0xFFFFFF50]  }
0x3fd: {  	v7 =	vor.u32 s31, v42;
	v6 =	vor.u32 s31, v47;
	v4 =	vor.u32 s31, v45;
	[tilespmem:v9+s21+$0x0] =	vst.idx.msk $0xffff, v5;
	v9 =	vld [tilespmem:s30+$0xFFFFFF90]  }
0x3fe: {  	v2 =	vor.u32 s31, v62;
	v5 =	vor.u32 s31, v53;
	v33 =	vld [tilespmem:s30+$0xFFFFFE20];
	[tilespmem:v16+s21+$0x0] =	vst.idx.msk $0xffff, v3;
	v3 =	vor.u32 s31, v61  }
0x3ff: {  	v16 =	vld [tilespmem:s30+$0xFFFFFE60];
	[tilespmem:v17+s21+$0x0] =	vst.idx.msk $0xffff, v27  }
0x400: {  	v17 =	vld [tilespmem:s30+$0xFFFFFEA0];
	[tilespmem:v28+s21+$0x0] =	vst.idx.msk $0xffff, v12  }
0x401: {  	[tilespmem:v18+s21+$0x0] =	vst.idx.msk $0xffff, v13;
	v12 =	vld [tilespmem:s30+$0xFFFFFFF0];
	v13 =	vor.u32 s31, v63  }
0x402: {  	v18 =	vld [tilespmem:s30+$0xFFFFFEE0];
	[tilespmem:v19+s21+$0x0] =	vst.idx.msk $0xffff, v9  }
0x403: {  	[tilespmem:v8+s21+$0x0] =	vst.idx.msk $0xffff, v33;
	v8 =	vld [tilespmem:s30+$0xFFFFFF20]  }
0x404: {  	[tilespmem:v10+s21+$0x0] =	vst.idx.msk $0xffff, v16;
	v9 =	vld [tilespmem:s30+$0xFFFFFF60]  }
0x405: {  	[tilespmem:v20+s21+$0x0] =	vst.idx.msk $0xffff, v17;
	v10 =	vld [tilespmem:s30+$0xFFFFFFA0]  }
0x406: {  	v16 =	vld [tilespmem:s30+$0xFFFFFE30];
	[tilespmem:v13+s21+$0x0] =	vst.idx.msk $0xffff, v12  }
0x407: {  	v13 =	vor.u32 s31, v1;
	[tilespmem:v21+s21+$0x0] =	vst.idx.msk $0xffff, v18;
	v12 =	vld [tilespmem:s30+$0x0]  }
0x408: {  	v17 =	vld [tilespmem:s30+$0xFFFFFE70];
	[tilespmem:v11+s21+$0x0] =	vst.idx.msk $0xffff, v8  }
0x409: {  	v8 =	vld [tilespmem:s30+$0xFFFFFEB0];
	[tilespmem:v22+s21+$0x0] =	vst.idx.msk $0xffff, v9  }
0x40a: {  	v9 =	vld [tilespmem:s30+$0xFFFFFEF0];
	[tilespmem:v23+s21+$0x0] =	vst.idx.msk $0xffff, v10  }
0x40b: {  	[tilespmem:v24+s21+$0x0] =	vst.idx.msk $0xffff, v16;
	v10 =	vld [tilespmem:s30+$0xFFFFFF30]  }
0x40c: {  	v11 =	vld [tilespmem:s30+$0xFFFFFF70];
	[tilespmem:v13+s21+$0x0] =	vst.idx.msk $0xffff, v12  }
0x40d: {  	[tilespmem:v25+s21+$0x0] =	vst.idx.msk $0xffff, v17;
	v13 =	vld [tilespmem:s30+$0xFFFFFFB0]  }
0x40e: {  	v16 =	vld [tilespmem:s30+$0xFFFFFE40];
	[tilespmem:v26+s21+$0x0] =	vst.idx.msk $0xffff, v8  }
.Ltmp12:
0x40f: {  	v12 =	vld [tilespmem:s30+$0xFFFFFE80];
	[tilespmem:v14+s21+$0x0] =	vst.idx.msk $0xffff, v9;
	(pc) =	sbr.rel @p0 .LBB2_19-.Ltmp12, $4  }
0x410: {  	v9 =	vld [tilespmem:s30+$0xFFFFFEC0];
	[tilespmem:v15+s21+$0x0] =	vst.idx.msk $0xffff, v10  }
0x411: {  	v8 =	vld [tilespmem:s30+$0xFFFFFF00];
	[tilespmem:v30+s21+$0x0] =	vst.idx.msk $0xffff, v11  }
0x412: {  	v10 =	vld [tilespmem:s30+$0xFFFFFF40];
	[tilespmem:v31+s21+$0x0] =	vst.idx.msk $0xffff, v13  }
0x413: {  	[tilespmem:v29+s21+$0x0] =	vst.idx.msk $0xffff, v16;
	v11 =	vld [tilespmem:s30+$0xFFFFFF80]  }
.LBB2_20:
0x414: {  	_ =	sdelay $0x3  }
0x415: {  	[tilespmem:v7+s21+$0x0] =	vst.idx.msk $0xffff, v12;
	v53 =	vld [tilespmem:s30+$0xFFFFFFC0]  }
0x416: {  	[tilespmem:v6+s21+$0x0] =	vst.idx.msk $0xffff, v9  }
0x417: {  	[tilespmem:v4+s21+$0x0] =	vst.idx.msk $0xffff, v8  }
0x418: {  	[tilespmem:v5+s21+$0x0] =	vst.idx.msk $0xffff, v10  }
0x419: {  	[tilespmem:v3+s21+$0x0] =	vst.idx.msk $0xffff, v11  }
0x41a: {  	[tilespmem:v2+s21+$0x0] =	vst.idx.msk $0xffff, v53  }
0x41b: {  	v23 =	vld [tilespmem:$0x1FDB0]  }
0x41c: {  	v24 =	vld [tilespmem:$0x1FDC0]  }
0x41d: {  	v45 =	vld [tilespmem:$0x1FDD0]  }
0x41e: {  	v26 =	vld [tilespmem:$0x1FDE0]  }
0x41f: {  	v27 =	vld [tilespmem:$0x1FDF0]  }
0x420: {  	v28 =	vld [tilespmem:$0x1FE00]  }
0x421: {  	v29 =	vld [tilespmem:$0x1FE10]  }
0x422: {  	v30 =	vld [tilespmem:$0x1FE20]  }
0x423: {  	v31 =	vld [tilespmem:$0x1FE30]  }
0x424: {  	v33 =	vld [tilespmem:$0x1FE40]  }
0x425: {  	v21 =	vld [tilespmem:$0x1FE60]  }
0x426: {  	v22 =	vld [tilespmem:$0x1FE70]  }
0x427: {  	v32 =	vld [tilespmem:$0x1FE90]  }
0x428: {  	v35 =	vld [tilespmem:$0x1FEA0]  }
0x429: {  	v36 =	vld [tilespmem:$0x1FEB0]  }
0x42a: {  	v38 =	vld [tilespmem:$0x1FED0]  }
0x42b: {  	v39 =	vld [tilespmem:$0x1FEE0]  }
0x42c: {  	v40 =	vld [tilespmem:$0x1FEF0]  }
0x42d: {  	v41 =	vld [tilespmem:$0x1FF00]  }
0x42e: {  	v42 =	vld [tilespmem:$0x1FF10]  }
0x42f: {  	v43 =	vld [tilespmem:$0x1FF20]  }
0x430: {  	s26 =	sadd.s32 $0x1, s26;
	v44 =	vld [tilespmem:$0x1FF30]  }
0x431: {  	s0 =	smin.u32 s28, $0x60;
	p0 =	sne.s32 s26, $0x32;
	v2 =	vld [tilespmem:$0x1FF70]  }
.Ltmp13:
0x432: {  	s0 =	sshll.u32 s0, $0x8;
	v18 =	vld [tilespmem:$0x1FF50];
	(pc) =	sbr.rel @p0 .LBB2_12-.Ltmp13, $4  }
0x433: {  	s0 =	sadd.s32 $0x300, s0;
	v46 =	vld [tilespmem:$0x1FF60]  }
0x434: {  	[tilespmem:s14], [sflag:$0x2] =	stream.indirect.gather [hbm4b:s4+s12], $0x40, s0, s12, $0xb8;
	v0 =	vld [tilespmem:$0x1FFF0]  }
0x435: {  	s31 =	sadd.s32 s29, s7;
	v19 =	vld [tilespmem:$0x1FF80]  }
0x436: {  	v48 =	vmovc v37;
	v51 =	vmov v54;
	v49 =	vmov v55;
	v53 =	vld [tilespmem:$0x1FEC0];
	[hbm4b:s31+s18] =	stream.strided.scatter [tilespmem:s21], [sflag:$0x4], $0x4000, s19, s18, $0x38;
	v55 =	vmov v2  }
0x437: {  	_ =	swait.ge [sflag:s15], $0x4000  }
0x438: {  	[sflag:s15] =	ssyncset.done $0x0  }
0x439: {  	[sflag:s15] =	ssyncadd.s32 $0xFFFFC000  }
0x43a: {  	_ =	swait.ge [sflag:s23], $0x4000  }
0x43b: {  	[sflag:s23] =	ssyncset.done $0x0  }
0x43c: {  	[sflag:s23] =	ssyncadd.s32 $0xFFFFC000  }
0x43d: {  	_ =	swait.ge [sflag:s20], $0x4000  }
0x43e: {  	[sflag:s20] =	ssyncset.done $0x0  }
0x43f: {  	[sflag:s20] =	ssyncadd.s32 $0xFFFFC000  }
0x440: {  	_ =	swait.ge [sflag:s24], $0x4000  }
0x441: {  	s25 =	sadd.s32 $0x1, s25;
	s0 =	rddreg [dreg:$0x6]  }
0x442: {  	v52 =	vld [tilespmem:$0x1FE50];
	p0 =	sne.s32 s25, s0  }
.Ltmp14:
0x443: {  	v25 =	vld [tilespmem:$0x1FE80];
	(pc) =	sbr.rel @p0 .LBB2_1-.Ltmp14, $4  }
0x444: {  	v37 =	vld [tilespmem:$0x1FFB0]  }
0x445: {  	v47 =	vld [tilespmem:$0x1FFD0]  }
0x446: {  	v15 =	vmov v18;
	[sflag:s24] =	ssyncset.done $0x0;
	v18 =	vld [tilespmem:$0x1FF40]  }
0x447: {  	v14 =	vimm.s32 $0x0;
	v17 =	vmov v34;
	v16 =	vmov v19;
	v20 =	vld [tilespmem:$0x1FFC0];
	[sflag:s24] =	ssyncadd.s32 $0xFFFFC000  }
0x448: {  	_ =	sfence.sel $0x180000  }
0x449: {  	[bflag:$0x0] =	sbarrier.arrive $0xFFFF  }
0x44a: {  	_ =	strace $0x90000047  }
0x44b: {  	s0 =	stileid.u32;
	[bflag:$0x2] =	sbarrier.arrive $0xFFFF  }
0x44c: {  	p0 =	sne.s32 s0, $0x0;
	s0 =	rddreg [dreg:$0x2]  }
0x44d: {  	s0 =	sadd.s32 @!p0 $0x100000, s0  }
0x44e: {  	[sflag:s0] =	ssyncadd.tile.s32 @!p0 $0x1;
	_ =	shalt  }
.Lfunc_end2:
_tile_overlayer_lowered:
.L_overlay_start_2:
0x44f: {  	(tag) =	ssettag $0x2  }
0x450: {  	s0 =	rddreg [dreg:$0x0];
	s2 =	stileid.u32  }
0x451: {  	s1 =	rddreg [dreg:$0x1];
	p0 =	sne.s32 s2, $0x0  }
0x452: {  	s3 =	rddreg [dreg:$0x2];
	[bflag:$0x3] =	sbarrier.arrive $0xFFFF;
	s2 =	simm.s32 @!p0 $0x1C05  }
0x453: {  	[timem:s3], [sflag:s2] =	dma.local @!p0 [hbm:s0], s1  }
0x454: {  	s0 =	simm.s32 @!p0 $0x5  }
0x455: {  	_ =	swait.ge @!p0 [sflag:s0], s1  }
0x456: {  	s1 =	ssub.s32 @!p0 $0x0, s1;
	[sflag:s0] =	ssyncset.done @!p0 $0x0  }
0x457: {  	[sflag:s0] =	ssyncadd.s32 @!p0 s1  }
0x458: {  	[bflag:$0x3] =	sbarrier.arrive $0xFFFF  }
0x459: {  	_ =	shalt  }

</sc_bundles>
